<compile_context>
chip_gen: v7x
topology: tpu7x:2x2x1
jax: 0.10.2.dev20260603
libtpu: 0.0.44.dev20260713+nightly
codegen_flags: <defaults>
</compile_context>

<pallas_src>
import functools

import jax
import jax.numpy as jnp
from jax import lax
from jax.experimental import pallas as pl
from jax.experimental.pallas import tpu as pltpu
from jax.experimental.pallas import tpu_sc as plsc

B, N, NSYM = 16384, 200, 8
L = 16
NC, NS = 2, 16
NW = NC * NS
MOLS_PER_W = B // NW
MB = 128
NCHUNK = MOLS_PER_W // MB
NG = MB // L


def _sc_body(idx_hbm, c_hbm, w_hbm, out_hbm, wtab, ibuf, cbuf,
             si0, si1, sc0, sc1, so0, so1):
    wid = lax.axis_index("s") * NC + lax.axis_index("c")
    m0 = wid * MOLS_PER_W

    zf = jnp.zeros((L,), jnp.float32)
    sem_i = (si0, si1)
    sem_c = (sc0, sc1)
    sem_o = (so0, so1)

    def col(k):
        return pl.ds(m0 + k * MB, MB)

    def start_in(k):
        b = k % 2
        return (
            pltpu.async_copy(idx_hbm.at[:, col(k)], ibuf.at[b], sem_i[b]),
            pltpu.async_copy(c_hbm.at[:, col(k)], cbuf.at[b], sem_c[b]),
        )

    pending_in = {0: start_in(0)}
    pltpu.sync_copy(w_hbm, wtab.at[pl.ds(0, NSYM)])
    wreg = wtab[...]
    pending_out = {}
    for k in range(NCHUNK):
        b = k % 2
        if k + 1 < NCHUNK:
            if k - 1 in pending_out:
                pending_out.pop(k - 1).wait()
            pending_in[k + 1] = start_in(k + 1)
        cp_i, cp_c = pending_in.pop(k)
        cp_i.wait()
        cp_c.wait()

        def sum_body(n, accs, b=b):
            accs = list(accs)
            for g in range(NG):
                c = cbuf[b, n, pl.ds(L * g, L)]
                ix = plsc.bitcast(ibuf[b, n, pl.ds(L * g, L)], jnp.int32)
                w = jnp.take_along_axis(wreg, ix, axis=0)
                ac, aw = accs[g]
                accs[g] = (ac + c, aw + w)
            return tuple(accs)

        accs = lax.fori_loop(0, N, sum_body, tuple((zf, zf) for _ in range(NG)))
        scales = [(0.0 - ac) / aw for ac, aw in accs]

        def out_body(n, carry, b=b, scales=scales):
            for g in range(NG):
                c = cbuf[b, n, pl.ds(L * g, L)]
                ix = plsc.bitcast(ibuf[b, n, pl.ds(L * g, L)], jnp.int32)
                w = jnp.take_along_axis(wreg, ix, axis=0)
                ibuf[b, n, pl.ds(L * g, L)] = c + scales[g] * w
            return carry

        lax.fori_loop(0, N, out_body, 0)
        pending_out[k] = pltpu.async_copy(
            ibuf.at[b], out_hbm.at[:, col(k)], sem_o[b]
        )

    for k in sorted(pending_out):
        pending_out[k].wait()


def kernel(element_idxs, raw_charges, weights):
    mesh = plsc.VectorSubcoreMesh(core_axis_name="c", subcore_axis_name="s")
    f = pl.kernel(
        _sc_body,
        mesh=mesh,
        compiler_params=pltpu.CompilerParams(needs_layout_passes=False),
        out_type=jax.ShapeDtypeStruct((N, B), jnp.float32),
        scratch_types=[
            pltpu.VMEM((L,), jnp.float32),
            pltpu.VMEM((2, N, MB), jnp.float32),
            pltpu.VMEM((2, N, MB), jnp.float32),
            pltpu.SemaphoreType.DMA,
            pltpu.SemaphoreType.DMA,
            pltpu.SemaphoreType.DMA,
            pltpu.SemaphoreType.DMA,
            pltpu.SemaphoreType.DMA,
            pltpu.SemaphoreType.DMA,
        ],
    )
    out_t = f(element_idxs.T.view(jnp.float32), raw_charges.T, weights)
    return out_t.T

# --- scband reference (transcript-rebuilt; emitter-appended) ---
"""Pipeline reference for scband-charge-normalizer-24945170055477 (READ-ONLY COPY).

The authoritative reference and input builder live on the scoring server;
editing this copy changes nothing except your own understanding.
"""

import jax, jax.numpy as jnp
import numpy as np

B, N, NSYM = 16384, 200, 8

def setup_inputs(seed: int = 0) -> dict:
    key = jax.random.key(seed)
    k1, k2 = jax.random.split(key, 2)
    element_idxs = jax.random.randint(k1, (B, N), 0, NSYM, dtype=jnp.int32)
    raw_charges = jax.random.normal(k2, (B, N), dtype=jnp.float32)
    weights = jnp.asarray([1.0, 2.55, 3.04, 3.44, 3.98, 2.19, 2.58, 3.16], dtype=jnp.float32)
    return {"element_idxs": element_idxs, "raw_charges": raw_charges, "weights": weights}

def reference(element_idxs, raw_charges, weights):
    # scale_weights_by_charges_squared = False; total_charge = 0.0 (default)
    total_charge = 0.0
    total_raw_charge = jnp.sum(raw_charges, axis=-1, keepdims=True)
    charge_excess = total_charge - total_raw_charge
    # gather per-atom weights from the per-element weights buffer (embedding lookup)
    w = jnp.take(weights, element_idxs, axis=0)
    # masked_fill(element_idxs == -1, 0.0)
    w = jnp.where(element_idxs == -1, jnp.zeros_like(w), w)
    factor = w / jnp.sum(w, axis=-1, keepdims=True)
    return raw_charges + charge_excess * factor

if __name__ == "__main__":
    import jax
    _d = setup_inputs()
    print(jax.jit(kernel)(*tuple(_d.values())))

</pallas_src>

<mosaic_0001>
#map = affine_map<(d0, d1) -> (0, 0)>
#map1 = affine_map<(d0, d1) -> (0)>
module attributes {stable_mosaic.version = 14 : i64} {
  func.func @_sc_body(%arg0: i32, %arg1: i32, %arg2: memref<200x16384xf32, #tpu.memory_space<hbm>>, %arg3: memref<200x16384xf32, #tpu.memory_space<hbm>>, %arg4: memref<8xf32, #tpu.memory_space<hbm>>, %arg5: memref<200x16384xf32, #tpu.memory_space<hbm>>, %arg6: memref<16xf32, #tpu.memory_space<vmem>>, %arg7: memref<2x200x128xf32, #tpu.memory_space<vmem>>, %arg8: memref<2x200x128xf32, #tpu.memory_space<vmem>>, %arg9: memref<!tpu.dma_semaphore, #tpu.memory_space<semaphore_mem>>, %arg10: memref<!tpu.dma_semaphore, #tpu.memory_space<semaphore_mem>>, %arg11: memref<!tpu.dma_semaphore, #tpu.memory_space<semaphore_mem>>, %arg12: memref<!tpu.dma_semaphore, #tpu.memory_space<semaphore_mem>>, %arg13: memref<!tpu.dma_semaphore, #tpu.memory_space<semaphore_mem>>, %arg14: memref<!tpu.dma_semaphore, #tpu.memory_space<semaphore_mem>>) attributes {dimension_semantics = [#tpu.dimension_semantics<core_parallel>, #tpu.dimension_semantics<subcore_parallel>], iteration_bounds = array<i64: 2, 16>, scalar_prefetch = 0 : i64, scratch_operands = 9 : i64, tpu.core_type = #tpu.core_type<sc_vector_subcore>, window_params = [{transform_indices = #map}, {transform_indices = #map}, {transform_indices = #map1}, {transform_indices = #map}]} {
    %mul3A = arith.constant 2 : i32
    %mul3A_0 = arith.muli %arg1, %mul3A : i32
    %add3A = arith.addi %mul3A_0, %arg0 : i32
    %mul3A_1 = arith.constant 512 : i32
    %mul3A_2 = arith.muli %add3A, %mul3A_1 : i32
    %broadcast_in_dim3A = arith.constant 0.000000e+00 : f32
    %broadcast_in_dim3A_3 = vector.broadcast %broadcast_in_dim3A : f32 to vector<16xf32>
    %add3A_4 = arith.constant 0 : i32
    %add3A_5 = arith.addi %mul3A_2, %add3A_4 : i32
    %dma_start3A = arith.constant 0 : i32
    %dma_start3A_6 = arith.constant 0 : i32
    %dma_start3A_7 = arith.constant 0 : i32
    %dma_start3A_8 = tpu.memref_slice %arg7[%dma_start3A, %dma_start3A_6, %dma_start3A_7] : memref<2x200x128xf32, #tpu.memory_space<vmem>> -> memref<1x200x128xf32, #tpu.memory_space<vmem>>
    %dma_start3A_9 = tpu.memref_squeeze %dma_start3A_8 : memref<1x200x128xf32, #tpu.memory_space<vmem>> -> memref<200x128xf32, #tpu.memory_space<vmem>>
    %dma_start3A_10 = arith.constant 0 : i32
    %dma_start3A_11 = tpu.memref_slice %arg2[%dma_start3A_10, %add3A_5] : memref<200x16384xf32, #tpu.memory_space<hbm>> -> memref<200x128xf32, #tpu.memory_space<hbm>>
    %dma_start3A_12 = arith.constant 0 : i32
    %dma_start3A_13 = arith.constant 0 : i32
    %dma_start3A_14 = tpu.memref_slice %arg7[%dma_start3A, %dma_start3A_12, %dma_start3A_13] : memref<2x200x128xf32, #tpu.memory_space<vmem>> -> memref<1x200x128xf32, #tpu.memory_space<vmem>>
    %dma_start3A_15 = tpu.memref_squeeze %dma_start3A_14 : memref<1x200x128xf32, #tpu.memory_space<vmem>> -> memref<200x128xf32, #tpu.memory_space<vmem>>
    %dma_start3A_16 = arith.constant 0 : i32
    %dma_start3A_17 = tpu.memref_slice %arg2[%dma_start3A_16, %add3A_5] : memref<200x16384xf32, #tpu.memory_space<hbm>> -> memref<200x128xf32, #tpu.memory_space<hbm>>
    tpu.enqueue_dma source(%dma_start3A_17 : memref<200x128xf32, #tpu.memory_space<hbm>>) target(%dma_start3A_15 : memref<200x128xf32, #tpu.memory_space<vmem>>) target_semaphore(%arg9 : memref<!tpu.dma_semaphore, #tpu.memory_space<semaphore_mem>>)
    %add3A_18 = arith.constant 0 : i32
    %add3A_19 = arith.addi %mul3A_2, %add3A_18 : i32
    %dma_start3A_20 = arith.constant 0 : i32
    %dma_start3A_21 = arith.constant 0 : i32
    %dma_start3A_22 = arith.constant 0 : i32
    %dma_start3A_23 = tpu.memref_slice %arg8[%dma_start3A_20, %dma_start3A_21, %dma_start3A_22] : memref<2x200x128xf32, #tpu.memory_space<vmem>> -> memref<1x200x128xf32, #tpu.memory_space<vmem>>
    %dma_start3A_24 = tpu.memref_squeeze %dma_start3A_23 : memref<1x200x128xf32, #tpu.memory_space<vmem>> -> memref<200x128xf32, #tpu.memory_space<vmem>>
    %dma_start3A_25 = arith.constant 0 : i32
    %dma_start3A_26 = tpu.memref_slice %arg3[%dma_start3A_25, %add3A_19] : memref<200x16384xf32, #tpu.memory_space<hbm>> -> memref<200x128xf32, #tpu.memory_space<hbm>>
    %dma_start3A_27 = arith.constant 0 : i32
    %dma_start3A_28 = arith.constant 0 : i32
    %dma_start3A_29 = tpu.memref_slice %arg8[%dma_start3A_20, %dma_start3A_27, %dma_start3A_28] : memref<2x200x128xf32, #tpu.memory_space<vmem>> -> memref<1x200x128xf32, #tpu.memory_space<vmem>>
    %dma_start3A_30 = tpu.memref_squeeze %dma_start3A_29 : memref<1x200x128xf32, #tpu.memory_space<vmem>> -> memref<200x128xf32, #tpu.memory_space<vmem>>
    %dma_start3A_31 = arith.constant 0 : i32
    %dma_start3A_32 = tpu.memref_slice %arg3[%dma_start3A_31, %add3A_19] : memref<200x16384xf32, #tpu.memory_space<hbm>> -> memref<200x128xf32, #tpu.memory_space<hbm>>
    tpu.enqueue_dma source(%dma_start3A_32 : memref<200x128xf32, #tpu.memory_space<hbm>>) target(%dma_start3A_30 : memref<200x128xf32, #tpu.memory_space<vmem>>) target_semaphore(%arg11 : memref<!tpu.dma_semaphore, #tpu.memory_space<semaphore_mem>>)
    "tpu.region"() ({
      %run_scoped3A = tpu.sem_alloc : memref<!tpu.dma_semaphore, #tpu.memory_space<semaphore_mem>>
      %dma_start3A_512 = arith.constant 0 : i32
      %dma_start3A_513 = tpu.memref_slice %arg6[%dma_start3A_512] : memref<16xf32, #tpu.memory_space<vmem>> -> memref<8xf32, #tpu.memory_space<vmem>>
      %dma_start3A_514 = arith.constant 0 : i32
      %dma_start3A_515 = tpu.memref_slice %arg6[%dma_start3A_514] : memref<16xf32, #tpu.memory_space<vmem>> -> memref<8xf32, #tpu.memory_space<vmem>>
      tpu.enqueue_dma source(%arg4 : memref<8xf32, #tpu.memory_space<hbm>>) target(%dma_start3A_515 : memref<8xf32, #tpu.memory_space<vmem>>) target_semaphore(%run_scoped3A : memref<!tpu.dma_semaphore, #tpu.memory_space<semaphore_mem>>)
      %dma_wait3A_516 = arith.constant 0 : i32
      %dma_wait3A_517 = tpu.memref_slice %arg6[%dma_wait3A_516] : memref<16xf32, #tpu.memory_space<vmem>> -> memref<8xf32, #tpu.memory_space<vmem>>
      %dma_wait3A_518 = arith.constant 0 : i32
      %dma_wait3A_519 = tpu.memref_slice %arg6[%dma_wait3A_518] : memref<16xf32, #tpu.memory_space<vmem>> -> memref<8xf32, #tpu.memory_space<vmem>>
      tpu.wait_dma2 semaphore(%run_scoped3A : memref<!tpu.dma_semaphore, #tpu.memory_space<semaphore_mem>>) src(%arg4 : memref<8xf32, #tpu.memory_space<hbm>>) dst(%dma_wait3A_519 : memref<8xf32, #tpu.memory_space<vmem>>)
      tpu.yield
    }) : () -> ()
    %get3A = arith.constant 0 : index
    %get3A_33 = tpu.vector_load %arg6[%get3A] {strides = array<i32>} : memref<16xf32, #tpu.memory_space<vmem>>, vector<16xf32>,
    %add3A_34 = arith.constant 128 : i32
    %add3A_35 = arith.addi %mul3A_2, %add3A_34 : i32
    %dma_start3A_36 = arith.constant 1 : i32
    %dma_start3A_37 = arith.constant 0 : i32
    %dma_start3A_38 = arith.constant 0 : i32
    %dma_start3A_39 = tpu.memref_slice %arg7[%dma_start3A_36, %dma_start3A_37, %dma_start3A_38] : memref<2x200x128xf32, #tpu.memory_space<vmem>> -> memref<1x200x128xf32, #tpu.memory_space<vmem>>
    %dma_start3A_40 = tpu.memref_squeeze %dma_start3A_39 : memref<1x200x128xf32, #tpu.memory_space<vmem>> -> memref<200x128xf32, #tpu.memory_space<vmem>>
    %dma_start3A_41 = arith.constant 0 : i32
    %dma_start3A_42 = tpu.memref_slice %arg2[%dma_start3A_41, %add3A_35] : memref<200x16384xf32, #tpu.memory_space<hbm>> -> memref<200x128xf32, #tpu.memory_space<hbm>>
    %dma_start3A_43 = arith.constant 0 : i32
    %dma_start3A_44 = arith.constant 0 : i32
    %dma_start3A_45 = tpu.memref_slice %arg7[%dma_start3A_36, %dma_start3A_43, %dma_start3A_44] : memref<2x200x128xf32, #tpu.memory_space<vmem>> -> memref<1x200x128xf32, #tpu.memory_space<vmem>>
    %dma_start3A_46 = tpu.memref_squeeze %dma_start3A_45 : memref<1x200x128xf32, #tpu.memory_space<vmem>> -> memref<200x128xf32, #tpu.memory_space<vmem>>
    %dma_start3A_47 = arith.constant 0 : i32
    %dma_start3A_48 = tpu.memref_slice %arg2[%dma_start3A_47, %add3A_35] : memref<200x16384xf32, #tpu.memory_space<hbm>> -> memref<200x128xf32, #tpu.memory_space<hbm>>
    tpu.enqueue_dma source(%dma_start3A_48 : memref<200x128xf32, #tpu.memory_space<hbm>>) target(%dma_start3A_46 : memref<200x128xf32, #tpu.memory_space<vmem>>) target_semaphore(%arg10 : memref<!tpu.dma_semaphore, #tpu.memory_space<semaphore_mem>>)
    %add3A_49 = arith.constant 128 : i32
    %add3A_50 = arith.addi %mul3A_2, %add3A_49 : i32
    %dma_start3A_51 = arith.constant 1 : i32
    %dma_start3A_52 = arith.constant 0 : i32
    %dma_start3A_53 = arith.constant 0 : i32
    %dma_start3A_54 = tpu.memref_slice %arg8[%dma_start3A_51, %dma_start3A_52, %dma_start3A_53] : memref<2x200x128xf32, #tpu.memory_space<vmem>> -> memref<1x200x128xf32, #tpu.memory_space<vmem>>
    %dma_start3A_55 = tpu.memref_squeeze %dma_start3A_54 : memref<1x200x128xf32, #tpu.memory_space<vmem>> -> memref<200x128xf32, #tpu.memory_space<vmem>>
    %dma_start3A_56 = arith.constant 0 : i32
    %dma_start3A_57 = tpu.memref_slice %arg3[%dma_start3A_56, %add3A_50] : memref<200x16384xf32, #tpu.memory_space<hbm>> -> memref<200x128xf32, #tpu.memory_space<hbm>>
    %dma_start3A_58 = arith.constant 0 : i32
    %dma_start3A_59 = arith.constant 0 : i32
    %dma_start3A_60 = tpu.memref_slice %arg8[%dma_start3A_51, %dma_start3A_58, %dma_start3A_59] : memref<2x200x128xf32, #tpu.memory_space<vmem>> -> memref<1x200x128xf32, #tpu.memory_space<vmem>>
    %dma_start3A_61 = tpu.memref_squeeze %dma_start3A_60 : memref<1x200x128xf32, #tpu.memory_space<vmem>> -> memref<200x128xf32, #tpu.memory_space<vmem>>
    %dma_start3A_62 = arith.constant 0 : i32
    %dma_start3A_63 = tpu.memref_slice %arg3[%dma_start3A_62, %add3A_50] : memref<200x16384xf32, #tpu.memory_space<hbm>> -> memref<200x128xf32, #tpu.memory_space<hbm>>
    tpu.enqueue_dma source(%dma_start3A_63 : memref<200x128xf32, #tpu.memory_space<hbm>>) target(%dma_start3A_61 : memref<200x128xf32, #tpu.memory_space<vmem>>) target_semaphore(%arg12 : memref<!tpu.dma_semaphore, #tpu.memory_space<semaphore_mem>>)
    %dma_wait3A = arith.constant 0 : i32
    %dma_wait3A_64 = arith.constant 0 : i32
    %dma_wait3A_65 = arith.constant 0 : i32
    %dma_wait3A_66 = tpu.memref_slice %arg7[%dma_wait3A, %dma_wait3A_64, %dma_wait3A_65] : memref<2x200x128xf32, #tpu.memory_space<vmem>> -> memref<1x200x128xf32, #tpu.memory_space<vmem>>
    %dma_wait3A_67 = tpu.memref_squeeze %dma_wait3A_66 : memref<1x200x128xf32, #tpu.memory_space<vmem>> -> memref<200x128xf32, #tpu.memory_space<vmem>>
    %dma_wait3A_68 = arith.constant 0 : i32
    %dma_wait3A_69 = tpu.memref_slice %arg2[%dma_wait3A_68, %add3A_5] : memref<200x16384xf32, #tpu.memory_space<hbm>> -> memref<200x128xf32, #tpu.memory_space<hbm>>
    %dma_wait3A_70 = arith.constant 0 : i32
    %dma_wait3A_71 = arith.constant 0 : i32
    %dma_wait3A_72 = tpu.memref_slice %arg7[%dma_wait3A, %dma_wait3A_70, %dma_wait3A_71] : memref<2x200x128xf32, #tpu.memory_space<vmem>> -> memref<1x200x128xf32, #tpu.memory_space<vmem>>
    %dma_wait3A_73 = tpu.memref_squeeze %dma_wait3A_72 : memref<1x200x128xf32, #tpu.memory_space<vmem>> -> memref<200x128xf32, #tpu.memory_space<vmem>>
    %dma_wait3A_74 = arith.constant 0 : i32
    %dma_wait3A_75 = tpu.memref_slice %arg2[%dma_wait3A_74, %add3A_5] : memref<200x16384xf32, #tpu.memory_space<hbm>> -> memref<200x128xf32, #tpu.memory_space<hbm>>
    tpu.wait_dma2 semaphore(%arg9 : memref<!tpu.dma_semaphore, #tpu.memory_space<semaphore_mem>>) src(%dma_wait3A_75 : memref<200x128xf32, #tpu.memory_space<hbm>>) dst(%dma_wait3A_73 : memref<200x128xf32, #tpu.memory_space<vmem>>)
    %dma_wait3A_76 = arith.constant 0 : i32
    %dma_wait3A_77 = arith.constant 0 : i32
    %dma_wait3A_78 = arith.constant 0 : i32
    %dma_wait3A_79 = tpu.memref_slice %arg8[%dma_wait3A_76, %dma_wait3A_77, %dma_wait3A_78] : memref<2x200x128xf32, #tpu.memory_space<vmem>> -> memref<1x200x128xf32, #tpu.memory_space<vmem>>
    %dma_wait3A_80 = tpu.memref_squeeze %dma_wait3A_79 : memref<1x200x128xf32, #tpu.memory_space<vmem>> -> memref<200x128xf32, #tpu.memory_space<vmem>>
    %dma_wait3A_81 = arith.constant 0 : i32
    %dma_wait3A_82 = tpu.memref_slice %arg3[%dma_wait3A_81, %add3A_19] : memref<200x16384xf32, #tpu.memory_space<hbm>> -> memref<200x128xf32, #tpu.memory_space<hbm>>
    %dma_wait3A_83 = arith.constant 0 : i32
    %dma_wait3A_84 = arith.constant 0 : i32
    %dma_wait3A_85 = tpu.memref_slice %arg8[%dma_wait3A_76, %dma_wait3A_83, %dma_wait3A_84] : memref<2x200x128xf32, #tpu.memory_space<vmem>> -> memref<1x200x128xf32, #tpu.memory_space<vmem>>
    %dma_wait3A_86 = tpu.memref_squeeze %dma_wait3A_85 : memref<1x200x128xf32, #tpu.memory_space<vmem>> -> memref<200x128xf32, #tpu.memory_space<vmem>>
    %dma_wait3A_87 = arith.constant 0 : i32
    %dma_wait3A_88 = tpu.memref_slice %arg3[%dma_wait3A_87, %add3A_19] : memref<200x16384xf32, #tpu.memory_space<hbm>> -> memref<200x128xf32, #tpu.memory_space<hbm>>
    tpu.wait_dma2 semaphore(%arg11 : memref<!tpu.dma_semaphore, #tpu.memory_space<semaphore_mem>>) src(%dma_wait3A_88 : memref<200x128xf32, #tpu.memory_space<hbm>>) dst(%dma_wait3A_86 : memref<200x128xf32, #tpu.memory_space<vmem>>)
    %scan3A = arith.constant 0 : i32
    %scan3A_89 = arith.constant 200 : i32
    %scan3A_90 = arith.addi %scan3A, %scan3A_89 : i32
    %scan3A_91 = arith.constant 1 : i32
    %scan3A_92:16 = scf.for %scan3A_512 = %scan3A to %scan3A_90 step %scan3A_91 iter_args(%scan3A_513 = %broadcast_in_dim3A_3, %scan3A_514 = %broadcast_in_dim3A_3, %scan3A_515 = %broadcast_in_dim3A_3, %scan3A_516 = %broadcast_in_dim3A_3, %scan3A_517 = %broadcast_in_dim3A_3, %scan3A_518 = %broadcast_in_dim3A_3, %scan3A_519 = %broadcast_in_dim3A_3, %scan3A_520 = %broadcast_in_dim3A_3, %scan3A_521 = %broadcast_in_dim3A_3, %scan3A_522 = %broadcast_in_dim3A_3, %scan3A_523 = %broadcast_in_dim3A_3, %scan3A_524 = %broadcast_in_dim3A_3, %scan3A_525 = %broadcast_in_dim3A_3, %scan3A_526 = %broadcast_in_dim3A_3, %scan3A_527 = %broadcast_in_dim3A_3, %scan3A_528 = %broadcast_in_dim3A_3) -> (vector<16xf32>, vector<16xf32>, vector<16xf32>, vector<16xf32>, vector<16xf32>, vector<16xf32>, vector<16xf32>, vector<16xf32>, vector<16xf32>, vector<16xf32>, vector<16xf32>, vector<16xf32>, vector<16xf32>, vector<16xf32>, vector<16xf32>, vector<16xf32>)  : i32 {
      %get3A_529 = arith.constant 0 : i32
      %get3A_530 = arith.index_cast %get3A_529 : i32 to index
      %get3A_531 = arith.index_cast %scan3A_512 : i32 to index
      %get3A_532 = arith.constant 0 : index
      %get3A_533 = tpu.vector_load %arg8[%get3A_530, %get3A_531, %get3A_532] {strides = array<i32>} : memref<2x200x128xf32, #tpu.memory_space<vmem>>, vector<16xf32>,
      %get3A_534 = arith.constant 0 : i32
      %get3A_535 = arith.index_cast %get3A_534 : i32 to index
      %get3A_536 = arith.index_cast %scan3A_512 : i32 to index
      %get3A_537 = arith.constant 0 : index
      %get3A_538 = tpu.vector_load %arg7[%get3A_535, %get3A_536, %get3A_537] {strides = array<i32>} : memref<2x200x128xf32, #tpu.memory_space<vmem>>, vector<16xf32>,
      %bitcast3A = vector.bitcast %get3A_538 : vector<16xf32> to vector<16xi32>
      %lt3A = arith.constant 0 : i32
      %lt3A_539 = vector.broadcast %lt3A : i32 to vector<16xi32>
      %lt3A_540 = arith.cmpi slt, %bitcast3A, %lt3A_539 : vector<16xi32>
      %add3A_541 = arith.constant 16 : i32
      %add3A_542 = vector.broadcast %add3A_541 : i32 to vector<16xi32>
      %add3A_543 = arith.addi %bitcast3A, %add3A_542 : vector<16xi32>
      %select_n3A = arith.select %lt3A_540, %add3A_543, %bitcast3A : vector<16xi1>, vector<16xi32>
      %reshape3A = vector.shape_cast %select_n3A : vector<16xi32> to vector<16x1xi32>
      %gather3A = vector.shape_cast %reshape3A : vector<16x1xi32> to vector<16xi32>
      %gather3A_544 = tpu.dynamic_gather %get3A_33[%gather3A] in [0] : vector<16xf32>, vector<16xi32> -> vector<16xf32>
      %add3A_545 = arith.addf %scan3A_513, %get3A_533 : vector<16xf32>
      %add3A_546 = arith.addf %scan3A_514, %gather3A_544 : vector<16xf32>
      %get3A_547 = arith.constant 0 : i32
      %get3A_548 = arith.index_cast %get3A_547 : i32 to index
      %get3A_549 = arith.index_cast %scan3A_512 : i32 to index
      %get3A_550 = arith.constant 16 : index
      %get3A_551 = tpu.vector_load %arg8[%get3A_548, %get3A_549, %get3A_550] {strides = array<i32>} : memref<2x200x128xf32, #tpu.memory_space<vmem>>, vector<16xf32>,
      %get3A_552 = arith.constant 0 : i32
      %get3A_553 = arith.index_cast %get3A_552 : i32 to index
      %get3A_554 = arith.index_cast %scan3A_512 : i32 to index
      %get3A_555 = arith.constant 16 : index
      %get3A_556 = tpu.vector_load %arg7[%get3A_553, %get3A_554, %get3A_555] {strides = array<i32>} : memref<2x200x128xf32, #tpu.memory_space<vmem>>, vector<16xf32>,
      %bitcast3A_557 = vector.bitcast %get3A_556 : vector<16xf32> to vector<16xi32>
      %lt3A_558 = arith.constant 0 : i32
      %lt3A_559 = vector.broadcast %lt3A_558 : i32 to vector<16xi32>
      %lt3A_560 = arith.cmpi slt, %bitcast3A_557, %lt3A_559 : vector<16xi32>
      %add3A_561 = arith.constant 16 : i32
      %add3A_562 = vector.broadcast %add3A_561 : i32 to vector<16xi32>
      %add3A_563 = arith.addi %bitcast3A_557, %add3A_562 : vector<16xi32>
      %select_n3A_564 = arith.select %lt3A_560, %add3A_563, %bitcast3A_557 : vector<16xi1>, vector<16xi32>
      %reshape3A_565 = vector.shape_cast %select_n3A_564 : vector<16xi32> to vector<16x1xi32>
      %gather3A_566 = vector.shape_cast %reshape3A_565 : vector<16x1xi32> to vector<16xi32>
      %gather3A_567 = tpu.dynamic_gather %get3A_33[%gather3A_566] in [0] : vector<16xf32>, vector<16xi32> -> vector<16xf32>
      %add3A_568 = arith.addf %scan3A_515, %get3A_551 : vector<16xf32>
      %add3A_569 = arith.addf %scan3A_516, %gather3A_567 : vector<16xf32>
      %get3A_570 = arith.constant 0 : i32
      %get3A_571 = arith.index_cast %get3A_570 : i32 to index
      %get3A_572 = arith.index_cast %scan3A_512 : i32 to index
      %get3A_573 = arith.constant 32 : index
      %get3A_574 = tpu.vector_load %arg8[%get3A_571, %get3A_572, %get3A_573] {strides = array<i32>} : memref<2x200x128xf32, #tpu.memory_space<vmem>>, vector<16xf32>,
      %get3A_575 = arith.constant 0 : i32
      %get3A_576 = arith.index_cast %get3A_575 : i32 to index
      %get3A_577 = arith.index_cast %scan3A_512 : i32 to index
      %get3A_578 = arith.constant 32 : index
      %get3A_579 = tpu.vector_load %arg7[%get3A_576, %get3A_577, %get3A_578] {strides = array<i32>} : memref<2x200x128xf32, #tpu.memory_space<vmem>>, vector<16xf32>,
      %bitcast3A_580 = vector.bitcast %get3A_579 : vector<16xf32> to vector<16xi32>
      %lt3A_581 = arith.constant 0 : i32
      %lt3A_582 = vector.broadcast %lt3A_581 : i32 to vector<16xi32>
      %lt3A_583 = arith.cmpi slt, %bitcast3A_580, %lt3A_582 : vector<16xi32>
      %add3A_584 = arith.constant 16 : i32
      %add3A_585 = vector.broadcast %add3A_584 : i32 to vector<16xi32>
      %add3A_586 = arith.addi %bitcast3A_580, %add3A_585 : vector<16xi32>
      %select_n3A_587 = arith.select %lt3A_583, %add3A_586, %bitcast3A_580 : vector<16xi1>, vector<16xi32>
      %reshape3A_588 = vector.shape_cast %select_n3A_587 : vector<16xi32> to vector<16x1xi32>
      %gather3A_589 = vector.shape_cast %reshape3A_588 : vector<16x1xi32> to vector<16xi32>
      %gather3A_590 = tpu.dynamic_gather %get3A_33[%gather3A_589] in [0] : vector<16xf32>, vector<16xi32> -> vector<16xf32>
      %add3A_591 = arith.addf %scan3A_517, %get3A_574 : vector<16xf32>
      %add3A_592 = arith.addf %scan3A_518, %gather3A_590 : vector<16xf32>
      %get3A_593 = arith.constant 0 : i32
      %get3A_594 = arith.index_cast %get3A_593 : i32 to index
      %get3A_595 = arith.index_cast %scan3A_512 : i32 to index
      %get3A_596 = arith.constant 48 : index
      %get3A_597 = tpu.vector_load %arg8[%get3A_594, %get3A_595, %get3A_596] {strides = array<i32>} : memref<2x200x128xf32, #tpu.memory_space<vmem>>, vector<16xf32>,
      %get3A_598 = arith.constant 0 : i32
      %get3A_599 = arith.index_cast %get3A_598 : i32 to index
      %get3A_600 = arith.index_cast %scan3A_512 : i32 to index
      %get3A_601 = arith.constant 48 : index
      %get3A_602 = tpu.vector_load %arg7[%get3A_599, %get3A_600, %get3A_601] {strides = array<i32>} : memref<2x200x128xf32, #tpu.memory_space<vmem>>, vector<16xf32>,
      %bitcast3A_603 = vector.bitcast %get3A_602 : vector<16xf32> to vector<16xi32>
      %lt3A_604 = arith.constant 0 : i32
      %lt3A_605 = vector.broadcast %lt3A_604 : i32 to vector<16xi32>
      %lt3A_606 = arith.cmpi slt, %bitcast3A_603, %lt3A_605 : vector<16xi32>
      %add3A_607 = arith.constant 16 : i32
      %add3A_608 = vector.broadcast %add3A_607 : i32 to vector<16xi32>
      %add3A_609 = arith.addi %bitcast3A_603, %add3A_608 : vector<16xi32>
      %select_n3A_610 = arith.select %lt3A_606, %add3A_609, %bitcast3A_603 : vector<16xi1>, vector<16xi32>
      %reshape3A_611 = vector.shape_cast %select_n3A_610 : vector<16xi32> to vector<16x1xi32>
      %gather3A_612 = vector.shape_cast %reshape3A_611 : vector<16x1xi32> to vector<16xi32>
      %gather3A_613 = tpu.dynamic_gather %get3A_33[%gather3A_612] in [0] : vector<16xf32>, vector<16xi32> -> vector<16xf32>
      %add3A_614 = arith.addf %scan3A_519, %get3A_597 : vector<16xf32>
      %add3A_615 = arith.addf %scan3A_520, %gather3A_613 : vector<16xf32>
      %get3A_616 = arith.constant 0 : i32
      %get3A_617 = arith.index_cast %get3A_616 : i32 to index
      %get3A_618 = arith.index_cast %scan3A_512 : i32 to index
      %get3A_619 = arith.constant 64 : index
      %get3A_620 = tpu.vector_load %arg8[%get3A_617, %get3A_618, %get3A_619] {strides = array<i32>} : memref<2x200x128xf32, #tpu.memory_space<vmem>>, vector<16xf32>,
      %get3A_621 = arith.constant 0 : i32
      %get3A_622 = arith.index_cast %get3A_621 : i32 to index
      %get3A_623 = arith.index_cast %scan3A_512 : i32 to index
      %get3A_624 = arith.constant 64 : index
      %get3A_625 = tpu.vector_load %arg7[%get3A_622, %get3A_623, %get3A_624] {strides = array<i32>} : memref<2x200x128xf32, #tpu.memory_space<vmem>>, vector<16xf32>,
      %bitcast3A_626 = vector.bitcast %get3A_625 : vector<16xf32> to vector<16xi32>
      %lt3A_627 = arith.constant 0 : i32
      %lt3A_628 = vector.broadcast %lt3A_627 : i32 to vector<16xi32>
      %lt3A_629 = arith.cmpi slt, %bitcast3A_626, %lt3A_628 : vector<16xi32>
      %add3A_630 = arith.constant 16 : i32
      %add3A_631 = vector.broadcast %add3A_630 : i32 to vector<16xi32>
      %add3A_632 = arith.addi %bitcast3A_626, %add3A_631 : vector<16xi32>
      %select_n3A_633 = arith.select %lt3A_629, %add3A_632, %bitcast3A_626 : vector<16xi1>, vector<16xi32>
      %reshape3A_634 = vector.shape_cast %select_n3A_633 : vector<16xi32> to vector<16x1xi32>
      %gather3A_635 = vector.shape_cast %reshape3A_634 : vector<16x1xi32> to vector<16xi32>
      %gather3A_636 = tpu.dynamic_gather %get3A_33[%gather3A_635] in [0] : vector<16xf32>, vector<16xi32> -> vector<16xf32>
      %add3A_637 = arith.addf %scan3A_521, %get3A_620 : vector<16xf32>
      %add3A_638 = arith.addf %scan3A_522, %gather3A_636 : vector<16xf32>
      %get3A_639 = arith.constant 0 : i32
      %get3A_640 = arith.index_cast %get3A_639 : i32 to index
      %get3A_641 = arith.index_cast %scan3A_512 : i32 to index
      %get3A_642 = arith.constant 80 : index
      %get3A_643 = tpu.vector_load %arg8[%get3A_640, %get3A_641, %get3A_642] {strides = array<i32>} : memref<2x200x128xf32, #tpu.memory_space<vmem>>, vector<16xf32>,
      %get3A_644 = arith.constant 0 : i32
      %get3A_645 = arith.index_cast %get3A_644 : i32 to index
      %get3A_646 = arith.index_cast %scan3A_512 : i32 to index
      %get3A_647 = arith.constant 80 : index
      %get3A_648 = tpu.vector_load %arg7[%get3A_645, %get3A_646, %get3A_647] {strides = array<i32>} : memref<2x200x128xf32, #tpu.memory_space<vmem>>, vector<16xf32>,
      %bitcast3A_649 = vector.bitcast %get3A_648 : vector<16xf32> to vector<16xi32>
      %lt3A_650 = arith.constant 0 : i32
      %lt3A_651 = vector.broadcast %lt3A_650 : i32 to vector<16xi32>
      %lt3A_652 = arith.cmpi slt, %bitcast3A_649, %lt3A_651 : vector<16xi32>
      %add3A_653 = arith.constant 16 : i32
      %add3A_654 = vector.broadcast %add3A_653 : i32 to vector<16xi32>
      %add3A_655 = arith.addi %bitcast3A_649, %add3A_654 : vector<16xi32>
      %select_n3A_656 = arith.select %lt3A_652, %add3A_655, %bitcast3A_649 : vector<16xi1>, vector<16xi32>
      %reshape3A_657 = vector.shape_cast %select_n3A_656 : vector<16xi32> to vector<16x1xi32>
      %gather3A_658 = vector.shape_cast %reshape3A_657 : vector<16x1xi32> to vector<16xi32>
      %gather3A_659 = tpu.dynamic_gather %get3A_33[%gather3A_658] in [0] : vector<16xf32>, vector<16xi32> -> vector<16xf32>
      %add3A_660 = arith.addf %scan3A_523, %get3A_643 : vector<16xf32>
      %add3A_661 = arith.addf %scan3A_524, %gather3A_659 : vector<16xf32>
      %get3A_662 = arith.constant 0 : i32
      %get3A_663 = arith.index_cast %get3A_662 : i32 to index
      %get3A_664 = arith.index_cast %scan3A_512 : i32 to index
      %get3A_665 = arith.constant 96 : index
      %get3A_666 = tpu.vector_load %arg8[%get3A_663, %get3A_664, %get3A_665] {strides = array<i32>} : memref<2x200x128xf32, #tpu.memory_space<vmem>>, vector<16xf32>,
      %get3A_667 = arith.constant 0 : i32
      %get3A_668 = arith.index_cast %get3A_667 : i32 to index
      %get3A_669 = arith.index_cast %scan3A_512 : i32 to index
      %get3A_670 = arith.constant 96 : index
      %get3A_671 = tpu.vector_load %arg7[%get3A_668, %get3A_669, %get3A_670] {strides = array<i32>} : memref<2x200x128xf32, #tpu.memory_space<vmem>>, vector<16xf32>,
      %bitcast3A_672 = vector.bitcast %get3A_671 : vector<16xf32> to vector<16xi32>
      %lt3A_673 = arith.constant 0 : i32
      %lt3A_674 = vector.broadcast %lt3A_673 : i32 to vector<16xi32>
      %lt3A_675 = arith.cmpi slt, %bitcast3A_672, %lt3A_674 : vector<16xi32>
      %add3A_676 = arith.constant 16 : i32
      %add3A_677 = vector.broadcast %add3A_676 : i32 to vector<16xi32>
      %add3A_678 = arith.addi %bitcast3A_672, %add3A_677 : vector<16xi32>
      %select_n3A_679 = arith.select %lt3A_675, %add3A_678, %bitcast3A_672 : vector<16xi1>, vector<16xi32>
      %reshape3A_680 = vector.shape_cast %select_n3A_679 : vector<16xi32> to vector<16x1xi32>
      %gather3A_681 = vector.shape_cast %reshape3A_680 : vector<16x1xi32> to vector<16xi32>
      %gather3A_682 = tpu.dynamic_gather %get3A_33[%gather3A_681] in [0] : vector<16xf32>, vector<16xi32> -> vector<16xf32>
      %add3A_683 = arith.addf %scan3A_525, %get3A_666 : vector<16xf32>
      %add3A_684 = arith.addf %scan3A_526, %gather3A_682 : vector<16xf32>
      %get3A_685 = arith.constant 0 : i32
      %get3A_686 = arith.index_cast %get3A_685 : i32 to index
      %get3A_687 = arith.index_cast %scan3A_512 : i32 to index
      %get3A_688 = arith.constant 112 : index
      %get3A_689 = tpu.vector_load %arg8[%get3A_686, %get3A_687, %get3A_688] {strides = array<i32>} : memref<2x200x128xf32, #tpu.memory_space<vmem>>, vector<16xf32>,
      %get3A_690 = arith.constant 0 : i32
      %get3A_691 = arith.index_cast %get3A_690 : i32 to index
      %get3A_692 = arith.index_cast %scan3A_512 : i32 to index
      %get3A_693 = arith.constant 112 : index
      %get3A_694 = tpu.vector_load %arg7[%get3A_691, %get3A_692, %get3A_693] {strides = array<i32>} : memref<2x200x128xf32, #tpu.memory_space<vmem>>, vector<16xf32>,
      %bitcast3A_695 = vector.bitcast %get3A_694 : vector<16xf32> to vector<16xi32>
      %lt3A_696 = arith.constant 0 : i32
      %lt3A_697 = vector.broadcast %lt3A_696 : i32 to vector<16xi32>
      %lt3A_698 = arith.cmpi slt, %bitcast3A_695, %lt3A_697 : vector<16xi32>
      %add3A_699 = arith.constant 16 : i32
      %add3A_700 = vector.broadcast %add3A_699 : i32 to vector<16xi32>
      %add3A_701 = arith.addi %bitcast3A_695, %add3A_700 : vector<16xi32>
      %select_n3A_702 = arith.select %lt3A_698, %add3A_701, %bitcast3A_695 : vector<16xi1>, vector<16xi32>
      %reshape3A_703 = vector.shape_cast %select_n3A_702 : vector<16xi32> to vector<16x1xi32>
      %gather3A_704 = vector.shape_cast %reshape3A_703 : vector<16x1xi32> to vector<16xi32>
      %gather3A_705 = tpu.dynamic_gather %get3A_33[%gather3A_704] in [0] : vector<16xf32>, vector<16xi32> -> vector<16xf32>
      %add3A_706 = arith.addf %scan3A_527, %get3A_689 : vector<16xf32>
      %add3A_707 = arith.addf %scan3A_528, %gather3A_705 : vector<16xf32>
      scf.yield %add3A_545, %add3A_546, %add3A_568, %add3A_569, %add3A_591, %add3A_592, %add3A_614, %add3A_615, %add3A_637, %add3A_638, %add3A_660, %add3A_661, %add3A_683, %add3A_684, %add3A_706, %add3A_707 : vector<16xf32>, vector<16xf32>, vector<16xf32>, vector<16xf32>, vector<16xf32>, vector<16xf32>, vector<16xf32>, vector<16xf32>, vector<16xf32>, vector<16xf32>, vector<16xf32>, vector<16xf32>, vector<16xf32>, vector<16xf32>, vector<16xf32>, vector<16xf32>
    }
    %scan3A_93 = arith.constant 200 : i32
    %sub3A = arith.constant 0.000000e+00 : f32
    %sub3A_94 = vector.broadcast %sub3A : f32 to vector<16xf32>
    %sub3A_95 = arith.subf %sub3A_94, %scan3A_92#0 : vector<16xf32>
    %div3A = arith.divf %sub3A_95, %scan3A_92#1 : vector<16xf32>
    %sub3A_96 = arith.constant 0.000000e+00 : f32
    %sub3A_97 = vector.broadcast %sub3A_96 : f32 to vector<16xf32>
    %sub3A_98 = arith.subf %sub3A_97, %scan3A_92#2 : vector<16xf32>
    %div3A_99 = arith.divf %sub3A_98, %scan3A_92#3 : vector<16xf32>
    %sub3A_100 = arith.constant 0.000000e+00 : f32
    %sub3A_101 = vector.broadcast %sub3A_100 : f32 to vector<16xf32>
    %sub3A_102 = arith.subf %sub3A_101, %scan3A_92#4 : vector<16xf32>
    %div3A_103 = arith.divf %sub3A_102, %scan3A_92#5 : vector<16xf32>
    %sub3A_104 = arith.constant 0.000000e+00 : f32
    %sub3A_105 = vector.broadcast %sub3A_104 : f32 to vector<16xf32>
    %sub3A_106 = arith.subf %sub3A_105, %scan3A_92#6 : vector<16xf32>
    %div3A_107 = arith.divf %sub3A_106, %scan3A_92#7 : vector<16xf32>
    %sub3A_108 = arith.constant 0.000000e+00 : f32
    %sub3A_109 = vector.broadcast %sub3A_108 : f32 to vector<16xf32>
    %sub3A_110 = arith.subf %sub3A_109, %scan3A_92#8 : vector<16xf32>
    %div3A_111 = arith.divf %sub3A_110, %scan3A_92#9 : vector<16xf32>
    %sub3A_112 = arith.constant 0.000000e+00 : f32
    %sub3A_113 = vector.broadcast %sub3A_112 : f32 to vector<16xf32>
    %sub3A_114 = arith.subf %sub3A_113, %scan3A_92#10 : vector<16xf32>
    %div3A_115 = arith.divf %sub3A_114, %scan3A_92#11 : vector<16xf32>
    %sub3A_116 = arith.constant 0.000000e+00 : f32
    %sub3A_117 = vector.broadcast %sub3A_116 : f32 to vector<16xf32>
    %sub3A_118 = arith.subf %sub3A_117, %scan3A_92#12 : vector<16xf32>
    %div3A_119 = arith.divf %sub3A_118, %scan3A_92#13 : vector<16xf32>
    %sub3A_120 = arith.constant 0.000000e+00 : f32
    %sub3A_121 = vector.broadcast %sub3A_120 : f32 to vector<16xf32>
    %sub3A_122 = arith.subf %sub3A_121, %scan3A_92#14 : vector<16xf32>
    %div3A_123 = arith.divf %sub3A_122, %scan3A_92#15 : vector<16xf32>
    %scan3A_124 = arith.constant 0 : i32
    %scan3A_125 = arith.constant 0 : i32
    %scan3A_126 = arith.constant 200 : i32
    %scan3A_127 = arith.addi %scan3A_125, %scan3A_126 : i32
    %scan3A_128 = arith.constant 1 : i32
    scf.for %scan3A_512 = %scan3A_125 to %scan3A_127 step %scan3A_128  : i32 {
      %get3A_513 = arith.constant 0 : i32
      %get3A_514 = arith.index_cast %get3A_513 : i32 to index
      %get3A_515 = arith.index_cast %scan3A_512 : i32 to index
      %get3A_516 = arith.constant 0 : index
      %get3A_517 = tpu.vector_load %arg8[%get3A_514, %get3A_515, %get3A_516] {strides = array<i32>} : memref<2x200x128xf32, #tpu.memory_space<vmem>>, vector<16xf32>,
      %get3A_518 = arith.constant 0 : i32
      %get3A_519 = arith.index_cast %get3A_518 : i32 to index
      %get3A_520 = arith.index_cast %scan3A_512 : i32 to index
      %get3A_521 = arith.constant 0 : index
      %get3A_522 = tpu.vector_load %arg7[%get3A_519, %get3A_520, %get3A_521] {strides = array<i32>} : memref<2x200x128xf32, #tpu.memory_space<vmem>>, vector<16xf32>,
      %bitcast3A = vector.bitcast %get3A_522 : vector<16xf32> to vector<16xi32>
      %lt3A = arith.constant 0 : i32
      %lt3A_523 = vector.broadcast %lt3A : i32 to vector<16xi32>
      %lt3A_524 = arith.cmpi slt, %bitcast3A, %lt3A_523 : vector<16xi32>
      %add3A_525 = arith.constant 16 : i32
      %add3A_526 = vector.broadcast %add3A_525 : i32 to vector<16xi32>
      %add3A_527 = arith.addi %bitcast3A, %add3A_526 : vector<16xi32>
      %select_n3A = arith.select %lt3A_524, %add3A_527, %bitcast3A : vector<16xi1>, vector<16xi32>
      %reshape3A = vector.shape_cast %select_n3A : vector<16xi32> to vector<16x1xi32>
      %gather3A = vector.shape_cast %reshape3A : vector<16x1xi32> to vector<16xi32>
      %gather3A_528 = tpu.dynamic_gather %get3A_33[%gather3A] in [0] : vector<16xf32>, vector<16xi32> -> vector<16xf32>
      %mul3A_529 = arith.mulf %div3A, %gather3A_528 : vector<16xf32>
      %add3A_530 = arith.addf %get3A_517, %mul3A_529 : vector<16xf32>
      %swap3A = arith.constant 0 : i32
      %swap3A_531 = arith.index_cast %swap3A : i32 to index
      %swap3A_532 = arith.index_cast %scan3A_512 : i32 to index
      %swap3A_533 = arith.constant 0 : index
      %swap3A_534 = tpu.vector_load %arg7[%swap3A_531, %swap3A_532, %swap3A_533] {strides = array<i32>} : memref<2x200x128xf32, #tpu.memory_space<vmem>>, vector<16xf32>,
      tpu.vector_store %arg7[%swap3A_531, %swap3A_532, %swap3A_533], %add3A_530 {strides = array<i32>} : memref<2x200x128xf32, #tpu.memory_space<vmem>>, vector<16xf32>,
      %get3A_535 = arith.constant 0 : i32
      %get3A_536 = arith.index_cast %get3A_535 : i32 to index
      %get3A_537 = arith.index_cast %scan3A_512 : i32 to index
      %get3A_538 = arith.constant 16 : index
      %get3A_539 = tpu.vector_load %arg8[%get3A_536, %get3A_537, %get3A_538] {strides = array<i32>} : memref<2x200x128xf32, #tpu.memory_space<vmem>>, vector<16xf32>,
      %get3A_540 = arith.constant 0 : i32
      %get3A_541 = arith.index_cast %get3A_540 : i32 to index
      %get3A_542 = arith.index_cast %scan3A_512 : i32 to index
      %get3A_543 = arith.constant 16 : index
      %get3A_544 = tpu.vector_load %arg7[%get3A_541, %get3A_542, %get3A_543] {strides = array<i32>} : memref<2x200x128xf32, #tpu.memory_space<vmem>>, vector<16xf32>,
      %bitcast3A_545 = vector.bitcast %get3A_544 : vector<16xf32> to vector<16xi32>
      %lt3A_546 = arith.constant 0 : i32
      %lt3A_547 = vector.broadcast %lt3A_546 : i32 to vector<16xi32>
      %lt3A_548 = arith.cmpi slt, %bitcast3A_545, %lt3A_547 : vector<16xi32>
      %add3A_549 = arith.constant 16 : i32
      %add3A_550 = vector.broadcast %add3A_549 : i32 to vector<16xi32>
      %add3A_551 = arith.addi %bitcast3A_545, %add3A_550 : vector<16xi32>
      %select_n3A_552 = arith.select %lt3A_548, %add3A_551, %bitcast3A_545 : vector<16xi1>, vector<16xi32>
      %reshape3A_553 = vector.shape_cast %select_n3A_552 : vector<16xi32> to vector<16x1xi32>
      %gather3A_554 = vector.shape_cast %reshape3A_553 : vector<16x1xi32> to vector<16xi32>
      %gather3A_555 = tpu.dynamic_gather %get3A_33[%gather3A_554] in [0] : vector<16xf32>, vector<16xi32> -> vector<16xf32>
      %mul3A_556 = arith.mulf %div3A_99, %gather3A_555 : vector<16xf32>
      %add3A_557 = arith.addf %get3A_539, %mul3A_556 : vector<16xf32>
      %swap3A_558 = arith.constant 0 : i32
      %swap3A_559 = arith.index_cast %swap3A_558 : i32 to index
      %swap3A_560 = arith.index_cast %scan3A_512 : i32 to index
      %swap3A_561 = arith.constant 16 : index
      %swap3A_562 = tpu.vector_load %arg7[%swap3A_559, %swap3A_560, %swap3A_561] {strides = array<i32>} : memref<2x200x128xf32, #tpu.memory_space<vmem>>, vector<16xf32>,
      tpu.vector_store %arg7[%swap3A_559, %swap3A_560, %swap3A_561], %add3A_557 {strides = array<i32>} : memref<2x200x128xf32, #tpu.memory_space<vmem>>, vector<16xf32>,
      %get3A_563 = arith.constant 0 : i32
      %get3A_564 = arith.index_cast %get3A_563 : i32 to index
      %get3A_565 = arith.index_cast %scan3A_512 : i32 to index
      %get3A_566 = arith.constant 32 : index
      %get3A_567 = tpu.vector_load %arg8[%get3A_564, %get3A_565, %get3A_566] {strides = array<i32>} : memref<2x200x128xf32, #tpu.memory_space<vmem>>, vector<16xf32>,
      %get3A_568 = arith.constant 0 : i32
      %get3A_569 = arith.index_cast %get3A_568 : i32 to index
      %get3A_570 = arith.index_cast %scan3A_512 : i32 to index
      %get3A_571 = arith.constant 32 : index
      %get3A_572 = tpu.vector_load %arg7[%get3A_569, %get3A_570, %get3A_571] {strides = array<i32>} : memref<2x200x128xf32, #tpu.memory_space<vmem>>, vector<16xf32>,
      %bitcast3A_573 = vector.bitcast %get3A_572 : vector<16xf32> to vector<16xi32>
      %lt3A_574 = arith.constant 0 : i32
      %lt3A_575 = vector.broadcast %lt3A_574 : i32 to vector<16xi32>
      %lt3A_576 = arith.cmpi slt, %bitcast3A_573, %lt3A_575 : vector<16xi32>
      %add3A_577 = arith.constant 16 : i32
      %add3A_578 = vector.broadcast %add3A_577 : i32 to vector<16xi32>
      %add3A_579 = arith.addi %bitcast3A_573, %add3A_578 : vector<16xi32>
      %select_n3A_580 = arith.select %lt3A_576, %add3A_579, %bitcast3A_573 : vector<16xi1>, vector<16xi32>
      %reshape3A_581 = vector.shape_cast %select_n3A_580 : vector<16xi32> to vector<16x1xi32>
      %gather3A_582 = vector.shape_cast %reshape3A_581 : vector<16x1xi32> to vector<16xi32>
      %gather3A_583 = tpu.dynamic_gather %get3A_33[%gather3A_582] in [0] : vector<16xf32>, vector<16xi32> -> vector<16xf32>
      %mul3A_584 = arith.mulf %div3A_103, %gather3A_583 : vector<16xf32>
      %add3A_585 = arith.addf %get3A_567, %mul3A_584 : vector<16xf32>
      %swap3A_586 = arith.constant 0 : i32
      %swap3A_587 = arith.index_cast %swap3A_586 : i32 to index
      %swap3A_588 = arith.index_cast %scan3A_512 : i32 to index
      %swap3A_589 = arith.constant 32 : index
      %swap3A_590 = tpu.vector_load %arg7[%swap3A_587, %swap3A_588, %swap3A_589] {strides = array<i32>} : memref<2x200x128xf32, #tpu.memory_space<vmem>>, vector<16xf32>,
      tpu.vector_store %arg7[%swap3A_587, %swap3A_588, %swap3A_589], %add3A_585 {strides = array<i32>} : memref<2x200x128xf32, #tpu.memory_space<vmem>>, vector<16xf32>,
      %get3A_591 = arith.constant 0 : i32
      %get3A_592 = arith.index_cast %get3A_591 : i32 to index
      %get3A_593 = arith.index_cast %scan3A_512 : i32 to index
      %get3A_594 = arith.constant 48 : index
      %get3A_595 = tpu.vector_load %arg8[%get3A_592, %get3A_593, %get3A_594] {strides = array<i32>} : memref<2x200x128xf32, #tpu.memory_space<vmem>>, vector<16xf32>,
      %get3A_596 = arith.constant 0 : i32
      %get3A_597 = arith.index_cast %get3A_596 : i32 to index
      %get3A_598 = arith.index_cast %scan3A_512 : i32 to index
      %get3A_599 = arith.constant 48 : index
      %get3A_600 = tpu.vector_load %arg7[%get3A_597, %get3A_598, %get3A_599] {strides = array<i32>} : memref<2x200x128xf32, #tpu.memory_space<vmem>>, vector<16xf32>,
      %bitcast3A_601 = vector.bitcast %get3A_600 : vector<16xf32> to vector<16xi32>
      %lt3A_602 = arith.constant 0 : i32
      %lt3A_603 = vector.broadcast %lt3A_602 : i32 to vector<16xi32>
      %lt3A_604 = arith.cmpi slt, %bitcast3A_601, %lt3A_603 : vector<16xi32>
      %add3A_605 = arith.constant 16 : i32
      %add3A_606 = vector.broadcast %add3A_605 : i32 to vector<16xi32>
      %add3A_607 = arith.addi %bitcast3A_601, %add3A_606 : vector<16xi32>
      %select_n3A_608 = arith.select %lt3A_604, %add3A_607, %bitcast3A_601 : vector<16xi1>, vector<16xi32>
      %reshape3A_609 = vector.shape_cast %select_n3A_608 : vector<16xi32> to vector<16x1xi32>
      %gather3A_610 = vector.shape_cast %reshape3A_609 : vector<16x1xi32> to vector<16xi32>
      %gather3A_611 = tpu.dynamic_gather %get3A_33[%gather3A_610] in [0] : vector<16xf32>, vector<16xi32> -> vector<16xf32>
      %mul3A_612 = arith.mulf %div3A_107, %gather3A_611 : vector<16xf32>
      %add3A_613 = arith.addf %get3A_595, %mul3A_612 : vector<16xf32>
      %swap3A_614 = arith.constant 0 : i32
      %swap3A_615 = arith.index_cast %swap3A_614 : i32 to index
      %swap3A_616 = arith.index_cast %scan3A_512 : i32 to index
      %swap3A_617 = arith.constant 48 : index
      %swap3A_618 = tpu.vector_load %arg7[%swap3A_615, %swap3A_616, %swap3A_617] {strides = array<i32>} : memref<2x200x128xf32, #tpu.memory_space<vmem>>, vector<16xf32>,
      tpu.vector_store %arg7[%swap3A_615, %swap3A_616, %swap3A_617], %add3A_613 {strides = array<i32>} : memref<2x200x128xf32, #tpu.memory_space<vmem>>, vector<16xf32>,
      %get3A_619 = arith.constant 0 : i32
      %get3A_620 = arith.index_cast %get3A_619 : i32 to index
      %get3A_621 = arith.index_cast %scan3A_512 : i32 to index
      %get3A_622 = arith.constant 64 : index
      %get3A_623 = tpu.vector_load %arg8[%get3A_620, %get3A_621, %get3A_622] {strides = array<i32>} : memref<2x200x128xf32, #tpu.memory_space<vmem>>, vector<16xf32>,
      %get3A_624 = arith.constant 0 : i32
      %get3A_625 = arith.index_cast %get3A_624 : i32 to index
      %get3A_626 = arith.index_cast %scan3A_512 : i32 to index
      %get3A_627 = arith.constant 64 : index
      %get3A_628 = tpu.vector_load %arg7[%get3A_625, %get3A_626, %get3A_627] {strides = array<i32>} : memref<2x200x128xf32, #tpu.memory_space<vmem>>, vector<16xf32>,
      %bitcast3A_629 = vector.bitcast %get3A_628 : vector<16xf32> to vector<16xi32>
      %lt3A_630 = arith.constant 0 : i32
      %lt3A_631 = vector.broadcast %lt3A_630 : i32 to vector<16xi32>
      %lt3A_632 = arith.cmpi slt, %bitcast3A_629, %lt3A_631 : vector<16xi32>
      %add3A_633 = arith.constant 16 : i32
      %add3A_634 = vector.broadcast %add3A_633 : i32 to vector<16xi32>
      %add3A_635 = arith.addi %bitcast3A_629, %add3A_634 : vector<16xi32>
      %select_n3A_636 = arith.select %lt3A_632, %add3A_635, %bitcast3A_629 : vector<16xi1>, vector<16xi32>
      %reshape3A_637 = vector.shape_cast %select_n3A_636 : vector<16xi32> to vector<16x1xi32>
      %gather3A_638 = vector.shape_cast %reshape3A_637 : vector<16x1xi32> to vector<16xi32>
      %gather3A_639 = tpu.dynamic_gather %get3A_33[%gather3A_638] in [0] : vector<16xf32>, vector<16xi32> -> vector<16xf32>
      %mul3A_640 = arith.mulf %div3A_111, %gather3A_639 : vector<16xf32>
      %add3A_641 = arith.addf %get3A_623, %mul3A_640 : vector<16xf32>
      %swap3A_642 = arith.constant 0 : i32
      %swap3A_643 = arith.index_cast %swap3A_642 : i32 to index
      %swap3A_644 = arith.index_cast %scan3A_512 : i32 to index
      %swap3A_645 = arith.constant 64 : index
      %swap3A_646 = tpu.vector_load %arg7[%swap3A_643, %swap3A_644, %swap3A_645] {strides = array<i32>} : memref<2x200x128xf32, #tpu.memory_space<vmem>>, vector<16xf32>,
      tpu.vector_store %arg7[%swap3A_643, %swap3A_644, %swap3A_645], %add3A_641 {strides = array<i32>} : memref<2x200x128xf32, #tpu.memory_space<vmem>>, vector<16xf32>,
      %get3A_647 = arith.constant 0 : i32
      %get3A_648 = arith.index_cast %get3A_647 : i32 to index
      %get3A_649 = arith.index_cast %scan3A_512 : i32 to index
      %get3A_650 = arith.constant 80 : index
      %get3A_651 = tpu.vector_load %arg8[%get3A_648, %get3A_649, %get3A_650] {strides = array<i32>} : memref<2x200x128xf32, #tpu.memory_space<vmem>>, vector<16xf32>,
      %get3A_652 = arith.constant 0 : i32
      %get3A_653 = arith.index_cast %get3A_652 : i32 to index
      %get3A_654 = arith.index_cast %scan3A_512 : i32 to index
      %get3A_655 = arith.constant 80 : index
      %get3A_656 = tpu.vector_load %arg7[%get3A_653, %get3A_654, %get3A_655] {strides = array<i32>} : memref<2x200x128xf32, #tpu.memory_space<vmem>>, vector<16xf32>,
      %bitcast3A_657 = vector.bitcast %get3A_656 : vector<16xf32> to vector<16xi32>
      %lt3A_658 = arith.constant 0 : i32
      %lt3A_659 = vector.broadcast %lt3A_658 : i32 to vector<16xi32>
      %lt3A_660 = arith.cmpi slt, %bitcast3A_657, %lt3A_659 : vector<16xi32>
      %add3A_661 = arith.constant 16 : i32
      %add3A_662 = vector.broadcast %add3A_661 : i32 to vector<16xi32>
      %add3A_663 = arith.addi %bitcast3A_657, %add3A_662 : vector<16xi32>
      %select_n3A_664 = arith.select %lt3A_660, %add3A_663, %bitcast3A_657 : vector<16xi1>, vector<16xi32>
      %reshape3A_665 = vector.shape_cast %select_n3A_664 : vector<16xi32> to vector<16x1xi32>
      %gather3A_666 = vector.shape_cast %reshape3A_665 : vector<16x1xi32> to vector<16xi32>
      %gather3A_667 = tpu.dynamic_gather %get3A_33[%gather3A_666] in [0] : vector<16xf32>, vector<16xi32> -> vector<16xf32>
      %mul3A_668 = arith.mulf %div3A_115, %gather3A_667 : vector<16xf32>
      %add3A_669 = arith.addf %get3A_651, %mul3A_668 : vector<16xf32>
      %swap3A_670 = arith.constant 0 : i32
      %swap3A_671 = arith.index_cast %swap3A_670 : i32 to index
      %swap3A_672 = arith.index_cast %scan3A_512 : i32 to index
      %swap3A_673 = arith.constant 80 : index
      %swap3A_674 = tpu.vector_load %arg7[%swap3A_671, %swap3A_672, %swap3A_673] {strides = array<i32>} : memref<2x200x128xf32, #tpu.memory_space<vmem>>, vector<16xf32>,
      tpu.vector_store %arg7[%swap3A_671, %swap3A_672, %swap3A_673], %add3A_669 {strides = array<i32>} : memref<2x200x128xf32, #tpu.memory_space<vmem>>, vector<16xf32>,
      %get3A_675 = arith.constant 0 : i32
      %get3A_676 = arith.index_cast %get3A_675 : i32 to index
      %get3A_677 = arith.index_cast %scan3A_512 : i32 to index
      %get3A_678 = arith.constant 96 : index
      %get3A_679 = tpu.vector_load %arg8[%get3A_676, %get3A_677, %get3A_678] {strides = array<i32>} : memref<2x200x128xf32, #tpu.memory_space<vmem>>, vector<16xf32>,
      %get3A_680 = arith.constant 0 : i32
      %get3A_681 = arith.index_cast %get3A_680 : i32 to index
      %get3A_682 = arith.index_cast %scan3A_512 : i32 to index
      %get3A_683 = arith.constant 96 : index
      %get3A_684 = tpu.vector_load %arg7[%get3A_681, %get3A_682, %get3A_683] {strides = array<i32>} : memref<2x200x128xf32, #tpu.memory_space<vmem>>, vector<16xf32>,
      %bitcast3A_685 = vector.bitcast %get3A_684 : vector<16xf32> to vector<16xi32>
      %lt3A_686 = arith.constant 0 : i32
      %lt3A_687 = vector.broadcast %lt3A_686 : i32 to vector<16xi32>
      %lt3A_688 = arith.cmpi slt, %bitcast3A_685, %lt3A_687 : vector<16xi32>
      %add3A_689 = arith.constant 16 : i32
      %add3A_690 = vector.broadcast %add3A_689 : i32 to vector<16xi32>
      %add3A_691 = arith.addi %bitcast3A_685, %add3A_690 : vector<16xi32>
      %select_n3A_692 = arith.select %lt3A_688, %add3A_691, %bitcast3A_685 : vector<16xi1>, vector<16xi32>
      %reshape3A_693 = vector.shape_cast %select_n3A_692 : vector<16xi32> to vector<16x1xi32>
      %gather3A_694 = vector.shape_cast %reshape3A_693 : vector<16x1xi32> to vector<16xi32>
      %gather3A_695 = tpu.dynamic_gather %get3A_33[%gather3A_694] in [0] : vector<16xf32>, vector<16xi32> -> vector<16xf32>
      %mul3A_696 = arith.mulf %div3A_119, %gather3A_695 : vector<16xf32>
      %add3A_697 = arith.addf %get3A_679, %mul3A_696 : vector<16xf32>
      %swap3A_698 = arith.constant 0 : i32
      %swap3A_699 = arith.index_cast %swap3A_698 : i32 to index
      %swap3A_700 = arith.index_cast %scan3A_512 : i32 to index
      %swap3A_701 = arith.constant 96 : index
      %swap3A_702 = tpu.vector_load %arg7[%swap3A_699, %swap3A_700, %swap3A_701] {strides = array<i32>} : memref<2x200x128xf32, #tpu.memory_space<vmem>>, vector<16xf32>,
      tpu.vector_store %arg7[%swap3A_699, %swap3A_700, %swap3A_701], %add3A_697 {strides = array<i32>} : memref<2x200x128xf32, #tpu.memory_space<vmem>>, vector<16xf32>,
      %get3A_703 = arith.constant 0 : i32
      %get3A_704 = arith.index_cast %get3A_703 : i32 to index
      %get3A_705 = arith.index_cast %scan3A_512 : i32 to index
      %get3A_706 = arith.constant 112 : index
      %get3A_707 = tpu.vector_load %arg8[%get3A_704, %get3A_705, %get3A_706] {strides = array<i32>} : memref<2x200x128xf32, #tpu.memory_space<vmem>>, vector<16xf32>,
      %get3A_708 = arith.constant 0 : i32
      %get3A_709 = arith.index_cast %get3A_708 : i32 to index
      %get3A_710 = arith.index_cast %scan3A_512 : i32 to index
      %get3A_711 = arith.constant 112 : index
      %get3A_712 = tpu.vector_load %arg7[%get3A_709, %get3A_710, %get3A_711] {strides = array<i32>} : memref<2x200x128xf32, #tpu.memory_space<vmem>>, vector<16xf32>,
      %bitcast3A_713 = vector.bitcast %get3A_712 : vector<16xf32> to vector<16xi32>
      %lt3A_714 = arith.constant 0 : i32
      %lt3A_715 = vector.broadcast %lt3A_714 : i32 to vector<16xi32>
      %lt3A_716 = arith.cmpi slt, %bitcast3A_713, %lt3A_715 : vector<16xi32>
      %add3A_717 = arith.constant 16 : i32
      %add3A_718 = vector.broadcast %add3A_717 : i32 to vector<16xi32>
      %add3A_719 = arith.addi %bitcast3A_713, %add3A_718 : vector<16xi32>
      %select_n3A_720 = arith.select %lt3A_716, %add3A_719, %bitcast3A_713 : vector<16xi1>, vector<16xi32>
      %reshape3A_721 = vector.shape_cast %select_n3A_720 : vector<16xi32> to vector<16x1xi32>
      %gather3A_722 = vector.shape_cast %reshape3A_721 : vector<16x1xi32> to vector<16xi32>
      %gather3A_723 = tpu.dynamic_gather %get3A_33[%gather3A_722] in [0] : vector<16xf32>, vector<16xi32> -> vector<16xf32>
      %mul3A_724 = arith.mulf %div3A_123, %gather3A_723 : vector<16xf32>
      %add3A_725 = arith.addf %get3A_707, %mul3A_724 : vector<16xf32>
      %swap3A_726 = arith.constant 0 : i32
      %swap3A_727 = arith.index_cast %swap3A_726 : i32 to index
      %swap3A_728 = arith.index_cast %scan3A_512 : i32 to index
      %swap3A_729 = arith.constant 112 : index
      %swap3A_730 = tpu.vector_load %arg7[%swap3A_727, %swap3A_728, %swap3A_729] {strides = array<i32>} : memref<2x200x128xf32, #tpu.memory_space<vmem>>, vector<16xf32>,
      tpu.vector_store %arg7[%swap3A_727, %swap3A_728, %swap3A_729], %add3A_725 {strides = array<i32>} : memref<2x200x128xf32, #tpu.memory_space<vmem>>, vector<16xf32>,
    }
    %scan3A_129 = arith.constant 200 : i32
    %add3A_130 = arith.constant 0 : i32
    %add3A_131 = arith.addi %mul3A_2, %add3A_130 : i32
    %dma_start3A_132 = arith.constant 0 : i32
    %dma_start3A_133 = arith.constant 0 : i32
    %dma_start3A_134 = arith.constant 0 : i32
    %dma_start3A_135 = tpu.memref_slice %arg7[%dma_start3A_132, %dma_start3A_133, %dma_start3A_134] : memref<2x200x128xf32, #tpu.memory_space<vmem>> -> memref<1x200x128xf32, #tpu.memory_space<vmem>>
    %dma_start3A_136 = tpu.memref_squeeze %dma_start3A_135 : memref<1x200x128xf32, #tpu.memory_space<vmem>> -> memref<200x128xf32, #tpu.memory_space<vmem>>
    %dma_start3A_137 = arith.constant 0 : i32
    %dma_start3A_138 = tpu.memref_slice %arg5[%dma_start3A_137, %add3A_131] : memref<200x16384xf32, #tpu.memory_space<hbm>> -> memref<200x128xf32, #tpu.memory_space<hbm>>
    %dma_start3A_139 = arith.constant 0 : i32
    %dma_start3A_140 = tpu.memref_slice %arg5[%dma_start3A_139, %add3A_131] : memref<200x16384xf32, #tpu.memory_space<hbm>> -> memref<200x128xf32, #tpu.memory_space<hbm>>
    %dma_start3A_141 = arith.constant 0 : i32
    %dma_start3A_142 = arith.constant 0 : i32
    %dma_start3A_143 = tpu.memref_slice %arg7[%dma_start3A_132, %dma_start3A_141, %dma_start3A_142] : memref<2x200x128xf32, #tpu.memory_space<vmem>> -> memref<1x200x128xf32, #tpu.memory_space<vmem>>
    %dma_start3A_144 = tpu.memref_squeeze %dma_start3A_143 : memref<1x200x128xf32, #tpu.memory_space<vmem>> -> memref<200x128xf32, #tpu.memory_space<vmem>>
    tpu.enqueue_dma source(%dma_start3A_144 : memref<200x128xf32, #tpu.memory_space<vmem>>) target(%dma_start3A_140 : memref<200x128xf32, #tpu.memory_space<hbm>>) target_semaphore(%arg13 : memref<!tpu.dma_semaphore, #tpu.memory_space<semaphore_mem>>)
    %dma_wait3A_145 = arith.constant 0 : i32
    %dma_wait3A_146 = arith.constant 0 : i32
    %dma_wait3A_147 = arith.constant 0 : i32
    %dma_wait3A_148 = tpu.memref_slice %arg7[%dma_wait3A_145, %dma_wait3A_146, %dma_wait3A_147] : memref<2x200x128xf32, #tpu.memory_space<vmem>> -> memref<1x200x128xf32, #tpu.memory_space<vmem>>
    %dma_wait3A_149 = tpu.memref_squeeze %dma_wait3A_148 : memref<1x200x128xf32, #tpu.memory_space<vmem>> -> memref<200x128xf32, #tpu.memory_space<vmem>>
    %dma_wait3A_150 = arith.constant 0 : i32
    %dma_wait3A_151 = tpu.memref_slice %arg5[%dma_wait3A_150, %add3A_131] : memref<200x16384xf32, #tpu.memory_space<hbm>> -> memref<200x128xf32, #tpu.memory_space<hbm>>
    %dma_wait3A_152 = arith.constant 0 : i32
    %dma_wait3A_153 = tpu.memref_slice %arg5[%dma_wait3A_152, %add3A_131] : memref<200x16384xf32, #tpu.memory_space<hbm>> -> memref<200x128xf32, #tpu.memory_space<hbm>>
    %dma_wait3A_154 = arith.constant 0 : i32
    %dma_wait3A_155 = arith.constant 0 : i32
    %dma_wait3A_156 = tpu.memref_slice %arg7[%dma_wait3A_145, %dma_wait3A_154, %dma_wait3A_155] : memref<2x200x128xf32, #tpu.memory_space<vmem>> -> memref<1x200x128xf32, #tpu.memory_space<vmem>>
    %dma_wait3A_157 = tpu.memref_squeeze %dma_wait3A_156 : memref<1x200x128xf32, #tpu.memory_space<vmem>> -> memref<200x128xf32, #tpu.memory_space<vmem>>
    tpu.wait_dma2 semaphore(%arg13 : memref<!tpu.dma_semaphore, #tpu.memory_space<semaphore_mem>>) src(%dma_wait3A_157 : memref<200x128xf32, #tpu.memory_space<vmem>>) dst(%dma_wait3A_153 : memref<200x128xf32, #tpu.memory_space<hbm>>)
    %add3A_158 = arith.constant 256 : i32
    %add3A_159 = arith.addi %mul3A_2, %add3A_158 : i32
    %dma_start3A_160 = arith.constant 0 : i32
    %dma_start3A_161 = arith.constant 0 : i32
    %dma_start3A_162 = arith.constant 0 : i32
    %dma_start3A_163 = tpu.memref_slice %arg7[%dma_start3A_160, %dma_start3A_161, %dma_start3A_162] : memref<2x200x128xf32, #tpu.memory_space<vmem>> -> memref<1x200x128xf32, #tpu.memory_space<vmem>>
    %dma_start3A_164 = tpu.memref_squeeze %dma_start3A_163 : memref<1x200x128xf32, #tpu.memory_space<vmem>> -> memref<200x128xf32, #tpu.memory_space<vmem>>
    %dma_start3A_165 = arith.constant 0 : i32
    %dma_start3A_166 = tpu.memref_slice %arg2[%dma_start3A_165, %add3A_159] : memref<200x16384xf32, #tpu.memory_space<hbm>> -> memref<200x128xf32, #tpu.memory_space<hbm>>
    %dma_start3A_167 = arith.constant 0 : i32
    %dma_start3A_168 = arith.constant 0 : i32
    %dma_start3A_169 = tpu.memref_slice %arg7[%dma_start3A_160, %dma_start3A_167, %dma_start3A_168] : memref<2x200x128xf32, #tpu.memory_space<vmem>> -> memref<1x200x128xf32, #tpu.memory_space<vmem>>
    %dma_start3A_170 = tpu.memref_squeeze %dma_start3A_169 : memref<1x200x128xf32, #tpu.memory_space<vmem>> -> memref<200x128xf32, #tpu.memory_space<vmem>>
    %dma_start3A_171 = arith.constant 0 : i32
    %dma_start3A_172 = tpu.memref_slice %arg2[%dma_start3A_171, %add3A_159] : memref<200x16384xf32, #tpu.memory_space<hbm>> -> memref<200x128xf32, #tpu.memory_space<hbm>>
    tpu.enqueue_dma source(%dma_start3A_172 : memref<200x128xf32, #tpu.memory_space<hbm>>) target(%dma_start3A_170 : memref<200x128xf32, #tpu.memory_space<vmem>>) target_semaphore(%arg9 : memref<!tpu.dma_semaphore, #tpu.memory_space<semaphore_mem>>)
    %add3A_173 = arith.constant 256 : i32
    %add3A_174 = arith.addi %mul3A_2, %add3A_173 : i32
    %dma_start3A_175 = arith.constant 0 : i32
    %dma_start3A_176 = arith.constant 0 : i32
    %dma_start3A_177 = arith.constant 0 : i32
    %dma_start3A_178 = tpu.memref_slice %arg8[%dma_start3A_175, %dma_start3A_176, %dma_start3A_177] : memref<2x200x128xf32, #tpu.memory_space<vmem>> -> memref<1x200x128xf32, #tpu.memory_space<vmem>>
    %dma_start3A_179 = tpu.memref_squeeze %dma_start3A_178 : memref<1x200x128xf32, #tpu.memory_space<vmem>> -> memref<200x128xf32, #tpu.memory_space<vmem>>
    %dma_start3A_180 = arith.constant 0 : i32
    %dma_start3A_181 = tpu.memref_slice %arg3[%dma_start3A_180, %add3A_174] : memref<200x16384xf32, #tpu.memory_space<hbm>> -> memref<200x128xf32, #tpu.memory_space<hbm>>
    %dma_start3A_182 = arith.constant 0 : i32
    %dma_start3A_183 = arith.constant 0 : i32
    %dma_start3A_184 = tpu.memref_slice %arg8[%dma_start3A_175, %dma_start3A_182, %dma_start3A_183] : memref<2x200x128xf32, #tpu.memory_space<vmem>> -> memref<1x200x128xf32, #tpu.memory_space<vmem>>
    %dma_start3A_185 = tpu.memref_squeeze %dma_start3A_184 : memref<1x200x128xf32, #tpu.memory_space<vmem>> -> memref<200x128xf32, #tpu.memory_space<vmem>>
    %dma_start3A_186 = arith.constant 0 : i32
    %dma_start3A_187 = tpu.memref_slice %arg3[%dma_start3A_186, %add3A_174] : memref<200x16384xf32, #tpu.memory_space<hbm>> -> memref<200x128xf32, #tpu.memory_space<hbm>>
    tpu.enqueue_dma source(%dma_start3A_187 : memref<200x128xf32, #tpu.memory_space<hbm>>) target(%dma_start3A_185 : memref<200x128xf32, #tpu.memory_space<vmem>>) target_semaphore(%arg11 : memref<!tpu.dma_semaphore, #tpu.memory_space<semaphore_mem>>)
    %dma_wait3A_188 = arith.constant 1 : i32
    %dma_wait3A_189 = arith.constant 0 : i32
    %dma_wait3A_190 = arith.constant 0 : i32
    %dma_wait3A_191 = tpu.memref_slice %arg7[%dma_wait3A_188, %dma_wait3A_189, %dma_wait3A_190] : memref<2x200x128xf32, #tpu.memory_space<vmem>> -> memref<1x200x128xf32, #tpu.memory_space<vmem>>
    %dma_wait3A_192 = tpu.memref_squeeze %dma_wait3A_191 : memref<1x200x128xf32, #tpu.memory_space<vmem>> -> memref<200x128xf32, #tpu.memory_space<vmem>>
    %dma_wait3A_193 = arith.constant 0 : i32
    %dma_wait3A_194 = tpu.memref_slice %arg2[%dma_wait3A_193, %add3A_35] : memref<200x16384xf32, #tpu.memory_space<hbm>> -> memref<200x128xf32, #tpu.memory_space<hbm>>
    %dma_wait3A_195 = arith.constant 0 : i32
    %dma_wait3A_196 = arith.constant 0 : i32
    %dma_wait3A_197 = tpu.memref_slice %arg7[%dma_wait3A_188, %dma_wait3A_195, %dma_wait3A_196] : memref<2x200x128xf32, #tpu.memory_space<vmem>> -> memref<1x200x128xf32, #tpu.memory_space<vmem>>
    %dma_wait3A_198 = tpu.memref_squeeze %dma_wait3A_197 : memref<1x200x128xf32, #tpu.memory_space<vmem>> -> memref<200x128xf32, #tpu.memory_space<vmem>>
    %dma_wait3A_199 = arith.constant 0 : i32
    %dma_wait3A_200 = tpu.memref_slice %arg2[%dma_wait3A_199, %add3A_35] : memref<200x16384xf32, #tpu.memory_space<hbm>> -> memref<200x128xf32, #tpu.memory_space<hbm>>
    tpu.wait_dma2 semaphore(%arg10 : memref<!tpu.dma_semaphore, #tpu.memory_space<semaphore_mem>>) src(%dma_wait3A_200 : memref<200x128xf32, #tpu.memory_space<hbm>>) dst(%dma_wait3A_198 : memref<200x128xf32, #tpu.memory_space<vmem>>)
    %dma_wait3A_201 = arith.constant 1 : i32
    %dma_wait3A_202 = arith.constant 0 : i32
    %dma_wait3A_203 = arith.constant 0 : i32
    %dma_wait3A_204 = tpu.memref_slice %arg8[%dma_wait3A_201, %dma_wait3A_202, %dma_wait3A_203] : memref<2x200x128xf32, #tpu.memory_space<vmem>> -> memref<1x200x128xf32, #tpu.memory_space<vmem>>
    %dma_wait3A_205 = tpu.memref_squeeze %dma_wait3A_204 : memref<1x200x128xf32, #tpu.memory_space<vmem>> -> memref<200x128xf32, #tpu.memory_space<vmem>>
    %dma_wait3A_206 = arith.constant 0 : i32
    %dma_wait3A_207 = tpu.memref_slice %arg3[%dma_wait3A_206, %add3A_50] : memref<200x16384xf32, #tpu.memory_space<hbm>> -> memref<200x128xf32, #tpu.memory_space<hbm>>
    %dma_wait3A_208 = arith.constant 0 : i32
    %dma_wait3A_209 = arith.constant 0 : i32
    %dma_wait3A_210 = tpu.memref_slice %arg8[%dma_wait3A_201, %dma_wait3A_208, %dma_wait3A_209] : memref<2x200x128xf32, #tpu.memory_space<vmem>> -> memref<1x200x128xf32, #tpu.memory_space<vmem>>
    %dma_wait3A_211 = tpu.memref_squeeze %dma_wait3A_210 : memref<1x200x128xf32, #tpu.memory_space<vmem>> -> memref<200x128xf32, #tpu.memory_space<vmem>>
    %dma_wait3A_212 = arith.constant 0 : i32
    %dma_wait3A_213 = tpu.memref_slice %arg3[%dma_wait3A_212, %add3A_50] : memref<200x16384xf32, #tpu.memory_space<hbm>> -> memref<200x128xf32, #tpu.memory_space<hbm>>
    tpu.wait_dma2 semaphore(%arg12 : memref<!tpu.dma_semaphore, #tpu.memory_space<semaphore_mem>>) src(%dma_wait3A_213 : memref<200x128xf32, #tpu.memory_space<hbm>>) dst(%dma_wait3A_211 : memref<200x128xf32, #tpu.memory_space<vmem>>)
    %scan3A_214 = arith.constant 0 : i32
    %scan3A_215 = arith.constant 200 : i32
    %scan3A_216 = arith.addi %scan3A_214, %scan3A_215 : i32
    %scan3A_217 = arith.constant 1 : i32
    %scan3A_218:16 = scf.for %scan3A_512 = %scan3A_214 to %scan3A_216 step %scan3A_217 iter_args(%scan3A_513 = %broadcast_in_dim3A_3, %scan3A_514 = %broadcast_in_dim3A_3, %scan3A_515 = %broadcast_in_dim3A_3, %scan3A_516 = %broadcast_in_dim3A_3, %scan3A_517 = %broadcast_in_dim3A_3, %scan3A_518 = %broadcast_in_dim3A_3, %scan3A_519 = %broadcast_in_dim3A_3, %scan3A_520 = %broadcast_in_dim3A_3, %scan3A_521 = %broadcast_in_dim3A_3, %scan3A_522 = %broadcast_in_dim3A_3, %scan3A_523 = %broadcast_in_dim3A_3, %scan3A_524 = %broadcast_in_dim3A_3, %scan3A_525 = %broadcast_in_dim3A_3, %scan3A_526 = %broadcast_in_dim3A_3, %scan3A_527 = %broadcast_in_dim3A_3, %scan3A_528 = %broadcast_in_dim3A_3) -> (vector<16xf32>, vector<16xf32>, vector<16xf32>, vector<16xf32>, vector<16xf32>, vector<16xf32>, vector<16xf32>, vector<16xf32>, vector<16xf32>, vector<16xf32>, vector<16xf32>, vector<16xf32>, vector<16xf32>, vector<16xf32>, vector<16xf32>, vector<16xf32>)  : i32 {
      %get3A_529 = arith.constant 1 : i32
      %get3A_530 = arith.index_cast %get3A_529 : i32 to index
      %get3A_531 = arith.index_cast %scan3A_512 : i32 to index
      %get3A_532 = arith.constant 0 : index
      %get3A_533 = tpu.vector_load %arg8[%get3A_530, %get3A_531, %get3A_532] {strides = array<i32>} : memref<2x200x128xf32, #tpu.memory_space<vmem>>, vector<16xf32>,
      %get3A_534 = arith.constant 1 : i32
      %get3A_535 = arith.index_cast %get3A_534 : i32 to index
      %get3A_536 = arith.index_cast %scan3A_512 : i32 to index
      %get3A_537 = arith.constant 0 : index
      %get3A_538 = tpu.vector_load %arg7[%get3A_535, %get3A_536, %get3A_537] {strides = array<i32>} : memref<2x200x128xf32, #tpu.memory_space<vmem>>, vector<16xf32>,
      %bitcast3A = vector.bitcast %get3A_538 : vector<16xf32> to vector<16xi32>
      %lt3A = arith.constant 0 : i32
      %lt3A_539 = vector.broadcast %lt3A : i32 to vector<16xi32>
      %lt3A_540 = arith.cmpi slt, %bitcast3A, %lt3A_539 : vector<16xi32>
      %add3A_541 = arith.constant 16 : i32
      %add3A_542 = vector.broadcast %add3A_541 : i32 to vector<16xi32>
      %add3A_543 = arith.addi %bitcast3A, %add3A_542 : vector<16xi32>
      %select_n3A = arith.select %lt3A_540, %add3A_543, %bitcast3A : vector<16xi1>, vector<16xi32>
      %reshape3A = vector.shape_cast %select_n3A : vector<16xi32> to vector<16x1xi32>
      %gather3A = vector.shape_cast %reshape3A : vector<16x1xi32> to vector<16xi32>
      %gather3A_544 = tpu.dynamic_gather %get3A_33[%gather3A] in [0] : vector<16xf32>, vector<16xi32> -> vector<16xf32>
      %add3A_545 = arith.addf %scan3A_513, %get3A_533 : vector<16xf32>
      %add3A_546 = arith.addf %scan3A_514, %gather3A_544 : vector<16xf32>
      %get3A_547 = arith.constant 1 : i32
      %get3A_548 = arith.index_cast %get3A_547 : i32 to index
      %get3A_549 = arith.index_cast %scan3A_512 : i32 to index
      %get3A_550 = arith.constant 16 : index
      %get3A_551 = tpu.vector_load %arg8[%get3A_548, %get3A_549, %get3A_550] {strides = array<i32>} : memref<2x200x128xf32, #tpu.memory_space<vmem>>, vector<16xf32>,
      %get3A_552 = arith.constant 1 : i32
      %get3A_553 = arith.index_cast %get3A_552 : i32 to index
      %get3A_554 = arith.index_cast %scan3A_512 : i32 to index
      %get3A_555 = arith.constant 16 : index
      %get3A_556 = tpu.vector_load %arg7[%get3A_553, %get3A_554, %get3A_555] {strides = array<i32>} : memref<2x200x128xf32, #tpu.memory_space<vmem>>, vector<16xf32>,
      %bitcast3A_557 = vector.bitcast %get3A_556 : vector<16xf32> to vector<16xi32>
      %lt3A_558 = arith.constant 0 : i32
      %lt3A_559 = vector.broadcast %lt3A_558 : i32 to vector<16xi32>
      %lt3A_560 = arith.cmpi slt, %bitcast3A_557, %lt3A_559 : vector<16xi32>
      %add3A_561 = arith.constant 16 : i32
      %add3A_562 = vector.broadcast %add3A_561 : i32 to vector<16xi32>
      %add3A_563 = arith.addi %bitcast3A_557, %add3A_562 : vector<16xi32>
      %select_n3A_564 = arith.select %lt3A_560, %add3A_563, %bitcast3A_557 : vector<16xi1>, vector<16xi32>
      %reshape3A_565 = vector.shape_cast %select_n3A_564 : vector<16xi32> to vector<16x1xi32>
      %gather3A_566 = vector.shape_cast %reshape3A_565 : vector<16x1xi32> to vector<16xi32>
      %gather3A_567 = tpu.dynamic_gather %get3A_33[%gather3A_566] in [0] : vector<16xf32>, vector<16xi32> -> vector<16xf32>
      %add3A_568 = arith.addf %scan3A_515, %get3A_551 : vector<16xf32>
      %add3A_569 = arith.addf %scan3A_516, %gather3A_567 : vector<16xf32>
      %get3A_570 = arith.constant 1 : i32
      %get3A_571 = arith.index_cast %get3A_570 : i32 to index
      %get3A_572 = arith.index_cast %scan3A_512 : i32 to index
      %get3A_573 = arith.constant 32 : index
      %get3A_574 = tpu.vector_load %arg8[%get3A_571, %get3A_572, %get3A_573] {strides = array<i32>} : memref<2x200x128xf32, #tpu.memory_space<vmem>>, vector<16xf32>,
      %get3A_575 = arith.constant 1 : i32
      %get3A_576 = arith.index_cast %get3A_575 : i32 to index
      %get3A_577 = arith.index_cast %scan3A_512 : i32 to index
      %get3A_578 = arith.constant 32 : index
      %get3A_579 = tpu.vector_load %arg7[%get3A_576, %get3A_577, %get3A_578] {strides = array<i32>} : memref<2x200x128xf32, #tpu.memory_space<vmem>>, vector<16xf32>,
      %bitcast3A_580 = vector.bitcast %get3A_579 : vector<16xf32> to vector<16xi32>
      %lt3A_581 = arith.constant 0 : i32
      %lt3A_582 = vector.broadcast %lt3A_581 : i32 to vector<16xi32>
      %lt3A_583 = arith.cmpi slt, %bitcast3A_580, %lt3A_582 : vector<16xi32>
      %add3A_584 = arith.constant 16 : i32
      %add3A_585 = vector.broadcast %add3A_584 : i32 to vector<16xi32>
      %add3A_586 = arith.addi %bitcast3A_580, %add3A_585 : vector<16xi32>
      %select_n3A_587 = arith.select %lt3A_583, %add3A_586, %bitcast3A_580 : vector<16xi1>, vector<16xi32>
      %reshape3A_588 = vector.shape_cast %select_n3A_587 : vector<16xi32> to vector<16x1xi32>
      %gather3A_589 = vector.shape_cast %reshape3A_588 : vector<16x1xi32> to vector<16xi32>
      %gather3A_590 = tpu.dynamic_gather %get3A_33[%gather3A_589] in [0] : vector<16xf32>, vector<16xi32> -> vector<16xf32>
      %add3A_591 = arith.addf %scan3A_517, %get3A_574 : vector<16xf32>
      %add3A_592 = arith.addf %scan3A_518, %gather3A_590 : vector<16xf32>
      %get3A_593 = arith.constant 1 : i32
      %get3A_594 = arith.index_cast %get3A_593 : i32 to index
      %get3A_595 = arith.index_cast %scan3A_512 : i32 to index
      %get3A_596 = arith.constant 48 : index
      %get3A_597 = tpu.vector_load %arg8[%get3A_594, %get3A_595, %get3A_596] {strides = array<i32>} : memref<2x200x128xf32, #tpu.memory_space<vmem>>, vector<16xf32>,
      %get3A_598 = arith.constant 1 : i32
      %get3A_599 = arith.index_cast %get3A_598 : i32 to index
      %get3A_600 = arith.index_cast %scan3A_512 : i32 to index
      %get3A_601 = arith.constant 48 : index
      %get3A_602 = tpu.vector_load %arg7[%get3A_599, %get3A_600, %get3A_601] {strides = array<i32>} : memref<2x200x128xf32, #tpu.memory_space<vmem>>, vector<16xf32>,
      %bitcast3A_603 = vector.bitcast %get3A_602 : vector<16xf32> to vector<16xi32>
      %lt3A_604 = arith.constant 0 : i32
      %lt3A_605 = vector.broadcast %lt3A_604 : i32 to vector<16xi32>
      %lt3A_606 = arith.cmpi slt, %bitcast3A_603, %lt3A_605 : vector<16xi32>
      %add3A_607 = arith.constant 16 : i32
      %add3A_608 = vector.broadcast %add3A_607 : i32 to vector<16xi32>
      %add3A_609 = arith.addi %bitcast3A_603, %add3A_608 : vector<16xi32>
      %select_n3A_610 = arith.select %lt3A_606, %add3A_609, %bitcast3A_603 : vector<16xi1>, vector<16xi32>
      %reshape3A_611 = vector.shape_cast %select_n3A_610 : vector<16xi32> to vector<16x1xi32>
      %gather3A_612 = vector.shape_cast %reshape3A_611 : vector<16x1xi32> to vector<16xi32>
      %gather3A_613 = tpu.dynamic_gather %get3A_33[%gather3A_612] in [0] : vector<16xf32>, vector<16xi32> -> vector<16xf32>
      %add3A_614 = arith.addf %scan3A_519, %get3A_597 : vector<16xf32>
      %add3A_615 = arith.addf %scan3A_520, %gather3A_613 : vector<16xf32>
      %get3A_616 = arith.constant 1 : i32
      %get3A_617 = arith.index_cast %get3A_616 : i32 to index
      %get3A_618 = arith.index_cast %scan3A_512 : i32 to index
      %get3A_619 = arith.constant 64 : index
      %get3A_620 = tpu.vector_load %arg8[%get3A_617, %get3A_618, %get3A_619] {strides = array<i32>} : memref<2x200x128xf32, #tpu.memory_space<vmem>>, vector<16xf32>,
      %get3A_621 = arith.constant 1 : i32
      %get3A_622 = arith.index_cast %get3A_621 : i32 to index
      %get3A_623 = arith.index_cast %scan3A_512 : i32 to index
      %get3A_624 = arith.constant 64 : index
      %get3A_625 = tpu.vector_load %arg7[%get3A_622, %get3A_623, %get3A_624] {strides = array<i32>} : memref<2x200x128xf32, #tpu.memory_space<vmem>>, vector<16xf32>,
      %bitcast3A_626 = vector.bitcast %get3A_625 : vector<16xf32> to vector<16xi32>
      %lt3A_627 = arith.constant 0 : i32
      %lt3A_628 = vector.broadcast %lt3A_627 : i32 to vector<16xi32>
      %lt3A_629 = arith.cmpi slt, %bitcast3A_626, %lt3A_628 : vector<16xi32>
      %add3A_630 = arith.constant 16 : i32
      %add3A_631 = vector.broadcast %add3A_630 : i32 to vector<16xi32>
      %add3A_632 = arith.addi %bitcast3A_626, %add3A_631 : vector<16xi32>
      %select_n3A_633 = arith.select %lt3A_629, %add3A_632, %bitcast3A_626 : vector<16xi1>, vector<16xi32>
      %reshape3A_634 = vector.shape_cast %select_n3A_633 : vector<16xi32> to vector<16x1xi32>
      %gather3A_635 = vector.shape_cast %reshape3A_634 : vector<16x1xi32> to vector<16xi32>
      %gather3A_636 = tpu.dynamic_gather %get3A_33[%gather3A_635] in [0] : vector<16xf32>, vector<16xi32> -> vector<16xf32>
      %add3A_637 = arith.addf %scan3A_521, %get3A_620 : vector<16xf32>
      %add3A_638 = arith.addf %scan3A_522, %gather3A_636 : vector<16xf32>
      %get3A_639 = arith.constant 1 : i32
      %get3A_640 = arith.index_cast %get3A_639 : i32 to index
      %get3A_641 = arith.index_cast %scan3A_512 : i32 to index
      %get3A_642 = arith.constant 80 : index
      %get3A_643 = tpu.vector_load %arg8[%get3A_640, %get3A_641, %get3A_642] {strides = array<i32>} : memref<2x200x128xf32, #tpu.memory_space<vmem>>, vector<16xf32>,
      %get3A_644 = arith.constant 1 : i32
      %get3A_645 = arith.index_cast %get3A_644 : i32 to index
      %get3A_646 = arith.index_cast %scan3A_512 : i32 to index
      %get3A_647 = arith.constant 80 : index
      %get3A_648 = tpu.vector_load %arg7[%get3A_645, %get3A_646, %get3A_647] {strides = array<i32>} : memref<2x200x128xf32, #tpu.memory_space<vmem>>, vector<16xf32>,
      %bitcast3A_649 = vector.bitcast %get3A_648 : vector<16xf32> to vector<16xi32>
      %lt3A_650 = arith.constant 0 : i32
      %lt3A_651 = vector.broadcast %lt3A_650 : i32 to vector<16xi32>
      %lt3A_652 = arith.cmpi slt, %bitcast3A_649, %lt3A_651 : vector<16xi32>
      %add3A_653 = arith.constant 16 : i32
      %add3A_654 = vector.broadcast %add3A_653 : i32 to vector<16xi32>
      %add3A_655 = arith.addi %bitcast3A_649, %add3A_654 : vector<16xi32>
      %select_n3A_656 = arith.select %lt3A_652, %add3A_655, %bitcast3A_649 : vector<16xi1>, vector<16xi32>
      %reshape3A_657 = vector.shape_cast %select_n3A_656 : vector<16xi32> to vector<16x1xi32>
      %gather3A_658 = vector.shape_cast %reshape3A_657 : vector<16x1xi32> to vector<16xi32>
      %gather3A_659 = tpu.dynamic_gather %get3A_33[%gather3A_658] in [0] : vector<16xf32>, vector<16xi32> -> vector<16xf32>
      %add3A_660 = arith.addf %scan3A_523, %get3A_643 : vector<16xf32>
      %add3A_661 = arith.addf %scan3A_524, %gather3A_659 : vector<16xf32>
      %get3A_662 = arith.constant 1 : i32
      %get3A_663 = arith.index_cast %get3A_662 : i32 to index
      %get3A_664 = arith.index_cast %scan3A_512 : i32 to index
      %get3A_665 = arith.constant 96 : index
      %get3A_666 = tpu.vector_load %arg8[%get3A_663, %get3A_664, %get3A_665] {strides = array<i32>} : memref<2x200x128xf32, #tpu.memory_space<vmem>>, vector<16xf32>,
      %get3A_667 = arith.constant 1 : i32
      %get3A_668 = arith.index_cast %get3A_667 : i32 to index
      %get3A_669 = arith.index_cast %scan3A_512 : i32 to index
      %get3A_670 = arith.constant 96 : index
      %get3A_671 = tpu.vector_load %arg7[%get3A_668, %get3A_669, %get3A_670] {strides = array<i32>} : memref<2x200x128xf32, #tpu.memory_space<vmem>>, vector<16xf32>,
      %bitcast3A_672 = vector.bitcast %get3A_671 : vector<16xf32> to vector<16xi32>
      %lt3A_673 = arith.constant 0 : i32
      %lt3A_674 = vector.broadcast %lt3A_673 : i32 to vector<16xi32>
      %lt3A_675 = arith.cmpi slt, %bitcast3A_672, %lt3A_674 : vector<16xi32>
      %add3A_676 = arith.constant 16 : i32
      %add3A_677 = vector.broadcast %add3A_676 : i32 to vector<16xi32>
      %add3A_678 = arith.addi %bitcast3A_672, %add3A_677 : vector<16xi32>
      %select_n3A_679 = arith.select %lt3A_675, %add3A_678, %bitcast3A_672 : vector<16xi1>, vector<16xi32>
      %reshape3A_680 = vector.shape_cast %select_n3A_679 : vector<16xi32> to vector<16x1xi32>
      %gather3A_681 = vector.shape_cast %reshape3A_680 : vector<16x1xi32> to vector<16xi32>
      %gather3A_682 = tpu.dynamic_gather %get3A_33[%gather3A_681] in [0] : vector<16xf32>, vector<16xi32> -> vector<16xf32>
      %add3A_683 = arith.addf %scan3A_525, %get3A_666 : vector<16xf32>
      %add3A_684 = arith.addf %scan3A_526, %gather3A_682 : vector<16xf32>
      %get3A_685 = arith.constant 1 : i32
      %get3A_686 = arith.index_cast %get3A_685 : i32 to index
      %get3A_687 = arith.index_cast %scan3A_512 : i32 to index
      %get3A_688 = arith.constant 112 : index
      %get3A_689 = tpu.vector_load %arg8[%get3A_686, %get3A_687, %get3A_688] {strides = array<i32>} : memref<2x200x128xf32, #tpu.memory_space<vmem>>, vector<16xf32>,
      %get3A_690 = arith.constant 1 : i32
      %get3A_691 = arith.index_cast %get3A_690 : i32 to index
      %get3A_692 = arith.index_cast %scan3A_512 : i32 to index
      %get3A_693 = arith.constant 112 : index
      %get3A_694 = tpu.vector_load %arg7[%get3A_691, %get3A_692, %get3A_693] {strides = array<i32>} : memref<2x200x128xf32, #tpu.memory_space<vmem>>, vector<16xf32>,
      %bitcast3A_695 = vector.bitcast %get3A_694 : vector<16xf32> to vector<16xi32>
      %lt3A_696 = arith.constant 0 : i32
      %lt3A_697 = vector.broadcast %lt3A_696 : i32 to vector<16xi32>
      %lt3A_698 = arith.cmpi slt, %bitcast3A_695, %lt3A_697 : vector<16xi32>
      %add3A_699 = arith.constant 16 : i32
      %add3A_700 = vector.broadcast %add3A_699 : i32 to vector<16xi32>
      %add3A_701 = arith.addi %bitcast3A_695, %add3A_700 : vector<16xi32>
      %select_n3A_702 = arith.select %lt3A_698, %add3A_701, %bitcast3A_695 : vector<16xi1>, vector<16xi32>
      %reshape3A_703 = vector.shape_cast %select_n3A_702 : vector<16xi32> to vector<16x1xi32>
      %gather3A_704 = vector.shape_cast %reshape3A_703 : vector<16x1xi32> to vector<16xi32>
      %gather3A_705 = tpu.dynamic_gather %get3A_33[%gather3A_704] in [0] : vector<16xf32>, vector<16xi32> -> vector<16xf32>
      %add3A_706 = arith.addf %scan3A_527, %get3A_689 : vector<16xf32>
      %add3A_707 = arith.addf %scan3A_528, %gather3A_705 : vector<16xf32>
      scf.yield %add3A_545, %add3A_546, %add3A_568, %add3A_569, %add3A_591, %add3A_592, %add3A_614, %add3A_615, %add3A_637, %add3A_638, %add3A_660, %add3A_661, %add3A_683, %add3A_684, %add3A_706, %add3A_707 : vector<16xf32>, vector<16xf32>, vector<16xf32>, vector<16xf32>, vector<16xf32>, vector<16xf32>, vector<16xf32>, vector<16xf32>, vector<16xf32>, vector<16xf32>, vector<16xf32>, vector<16xf32>, vector<16xf32>, vector<16xf32>, vector<16xf32>, vector<16xf32>
    }
    %scan3A_219 = arith.constant 200 : i32
    %sub3A_220 = arith.constant 0.000000e+00 : f32
    %sub3A_221 = vector.broadcast %sub3A_220 : f32 to vector<16xf32>
    %sub3A_222 = arith.subf %sub3A_221, %scan3A_218#0 : vector<16xf32>
    %div3A_223 = arith.divf %sub3A_222, %scan3A_218#1 : vector<16xf32>
    %sub3A_224 = arith.constant 0.000000e+00 : f32
    %sub3A_225 = vector.broadcast %sub3A_224 : f32 to vector<16xf32>
    %sub3A_226 = arith.subf %sub3A_225, %scan3A_218#2 : vector<16xf32>
    %div3A_227 = arith.divf %sub3A_226, %scan3A_218#3 : vector<16xf32>
    %sub3A_228 = arith.constant 0.000000e+00 : f32
    %sub3A_229 = vector.broadcast %sub3A_228 : f32 to vector<16xf32>
    %sub3A_230 = arith.subf %sub3A_229, %scan3A_218#4 : vector<16xf32>
    %div3A_231 = arith.divf %sub3A_230, %scan3A_218#5 : vector<16xf32>
    %sub3A_232 = arith.constant 0.000000e+00 : f32
    %sub3A_233 = vector.broadcast %sub3A_232 : f32 to vector<16xf32>
    %sub3A_234 = arith.subf %sub3A_233, %scan3A_218#6 : vector<16xf32>
    %div3A_235 = arith.divf %sub3A_234, %scan3A_218#7 : vector<16xf32>
    %sub3A_236 = arith.constant 0.000000e+00 : f32
    %sub3A_237 = vector.broadcast %sub3A_236 : f32 to vector<16xf32>
    %sub3A_238 = arith.subf %sub3A_237, %scan3A_218#8 : vector<16xf32>
    %div3A_239 = arith.divf %sub3A_238, %scan3A_218#9 : vector<16xf32>
    %sub3A_240 = arith.constant 0.000000e+00 : f32
    %sub3A_241 = vector.broadcast %sub3A_240 : f32 to vector<16xf32>
    %sub3A_242 = arith.subf %sub3A_241, %scan3A_218#10 : vector<16xf32>
    %div3A_243 = arith.divf %sub3A_242, %scan3A_218#11 : vector<16xf32>
    %sub3A_244 = arith.constant 0.000000e+00 : f32
    %sub3A_245 = vector.broadcast %sub3A_244 : f32 to vector<16xf32>
    %sub3A_246 = arith.subf %sub3A_245, %scan3A_218#12 : vector<16xf32>
    %div3A_247 = arith.divf %sub3A_246, %scan3A_218#13 : vector<16xf32>
    %sub3A_248 = arith.constant 0.000000e+00 : f32
    %sub3A_249 = vector.broadcast %sub3A_248 : f32 to vector<16xf32>
    %sub3A_250 = arith.subf %sub3A_249, %scan3A_218#14 : vector<16xf32>
    %div3A_251 = arith.divf %sub3A_250, %scan3A_218#15 : vector<16xf32>
    %scan3A_252 = arith.constant 0 : i32
    %scan3A_253 = arith.constant 0 : i32
    %scan3A_254 = arith.constant 200 : i32
    %scan3A_255 = arith.addi %scan3A_253, %scan3A_254 : i32
    %scan3A_256 = arith.constant 1 : i32
    scf.for %scan3A_512 = %scan3A_253 to %scan3A_255 step %scan3A_256  : i32 {
      %get3A_513 = arith.constant 1 : i32
      %get3A_514 = arith.index_cast %get3A_513 : i32 to index
      %get3A_515 = arith.index_cast %scan3A_512 : i32 to index
      %get3A_516 = arith.constant 0 : index
      %get3A_517 = tpu.vector_load %arg8[%get3A_514, %get3A_515, %get3A_516] {strides = array<i32>} : memref<2x200x128xf32, #tpu.memory_space<vmem>>, vector<16xf32>,
      %get3A_518 = arith.constant 1 : i32
      %get3A_519 = arith.index_cast %get3A_518 : i32 to index
      %get3A_520 = arith.index_cast %scan3A_512 : i32 to index
      %get3A_521 = arith.constant 0 : index
      %get3A_522 = tpu.vector_load %arg7[%get3A_519, %get3A_520, %get3A_521] {strides = array<i32>} : memref<2x200x128xf32, #tpu.memory_space<vmem>>, vector<16xf32>,
      %bitcast3A = vector.bitcast %get3A_522 : vector<16xf32> to vector<16xi32>
      %lt3A = arith.constant 0 : i32
      %lt3A_523 = vector.broadcast %lt3A : i32 to vector<16xi32>
      %lt3A_524 = arith.cmpi slt, %bitcast3A, %lt3A_523 : vector<16xi32>
      %add3A_525 = arith.constant 16 : i32
      %add3A_526 = vector.broadcast %add3A_525 : i32 to vector<16xi32>
      %add3A_527 = arith.addi %bitcast3A, %add3A_526 : vector<16xi32>
      %select_n3A = arith.select %lt3A_524, %add3A_527, %bitcast3A : vector<16xi1>, vector<16xi32>
      %reshape3A = vector.shape_cast %select_n3A : vector<16xi32> to vector<16x1xi32>
      %gather3A = vector.shape_cast %reshape3A : vector<16x1xi32> to vector<16xi32>
      %gather3A_528 = tpu.dynamic_gather %get3A_33[%gather3A] in [0] : vector<16xf32>, vector<16xi32> -> vector<16xf32>
      %mul3A_529 = arith.mulf %div3A_223, %gather3A_528 : vector<16xf32>
      %add3A_530 = arith.addf %get3A_517, %mul3A_529 : vector<16xf32>
      %swap3A = arith.constant 1 : i32
      %swap3A_531 = arith.index_cast %swap3A : i32 to index
      %swap3A_532 = arith.index_cast %scan3A_512 : i32 to index
      %swap3A_533 = arith.constant 0 : index
      %swap3A_534 = tpu.vector_load %arg7[%swap3A_531, %swap3A_532, %swap3A_533] {strides = array<i32>} : memref<2x200x128xf32, #tpu.memory_space<vmem>>, vector<16xf32>,
      tpu.vector_store %arg7[%swap3A_531, %swap3A_532, %swap3A_533], %add3A_530 {strides = array<i32>} : memref<2x200x128xf32, #tpu.memory_space<vmem>>, vector<16xf32>,
      %get3A_535 = arith.constant 1 : i32
      %get3A_536 = arith.index_cast %get3A_535 : i32 to index
      %get3A_537 = arith.index_cast %scan3A_512 : i32 to index
      %get3A_538 = arith.constant 16 : index
      %get3A_539 = tpu.vector_load %arg8[%get3A_536, %get3A_537, %get3A_538] {strides = array<i32>} : memref<2x200x128xf32, #tpu.memory_space<vmem>>, vector<16xf32>,
      %get3A_540 = arith.constant 1 : i32
      %get3A_541 = arith.index_cast %get3A_540 : i32 to index
      %get3A_542 = arith.index_cast %scan3A_512 : i32 to index
      %get3A_543 = arith.constant 16 : index
      %get3A_544 = tpu.vector_load %arg7[%get3A_541, %get3A_542, %get3A_543] {strides = array<i32>} : memref<2x200x128xf32, #tpu.memory_space<vmem>>, vector<16xf32>,
      %bitcast3A_545 = vector.bitcast %get3A_544 : vector<16xf32> to vector<16xi32>
      %lt3A_546 = arith.constant 0 : i32
      %lt3A_547 = vector.broadcast %lt3A_546 : i32 to vector<16xi32>
      %lt3A_548 = arith.cmpi slt, %bitcast3A_545, %lt3A_547 : vector<16xi32>
      %add3A_549 = arith.constant 16 : i32
      %add3A_550 = vector.broadcast %add3A_549 : i32 to vector<16xi32>
      %add3A_551 = arith.addi %bitcast3A_545, %add3A_550 : vector<16xi32>
      %select_n3A_552 = arith.select %lt3A_548, %add3A_551, %bitcast3A_545 : vector<16xi1>, vector<16xi32>
      %reshape3A_553 = vector.shape_cast %select_n3A_552 : vector<16xi32> to vector<16x1xi32>
      %gather3A_554 = vector.shape_cast %reshape3A_553 : vector<16x1xi32> to vector<16xi32>
      %gather3A_555 = tpu.dynamic_gather %get3A_33[%gather3A_554] in [0] : vector<16xf32>, vector<16xi32> -> vector<16xf32>
      %mul3A_556 = arith.mulf %div3A_227, %gather3A_555 : vector<16xf32>
      %add3A_557 = arith.addf %get3A_539, %mul3A_556 : vector<16xf32>
      %swap3A_558 = arith.constant 1 : i32
      %swap3A_559 = arith.index_cast %swap3A_558 : i32 to index
      %swap3A_560 = arith.index_cast %scan3A_512 : i32 to index
      %swap3A_561 = arith.constant 16 : index
      %swap3A_562 = tpu.vector_load %arg7[%swap3A_559, %swap3A_560, %swap3A_561] {strides = array<i32>} : memref<2x200x128xf32, #tpu.memory_space<vmem>>, vector<16xf32>,
      tpu.vector_store %arg7[%swap3A_559, %swap3A_560, %swap3A_561], %add3A_557 {strides = array<i32>} : memref<2x200x128xf32, #tpu.memory_space<vmem>>, vector<16xf32>,
      %get3A_563 = arith.constant 1 : i32
      %get3A_564 = arith.index_cast %get3A_563 : i32 to index
      %get3A_565 = arith.index_cast %scan3A_512 : i32 to index
      %get3A_566 = arith.constant 32 : index
      %get3A_567 = tpu.vector_load %arg8[%get3A_564, %get3A_565, %get3A_566] {strides = array<i32>} : memref<2x200x128xf32, #tpu.memory_space<vmem>>, vector<16xf32>,
      %get3A_568 = arith.constant 1 : i32
      %get3A_569 = arith.index_cast %get3A_568 : i32 to index
      %get3A_570 = arith.index_cast %scan3A_512 : i32 to index
      %get3A_571 = arith.constant 32 : index
      %get3A_572 = tpu.vector_load %arg7[%get3A_569, %get3A_570, %get3A_571] {strides = array<i32>} : memref<2x200x128xf32, #tpu.memory_space<vmem>>, vector<16xf32>,
      %bitcast3A_573 = vector.bitcast %get3A_572 : vector<16xf32> to vector<16xi32>
      %lt3A_574 = arith.constant 0 : i32
      %lt3A_575 = vector.broadcast %lt3A_574 : i32 to vector<16xi32>
      %lt3A_576 = arith.cmpi slt, %bitcast3A_573, %lt3A_575 : vector<16xi32>
      %add3A_577 = arith.constant 16 : i32
      %add3A_578 = vector.broadcast %add3A_577 : i32 to vector<16xi32>
      %add3A_579 = arith.addi %bitcast3A_573, %add3A_578 : vector<16xi32>
      %select_n3A_580 = arith.select %lt3A_576, %add3A_579, %bitcast3A_573 : vector<16xi1>, vector<16xi32>
      %reshape3A_581 = vector.shape_cast %select_n3A_580 : vector<16xi32> to vector<16x1xi32>
      %gather3A_582 = vector.shape_cast %reshape3A_581 : vector<16x1xi32> to vector<16xi32>
      %gather3A_583 = tpu.dynamic_gather %get3A_33[%gather3A_582] in [0] : vector<16xf32>, vector<16xi32> -> vector<16xf32>
      %mul3A_584 = arith.mulf %div3A_231, %gather3A_583 : vector<16xf32>
      %add3A_585 = arith.addf %get3A_567, %mul3A_584 : vector<16xf32>
      %swap3A_586 = arith.constant 1 : i32
      %swap3A_587 = arith.index_cast %swap3A_586 : i32 to index
      %swap3A_588 = arith.index_cast %scan3A_512 : i32 to index
      %swap3A_589 = arith.constant 32 : index
      %swap3A_590 = tpu.vector_load %arg7[%swap3A_587, %swap3A_588, %swap3A_589] {strides = array<i32>} : memref<2x200x128xf32, #tpu.memory_space<vmem>>, vector<16xf32>,
      tpu.vector_store %arg7[%swap3A_587, %swap3A_588, %swap3A_589], %add3A_585 {strides = array<i32>} : memref<2x200x128xf32, #tpu.memory_space<vmem>>, vector<16xf32>,
      %get3A_591 = arith.constant 1 : i32
      %get3A_592 = arith.index_cast %get3A_591 : i32 to index
      %get3A_593 = arith.index_cast %scan3A_512 : i32 to index
      %get3A_594 = arith.constant 48 : index
      %get3A_595 = tpu.vector_load %arg8[%get3A_592, %get3A_593, %get3A_594] {strides = array<i32>} : memref<2x200x128xf32, #tpu.memory_space<vmem>>, vector<16xf32>,
      %get3A_596 = arith.constant 1 : i32
      %get3A_597 = arith.index_cast %get3A_596 : i32 to index
      %get3A_598 = arith.index_cast %scan3A_512 : i32 to index
      %get3A_599 = arith.constant 48 : index
      %get3A_600 = tpu.vector_load %arg7[%get3A_597, %get3A_598, %get3A_599] {strides = array<i32>} : memref<2x200x128xf32, #tpu.memory_space<vmem>>, vector<16xf32>,
      %bitcast3A_601 = vector.bitcast %get3A_600 : vector<16xf32> to vector<16xi32>
      %lt3A_602 = arith.constant 0 : i32
      %lt3A_603 = vector.broadcast %lt3A_602 : i32 to vector<16xi32>
      %lt3A_604 = arith.cmpi slt, %bitcast3A_601, %lt3A_603 : vector<16xi32>
      %add3A_605 = arith.constant 16 : i32
      %add3A_606 = vector.broadcast %add3A_605 : i32 to vector<16xi32>
      %add3A_607 = arith.addi %bitcast3A_601, %add3A_606 : vector<16xi32>
      %select_n3A_608 = arith.select %lt3A_604, %add3A_607, %bitcast3A_601 : vector<16xi1>, vector<16xi32>
      %reshape3A_609 = vector.shape_cast %select_n3A_608 : vector<16xi32> to vector<16x1xi32>
      %gather3A_610 = vector.shape_cast %reshape3A_609 : vector<16x1xi32> to vector<16xi32>
      %gather3A_611 = tpu.dynamic_gather %get3A_33[%gather3A_610] in [0] : vector<16xf32>, vector<16xi32> -> vector<16xf32>
      %mul3A_612 = arith.mulf %div3A_235, %gather3A_611 : vector<16xf32>
      %add3A_613 = arith.addf %get3A_595, %mul3A_612 : vector<16xf32>
      %swap3A_614 = arith.constant 1 : i32
      %swap3A_615 = arith.index_cast %swap3A_614 : i32 to index
      %swap3A_616 = arith.index_cast %scan3A_512 : i32 to index
      %swap3A_617 = arith.constant 48 : index
      %swap3A_618 = tpu.vector_load %arg7[%swap3A_615, %swap3A_616, %swap3A_617] {strides = array<i32>} : memref<2x200x128xf32, #tpu.memory_space<vmem>>, vector<16xf32>,
      tpu.vector_store %arg7[%swap3A_615, %swap3A_616, %swap3A_617], %add3A_613 {strides = array<i32>} : memref<2x200x128xf32, #tpu.memory_space<vmem>>, vector<16xf32>,
      %get3A_619 = arith.constant 1 : i32
      %get3A_620 = arith.index_cast %get3A_619 : i32 to index
      %get3A_621 = arith.index_cast %scan3A_512 : i32 to index
      %get3A_622 = arith.constant 64 : index
      %get3A_623 = tpu.vector_load %arg8[%get3A_620, %get3A_621, %get3A_622] {strides = array<i32>} : memref<2x200x128xf32, #tpu.memory_space<vmem>>, vector<16xf32>,
      %get3A_624 = arith.constant 1 : i32
      %get3A_625 = arith.index_cast %get3A_624 : i32 to index
      %get3A_626 = arith.index_cast %scan3A_512 : i32 to index
      %get3A_627 = arith.constant 64 : index
      %get3A_628 = tpu.vector_load %arg7[%get3A_625, %get3A_626, %get3A_627] {strides = array<i32>} : memref<2x200x128xf32, #tpu.memory_space<vmem>>, vector<16xf32>,
      %bitcast3A_629 = vector.bitcast %get3A_628 : vector<16xf32> to vector<16xi32>
      %lt3A_630 = arith.constant 0 : i32
      %lt3A_631 = vector.broadcast %lt3A_630 : i32 to vector<16xi32>
      %lt3A_632 = arith.cmpi slt, %bitcast3A_629, %lt3A_631 : vector<16xi32>
      %add3A_633 = arith.constant 16 : i32
      %add3A_634 = vector.broadcast %add3A_633 : i32 to vector<16xi32>
      %add3A_635 = arith.addi %bitcast3A_629, %add3A_634 : vector<16xi32>
      %select_n3A_636 = arith.select %lt3A_632, %add3A_635, %bitcast3A_629 : vector<16xi1>, vector<16xi32>
      %reshape3A_637 = vector.shape_cast %select_n3A_636 : vector<16xi32> to vector<16x1xi32>
      %gather3A_638 = vector.shape_cast %reshape3A_637 : vector<16x1xi32> to vector<16xi32>
      %gather3A_639 = tpu.dynamic_gather %get3A_33[%gather3A_638] in [0] : vector<16xf32>, vector<16xi32> -> vector<16xf32>
      %mul3A_640 = arith.mulf %div3A_239, %gather3A_639 : vector<16xf32>
      %add3A_641 = arith.addf %get3A_623, %mul3A_640 : vector<16xf32>
      %swap3A_642 = arith.constant 1 : i32
      %swap3A_643 = arith.index_cast %swap3A_642 : i32 to index
      %swap3A_644 = arith.index_cast %scan3A_512 : i32 to index
      %swap3A_645 = arith.constant 64 : index
      %swap3A_646 = tpu.vector_load %arg7[%swap3A_643, %swap3A_644, %swap3A_645] {strides = array<i32>} : memref<2x200x128xf32, #tpu.memory_space<vmem>>, vector<16xf32>,
      tpu.vector_store %arg7[%swap3A_643, %swap3A_644, %swap3A_645], %add3A_641 {strides = array<i32>} : memref<2x200x128xf32, #tpu.memory_space<vmem>>, vector<16xf32>,
      %get3A_647 = arith.constant 1 : i32
      %get3A_648 = arith.index_cast %get3A_647 : i32 to index
      %get3A_649 = arith.index_cast %scan3A_512 : i32 to index
      %get3A_650 = arith.constant 80 : index
      %get3A_651 = tpu.vector_load %arg8[%get3A_648, %get3A_649, %get3A_650] {strides = array<i32>} : memref<2x200x128xf32, #tpu.memory_space<vmem>>, vector<16xf32>,
      %get3A_652 = arith.constant 1 : i32
      %get3A_653 = arith.index_cast %get3A_652 : i32 to index
      %get3A_654 = arith.index_cast %scan3A_512 : i32 to index
      %get3A_655 = arith.constant 80 : index
      %get3A_656 = tpu.vector_load %arg7[%get3A_653, %get3A_654, %get3A_655] {strides = array<i32>} : memref<2x200x128xf32, #tpu.memory_space<vmem>>, vector<16xf32>,
      %bitcast3A_657 = vector.bitcast %get3A_656 : vector<16xf32> to vector<16xi32>
      %lt3A_658 = arith.constant 0 : i32
      %lt3A_659 = vector.broadcast %lt3A_658 : i32 to vector<16xi32>
      %lt3A_660 = arith.cmpi slt, %bitcast3A_657, %lt3A_659 : vector<16xi32>
      %add3A_661 = arith.constant 16 : i32
      %add3A_662 = vector.broadcast %add3A_661 : i32 to vector<16xi32>
      %add3A_663 = arith.addi %bitcast3A_657, %add3A_662 : vector<16xi32>
      %select_n3A_664 = arith.select %lt3A_660, %add3A_663, %bitcast3A_657 : vector<16xi1>, vector<16xi32>
      %reshape3A_665 = vector.shape_cast %select_n3A_664 : vector<16xi32> to vector<16x1xi32>
      %gather3A_666 = vector.shape_cast %reshape3A_665 : vector<16x1xi32> to vector<16xi32>
      %gather3A_667 = tpu.dynamic_gather %get3A_33[%gather3A_666] in [0] : vector<16xf32>, vector<16xi32> -> vector<16xf32>
      %mul3A_668 = arith.mulf %div3A_243, %gather3A_667 : vector<16xf32>
      %add3A_669 = arith.addf %get3A_651, %mul3A_668 : vector<16xf32>
      %swap3A_670 = arith.constant 1 : i32
      %swap3A_671 = arith.index_cast %swap3A_670 : i32 to index
      %swap3A_672 = arith.index_cast %scan3A_512 : i32 to index
      %swap3A_673 = arith.constant 80 : index
      %swap3A_674 = tpu.vector_load %arg7[%swap3A_671, %swap3A_672, %swap3A_673] {strides = array<i32>} : memref<2x200x128xf32, #tpu.memory_space<vmem>>, vector<16xf32>,
      tpu.vector_store %arg7[%swap3A_671, %swap3A_672, %swap3A_673], %add3A_669 {strides = array<i32>} : memref<2x200x128xf32, #tpu.memory_space<vmem>>, vector<16xf32>,
      %get3A_675 = arith.constant 1 : i32
      %get3A_676 = arith.index_cast %get3A_675 : i32 to index
      %get3A_677 = arith.index_cast %scan3A_512 : i32 to index
      %get3A_678 = arith.constant 96 : index
      %get3A_679 = tpu.vector_load %arg8[%get3A_676, %get3A_677, %get3A_678] {strides = array<i32>} : memref<2x200x128xf32, #tpu.memory_space<vmem>>, vector<16xf32>,
      %get3A_680 = arith.constant 1 : i32
      %get3A_681 = arith.index_cast %get3A_680 : i32 to index
      %get3A_682 = arith.index_cast %scan3A_512 : i32 to index
      %get3A_683 = arith.constant 96 : index
      %get3A_684 = tpu.vector_load %arg7[%get3A_681, %get3A_682, %get3A_683] {strides = array<i32>} : memref<2x200x128xf32, #tpu.memory_space<vmem>>, vector<16xf32>,
      %bitcast3A_685 = vector.bitcast %get3A_684 : vector<16xf32> to vector<16xi32>
      %lt3A_686 = arith.constant 0 : i32
      %lt3A_687 = vector.broadcast %lt3A_686 : i32 to vector<16xi32>
      %lt3A_688 = arith.cmpi slt, %bitcast3A_685, %lt3A_687 : vector<16xi32>
      %add3A_689 = arith.constant 16 : i32
      %add3A_690 = vector.broadcast %add3A_689 : i32 to vector<16xi32>
      %add3A_691 = arith.addi %bitcast3A_685, %add3A_690 : vector<16xi32>
      %select_n3A_692 = arith.select %lt3A_688, %add3A_691, %bitcast3A_685 : vector<16xi1>, vector<16xi32>
      %reshape3A_693 = vector.shape_cast %select_n3A_692 : vector<16xi32> to vector<16x1xi32>
      %gather3A_694 = vector.shape_cast %reshape3A_693 : vector<16x1xi32> to vector<16xi32>
      %gather3A_695 = tpu.dynamic_gather %get3A_33[%gather3A_694] in [0] : vector<16xf32>, vector<16xi32> -> vector<16xf32>
      %mul3A_696 = arith.mulf %div3A_247, %gather3A_695 : vector<16xf32>
      %add3A_697 = arith.addf %get3A_679, %mul3A_696 : vector<16xf32>
      %swap3A_698 = arith.constant 1 : i32
      %swap3A_699 = arith.index_cast %swap3A_698 : i32 to index
      %swap3A_700 = arith.index_cast %scan3A_512 : i32 to index
      %swap3A_701 = arith.constant 96 : index
      %swap3A_702 = tpu.vector_load %arg7[%swap3A_699, %swap3A_700, %swap3A_701] {strides = array<i32>} : memref<2x200x128xf32, #tpu.memory_space<vmem>>, vector<16xf32>,
      tpu.vector_store %arg7[%swap3A_699, %swap3A_700, %swap3A_701], %add3A_697 {strides = array<i32>} : memref<2x200x128xf32, #tpu.memory_space<vmem>>, vector<16xf32>,
      %get3A_703 = arith.constant 1 : i32
      %get3A_704 = arith.index_cast %get3A_703 : i32 to index
      %get3A_705 = arith.index_cast %scan3A_512 : i32 to index
      %get3A_706 = arith.constant 112 : index
      %get3A_707 = tpu.vector_load %arg8[%get3A_704, %get3A_705, %get3A_706] {strides = array<i32>} : memref<2x200x128xf32, #tpu.memory_space<vmem>>, vector<16xf32>,
      %get3A_708 = arith.constant 1 : i32
      %get3A_709 = arith.index_cast %get3A_708 : i32 to index
      %get3A_710 = arith.index_cast %scan3A_512 : i32 to index
      %get3A_711 = arith.constant 112 : index
      %get3A_712 = tpu.vector_load %arg7[%get3A_709, %get3A_710, %get3A_711] {strides = array<i32>} : memref<2x200x128xf32, #tpu.memory_space<vmem>>, vector<16xf32>,
      %bitcast3A_713 = vector.bitcast %get3A_712 : vector<16xf32> to vector<16xi32>
      %lt3A_714 = arith.constant 0 : i32
      %lt3A_715 = vector.broadcast %lt3A_714 : i32 to vector<16xi32>
      %lt3A_716 = arith.cmpi slt, %bitcast3A_713, %lt3A_715 : vector<16xi32>
      %add3A_717 = arith.constant 16 : i32
      %add3A_718 = vector.broadcast %add3A_717 : i32 to vector<16xi32>
      %add3A_719 = arith.addi %bitcast3A_713, %add3A_718 : vector<16xi32>
      %select_n3A_720 = arith.select %lt3A_716, %add3A_719, %bitcast3A_713 : vector<16xi1>, vector<16xi32>
      %reshape3A_721 = vector.shape_cast %select_n3A_720 : vector<16xi32> to vector<16x1xi32>
      %gather3A_722 = vector.shape_cast %reshape3A_721 : vector<16x1xi32> to vector<16xi32>
      %gather3A_723 = tpu.dynamic_gather %get3A_33[%gather3A_722] in [0] : vector<16xf32>, vector<16xi32> -> vector<16xf32>
      %mul3A_724 = arith.mulf %div3A_251, %gather3A_723 : vector<16xf32>
      %add3A_725 = arith.addf %get3A_707, %mul3A_724 : vector<16xf32>
      %swap3A_726 = arith.constant 1 : i32
      %swap3A_727 = arith.index_cast %swap3A_726 : i32 to index
      %swap3A_728 = arith.index_cast %scan3A_512 : i32 to index
      %swap3A_729 = arith.constant 112 : index
      %swap3A_730 = tpu.vector_load %arg7[%swap3A_727, %swap3A_728, %swap3A_729] {strides = array<i32>} : memref<2x200x128xf32, #tpu.memory_space<vmem>>, vector<16xf32>,
      tpu.vector_store %arg7[%swap3A_727, %swap3A_728, %swap3A_729], %add3A_725 {strides = array<i32>} : memref<2x200x128xf32, #tpu.memory_space<vmem>>, vector<16xf32>,
    }
    %scan3A_257 = arith.constant 200 : i32
    %add3A_258 = arith.constant 128 : i32
    %add3A_259 = arith.addi %mul3A_2, %add3A_258 : i32
    %dma_start3A_260 = arith.constant 1 : i32
    %dma_start3A_261 = arith.constant 0 : i32
    %dma_start3A_262 = arith.constant 0 : i32
    %dma_start3A_263 = tpu.memref_slice %arg7[%dma_start3A_260, %dma_start3A_261, %dma_start3A_262] : memref<2x200x128xf32, #tpu.memory_space<vmem>> -> memref<1x200x128xf32, #tpu.memory_space<vmem>>
    %dma_start3A_264 = tpu.memref_squeeze %dma_start3A_263 : memref<1x200x128xf32, #tpu.memory_space<vmem>> -> memref<200x128xf32, #tpu.memory_space<vmem>>
    %dma_start3A_265 = arith.constant 0 : i32
    %dma_start3A_266 = tpu.memref_slice %arg5[%dma_start3A_265, %add3A_259] : memref<200x16384xf32, #tpu.memory_space<hbm>> -> memref<200x128xf32, #tpu.memory_space<hbm>>
    %dma_start3A_267 = arith.constant 0 : i32
    %dma_start3A_268 = tpu.memref_slice %arg5[%dma_start3A_267, %add3A_259] : memref<200x16384xf32, #tpu.memory_space<hbm>> -> memref<200x128xf32, #tpu.memory_space<hbm>>
    %dma_start3A_269 = arith.constant 0 : i32
    %dma_start3A_270 = arith.constant 0 : i32
    %dma_start3A_271 = tpu.memref_slice %arg7[%dma_start3A_260, %dma_start3A_269, %dma_start3A_270] : memref<2x200x128xf32, #tpu.memory_space<vmem>> -> memref<1x200x128xf32, #tpu.memory_space<vmem>>
    %dma_start3A_272 = tpu.memref_squeeze %dma_start3A_271 : memref<1x200x128xf32, #tpu.memory_space<vmem>> -> memref<200x128xf32, #tpu.memory_space<vmem>>
    tpu.enqueue_dma source(%dma_start3A_272 : memref<200x128xf32, #tpu.memory_space<vmem>>) target(%dma_start3A_268 : memref<200x128xf32, #tpu.memory_space<hbm>>) target_semaphore(%arg14 : memref<!tpu.dma_semaphore, #tpu.memory_space<semaphore_mem>>)
    %dma_wait3A_273 = arith.constant 1 : i32
    %dma_wait3A_274 = arith.constant 0 : i32
    %dma_wait3A_275 = arith.constant 0 : i32
    %dma_wait3A_276 = tpu.memref_slice %arg7[%dma_wait3A_273, %dma_wait3A_274, %dma_wait3A_275] : memref<2x200x128xf32, #tpu.memory_space<vmem>> -> memref<1x200x128xf32, #tpu.memory_space<vmem>>
    %dma_wait3A_277 = tpu.memref_squeeze %dma_wait3A_276 : memref<1x200x128xf32, #tpu.memory_space<vmem>> -> memref<200x128xf32, #tpu.memory_space<vmem>>
    %dma_wait3A_278 = arith.constant 0 : i32
    %dma_wait3A_279 = tpu.memref_slice %arg5[%dma_wait3A_278, %add3A_259] : memref<200x16384xf32, #tpu.memory_space<hbm>> -> memref<200x128xf32, #tpu.memory_space<hbm>>
    %dma_wait3A_280 = arith.constant 0 : i32
    %dma_wait3A_281 = tpu.memref_slice %arg5[%dma_wait3A_280, %add3A_259] : memref<200x16384xf32, #tpu.memory_space<hbm>> -> memref<200x128xf32, #tpu.memory_space<hbm>>
    %dma_wait3A_282 = arith.constant 0 : i32
    %dma_wait3A_283 = arith.constant 0 : i32
    %dma_wait3A_284 = tpu.memref_slice %arg7[%dma_wait3A_273, %dma_wait3A_282, %dma_wait3A_283] : memref<2x200x128xf32, #tpu.memory_space<vmem>> -> memref<1x200x128xf32, #tpu.memory_space<vmem>>
    %dma_wait3A_285 = tpu.memref_squeeze %dma_wait3A_284 : memref<1x200x128xf32, #tpu.memory_space<vmem>> -> memref<200x128xf32, #tpu.memory_space<vmem>>
    tpu.wait_dma2 semaphore(%arg14 : memref<!tpu.dma_semaphore, #tpu.memory_space<semaphore_mem>>) src(%dma_wait3A_285 : memref<200x128xf32, #tpu.memory_space<vmem>>) dst(%dma_wait3A_281 : memref<200x128xf32, #tpu.memory_space<hbm>>)
    %add3A_286 = arith.constant 384 : i32
    %add3A_287 = arith.addi %mul3A_2, %add3A_286 : i32
    %dma_start3A_288 = arith.constant 1 : i32
    %dma_start3A_289 = arith.constant 0 : i32
    %dma_start3A_290 = arith.constant 0 : i32
    %dma_start3A_291 = tpu.memref_slice %arg7[%dma_start3A_288, %dma_start3A_289, %dma_start3A_290] : memref<2x200x128xf32, #tpu.memory_space<vmem>> -> memref<1x200x128xf32, #tpu.memory_space<vmem>>
    %dma_start3A_292 = tpu.memref_squeeze %dma_start3A_291 : memref<1x200x128xf32, #tpu.memory_space<vmem>> -> memref<200x128xf32, #tpu.memory_space<vmem>>
    %dma_start3A_293 = arith.constant 0 : i32
    %dma_start3A_294 = tpu.memref_slice %arg2[%dma_start3A_293, %add3A_287] : memref<200x16384xf32, #tpu.memory_space<hbm>> -> memref<200x128xf32, #tpu.memory_space<hbm>>
    %dma_start3A_295 = arith.constant 0 : i32
    %dma_start3A_296 = arith.constant 0 : i32
    %dma_start3A_297 = tpu.memref_slice %arg7[%dma_start3A_288, %dma_start3A_295, %dma_start3A_296] : memref<2x200x128xf32, #tpu.memory_space<vmem>> -> memref<1x200x128xf32, #tpu.memory_space<vmem>>
    %dma_start3A_298 = tpu.memref_squeeze %dma_start3A_297 : memref<1x200x128xf32, #tpu.memory_space<vmem>> -> memref<200x128xf32, #tpu.memory_space<vmem>>
    %dma_start3A_299 = arith.constant 0 : i32
    %dma_start3A_300 = tpu.memref_slice %arg2[%dma_start3A_299, %add3A_287] : memref<200x16384xf32, #tpu.memory_space<hbm>> -> memref<200x128xf32, #tpu.memory_space<hbm>>
    tpu.enqueue_dma source(%dma_start3A_300 : memref<200x128xf32, #tpu.memory_space<hbm>>) target(%dma_start3A_298 : memref<200x128xf32, #tpu.memory_space<vmem>>) target_semaphore(%arg10 : memref<!tpu.dma_semaphore, #tpu.memory_space<semaphore_mem>>)
    %add3A_301 = arith.constant 384 : i32
    %add3A_302 = arith.addi %mul3A_2, %add3A_301 : i32
    %dma_start3A_303 = arith.constant 1 : i32
    %dma_start3A_304 = arith.constant 0 : i32
    %dma_start3A_305 = arith.constant 0 : i32
    %dma_start3A_306 = tpu.memref_slice %arg8[%dma_start3A_303, %dma_start3A_304, %dma_start3A_305] : memref<2x200x128xf32, #tpu.memory_space<vmem>> -> memref<1x200x128xf32, #tpu.memory_space<vmem>>
    %dma_start3A_307 = tpu.memref_squeeze %dma_start3A_306 : memref<1x200x128xf32, #tpu.memory_space<vmem>> -> memref<200x128xf32, #tpu.memory_space<vmem>>
    %dma_start3A_308 = arith.constant 0 : i32
    %dma_start3A_309 = tpu.memref_slice %arg3[%dma_start3A_308, %add3A_302] : memref<200x16384xf32, #tpu.memory_space<hbm>> -> memref<200x128xf32, #tpu.memory_space<hbm>>
    %dma_start3A_310 = arith.constant 0 : i32
    %dma_start3A_311 = arith.constant 0 : i32
    %dma_start3A_312 = tpu.memref_slice %arg8[%dma_start3A_303, %dma_start3A_310, %dma_start3A_311] : memref<2x200x128xf32, #tpu.memory_space<vmem>> -> memref<1x200x128xf32, #tpu.memory_space<vmem>>
    %dma_start3A_313 = tpu.memref_squeeze %dma_start3A_312 : memref<1x200x128xf32, #tpu.memory_space<vmem>> -> memref<200x128xf32, #tpu.memory_space<vmem>>
    %dma_start3A_314 = arith.constant 0 : i32
    %dma_start3A_315 = tpu.memref_slice %arg3[%dma_start3A_314, %add3A_302] : memref<200x16384xf32, #tpu.memory_space<hbm>> -> memref<200x128xf32, #tpu.memory_space<hbm>>
    tpu.enqueue_dma source(%dma_start3A_315 : memref<200x128xf32, #tpu.memory_space<hbm>>) target(%dma_start3A_313 : memref<200x128xf32, #tpu.memory_space<vmem>>) target_semaphore(%arg12 : memref<!tpu.dma_semaphore, #tpu.memory_space<semaphore_mem>>)
    %dma_wait3A_316 = arith.constant 0 : i32
    %dma_wait3A_317 = arith.constant 0 : i32
    %dma_wait3A_318 = arith.constant 0 : i32
    %dma_wait3A_319 = tpu.memref_slice %arg7[%dma_wait3A_316, %dma_wait3A_317, %dma_wait3A_318] : memref<2x200x128xf32, #tpu.memory_space<vmem>> -> memref<1x200x128xf32, #tpu.memory_space<vmem>>
    %dma_wait3A_320 = tpu.memref_squeeze %dma_wait3A_319 : memref<1x200x128xf32, #tpu.memory_space<vmem>> -> memref<200x128xf32, #tpu.memory_space<vmem>>
    %dma_wait3A_321 = arith.constant 0 : i32
    %dma_wait3A_322 = tpu.memref_slice %arg2[%dma_wait3A_321, %add3A_159] : memref<200x16384xf32, #tpu.memory_space<hbm>> -> memref<200x128xf32, #tpu.memory_space<hbm>>
    %dma_wait3A_323 = arith.constant 0 : i32
    %dma_wait3A_324 = arith.constant 0 : i32
    %dma_wait3A_325 = tpu.memref_slice %arg7[%dma_wait3A_316, %dma_wait3A_323, %dma_wait3A_324] : memref<2x200x128xf32, #tpu.memory_space<vmem>> -> memref<1x200x128xf32, #tpu.memory_space<vmem>>
    %dma_wait3A_326 = tpu.memref_squeeze %dma_wait3A_325 : memref<1x200x128xf32, #tpu.memory_space<vmem>> -> memref<200x128xf32, #tpu.memory_space<vmem>>
    %dma_wait3A_327 = arith.constant 0 : i32
    %dma_wait3A_328 = tpu.memref_slice %arg2[%dma_wait3A_327, %add3A_159] : memref<200x16384xf32, #tpu.memory_space<hbm>> -> memref<200x128xf32, #tpu.memory_space<hbm>>
    tpu.wait_dma2 semaphore(%arg9 : memref<!tpu.dma_semaphore, #tpu.memory_space<semaphore_mem>>) src(%dma_wait3A_328 : memref<200x128xf32, #tpu.memory_space<hbm>>) dst(%dma_wait3A_326 : memref<200x128xf32, #tpu.memory_space<vmem>>)
    %dma_wait3A_329 = arith.constant 0 : i32
    %dma_wait3A_330 = arith.constant 0 : i32
    %dma_wait3A_331 = arith.constant 0 : i32
    %dma_wait3A_332 = tpu.memref_slice %arg8[%dma_wait3A_329, %dma_wait3A_330, %dma_wait3A_331] : memref<2x200x128xf32, #tpu.memory_space<vmem>> -> memref<1x200x128xf32, #tpu.memory_space<vmem>>
    %dma_wait3A_333 = tpu.memref_squeeze %dma_wait3A_332 : memref<1x200x128xf32, #tpu.memory_space<vmem>> -> memref<200x128xf32, #tpu.memory_space<vmem>>
    %dma_wait3A_334 = arith.constant 0 : i32
    %dma_wait3A_335 = tpu.memref_slice %arg3[%dma_wait3A_334, %add3A_174] : memref<200x16384xf32, #tpu.memory_space<hbm>> -> memref<200x128xf32, #tpu.memory_space<hbm>>
    %dma_wait3A_336 = arith.constant 0 : i32
    %dma_wait3A_337 = arith.constant 0 : i32
    %dma_wait3A_338 = tpu.memref_slice %arg8[%dma_wait3A_329, %dma_wait3A_336, %dma_wait3A_337] : memref<2x200x128xf32, #tpu.memory_space<vmem>> -> memref<1x200x128xf32, #tpu.memory_space<vmem>>
    %dma_wait3A_339 = tpu.memref_squeeze %dma_wait3A_338 : memref<1x200x128xf32, #tpu.memory_space<vmem>> -> memref<200x128xf32, #tpu.memory_space<vmem>>
    %dma_wait3A_340 = arith.constant 0 : i32
    %dma_wait3A_341 = tpu.memref_slice %arg3[%dma_wait3A_340, %add3A_174] : memref<200x16384xf32, #tpu.memory_space<hbm>> -> memref<200x128xf32, #tpu.memory_space<hbm>>
    tpu.wait_dma2 semaphore(%arg11 : memref<!tpu.dma_semaphore, #tpu.memory_space<semaphore_mem>>) src(%dma_wait3A_341 : memref<200x128xf32, #tpu.memory_space<hbm>>) dst(%dma_wait3A_339 : memref<200x128xf32, #tpu.memory_space<vmem>>)
    %scan3A_342 = arith.constant 0 : i32
    %scan3A_343 = arith.constant 200 : i32
    %scan3A_344 = arith.addi %scan3A_342, %scan3A_343 : i32
    %scan3A_345 = arith.constant 1 : i32
    %scan3A_346:16 = scf.for %scan3A_512 = %scan3A_342 to %scan3A_344 step %scan3A_345 iter_args(%scan3A_513 = %broadcast_in_dim3A_3, %scan3A_514 = %broadcast_in_dim3A_3, %scan3A_515 = %broadcast_in_dim3A_3, %scan3A_516 = %broadcast_in_dim3A_3, %scan3A_517 = %broadcast_in_dim3A_3, %scan3A_518 = %broadcast_in_dim3A_3, %scan3A_519 = %broadcast_in_dim3A_3, %scan3A_520 = %broadcast_in_dim3A_3, %scan3A_521 = %broadcast_in_dim3A_3, %scan3A_522 = %broadcast_in_dim3A_3, %scan3A_523 = %broadcast_in_dim3A_3, %scan3A_524 = %broadcast_in_dim3A_3, %scan3A_525 = %broadcast_in_dim3A_3, %scan3A_526 = %broadcast_in_dim3A_3, %scan3A_527 = %broadcast_in_dim3A_3, %scan3A_528 = %broadcast_in_dim3A_3) -> (vector<16xf32>, vector<16xf32>, vector<16xf32>, vector<16xf32>, vector<16xf32>, vector<16xf32>, vector<16xf32>, vector<16xf32>, vector<16xf32>, vector<16xf32>, vector<16xf32>, vector<16xf32>, vector<16xf32>, vector<16xf32>, vector<16xf32>, vector<16xf32>)  : i32 {
      %get3A_529 = arith.constant 0 : i32
      %get3A_530 = arith.index_cast %get3A_529 : i32 to index
      %get3A_531 = arith.index_cast %scan3A_512 : i32 to index
      %get3A_532 = arith.constant 0 : index
      %get3A_533 = tpu.vector_load %arg8[%get3A_530, %get3A_531, %get3A_532] {strides = array<i32>} : memref<2x200x128xf32, #tpu.memory_space<vmem>>, vector<16xf32>,
      %get3A_534 = arith.constant 0 : i32
      %get3A_535 = arith.index_cast %get3A_534 : i32 to index
      %get3A_536 = arith.index_cast %scan3A_512 : i32 to index
      %get3A_537 = arith.constant 0 : index
      %get3A_538 = tpu.vector_load %arg7[%get3A_535, %get3A_536, %get3A_537] {strides = array<i32>} : memref<2x200x128xf32, #tpu.memory_space<vmem>>, vector<16xf32>,
      %bitcast3A = vector.bitcast %get3A_538 : vector<16xf32> to vector<16xi32>
      %lt3A = arith.constant 0 : i32
      %lt3A_539 = vector.broadcast %lt3A : i32 to vector<16xi32>
      %lt3A_540 = arith.cmpi slt, %bitcast3A, %lt3A_539 : vector<16xi32>
      %add3A_541 = arith.constant 16 : i32
      %add3A_542 = vector.broadcast %add3A_541 : i32 to vector<16xi32>
      %add3A_543 = arith.addi %bitcast3A, %add3A_542 : vector<16xi32>
      %select_n3A = arith.select %lt3A_540, %add3A_543, %bitcast3A : vector<16xi1>, vector<16xi32>
      %reshape3A = vector.shape_cast %select_n3A : vector<16xi32> to vector<16x1xi32>
      %gather3A = vector.shape_cast %reshape3A : vector<16x1xi32> to vector<16xi32>
      %gather3A_544 = tpu.dynamic_gather %get3A_33[%gather3A] in [0] : vector<16xf32>, vector<16xi32> -> vector<16xf32>
      %add3A_545 = arith.addf %scan3A_513, %get3A_533 : vector<16xf32>
      %add3A_546 = arith.addf %scan3A_514, %gather3A_544 : vector<16xf32>
      %get3A_547 = arith.constant 0 : i32
      %get3A_548 = arith.index_cast %get3A_547 : i32 to index
      %get3A_549 = arith.index_cast %scan3A_512 : i32 to index
      %get3A_550 = arith.constant 16 : index
      %get3A_551 = tpu.vector_load %arg8[%get3A_548, %get3A_549, %get3A_550] {strides = array<i32>} : memref<2x200x128xf32, #tpu.memory_space<vmem>>, vector<16xf32>,
      %get3A_552 = arith.constant 0 : i32
      %get3A_553 = arith.index_cast %get3A_552 : i32 to index
      %get3A_554 = arith.index_cast %scan3A_512 : i32 to index
      %get3A_555 = arith.constant 16 : index
      %get3A_556 = tpu.vector_load %arg7[%get3A_553, %get3A_554, %get3A_555] {strides = array<i32>} : memref<2x200x128xf32, #tpu.memory_space<vmem>>, vector<16xf32>,
      %bitcast3A_557 = vector.bitcast %get3A_556 : vector<16xf32> to vector<16xi32>
      %lt3A_558 = arith.constant 0 : i32
      %lt3A_559 = vector.broadcast %lt3A_558 : i32 to vector<16xi32>
      %lt3A_560 = arith.cmpi slt, %bitcast3A_557, %lt3A_559 : vector<16xi32>
      %add3A_561 = arith.constant 16 : i32
      %add3A_562 = vector.broadcast %add3A_561 : i32 to vector<16xi32>
      %add3A_563 = arith.addi %bitcast3A_557, %add3A_562 : vector<16xi32>
      %select_n3A_564 = arith.select %lt3A_560, %add3A_563, %bitcast3A_557 : vector<16xi1>, vector<16xi32>
      %reshape3A_565 = vector.shape_cast %select_n3A_564 : vector<16xi32> to vector<16x1xi32>
      %gather3A_566 = vector.shape_cast %reshape3A_565 : vector<16x1xi32> to vector<16xi32>
      %gather3A_567 = tpu.dynamic_gather %get3A_33[%gather3A_566] in [0] : vector<16xf32>, vector<16xi32> -> vector<16xf32>
      %add3A_568 = arith.addf %scan3A_515, %get3A_551 : vector<16xf32>
      %add3A_569 = arith.addf %scan3A_516, %gather3A_567 : vector<16xf32>
      %get3A_570 = arith.constant 0 : i32
      %get3A_571 = arith.index_cast %get3A_570 : i32 to index
      %get3A_572 = arith.index_cast %scan3A_512 : i32 to index
      %get3A_573 = arith.constant 32 : index
      %get3A_574 = tpu.vector_load %arg8[%get3A_571, %get3A_572, %get3A_573] {strides = array<i32>} : memref<2x200x128xf32, #tpu.memory_space<vmem>>, vector<16xf32>,
      %get3A_575 = arith.constant 0 : i32
      %get3A_576 = arith.index_cast %get3A_575 : i32 to index
      %get3A_577 = arith.index_cast %scan3A_512 : i32 to index
      %get3A_578 = arith.constant 32 : index
      %get3A_579 = tpu.vector_load %arg7[%get3A_576, %get3A_577, %get3A_578] {strides = array<i32>} : memref<2x200x128xf32, #tpu.memory_space<vmem>>, vector<16xf32>,
      %bitcast3A_580 = vector.bitcast %get3A_579 : vector<16xf32> to vector<16xi32>
      %lt3A_581 = arith.constant 0 : i32
      %lt3A_582 = vector.broadcast %lt3A_581 : i32 to vector<16xi32>
      %lt3A_583 = arith.cmpi slt, %bitcast3A_580, %lt3A_582 : vector<16xi32>
      %add3A_584 = arith.constant 16 : i32
      %add3A_585 = vector.broadcast %add3A_584 : i32 to vector<16xi32>
      %add3A_586 = arith.addi %bitcast3A_580, %add3A_585 : vector<16xi32>
      %select_n3A_587 = arith.select %lt3A_583, %add3A_586, %bitcast3A_580 : vector<16xi1>, vector<16xi32>
      %reshape3A_588 = vector.shape_cast %select_n3A_587 : vector<16xi32> to vector<16x1xi32>
      %gather3A_589 = vector.shape_cast %reshape3A_588 : vector<16x1xi32> to vector<16xi32>
      %gather3A_590 = tpu.dynamic_gather %get3A_33[%gather3A_589] in [0] : vector<16xf32>, vector<16xi32> -> vector<16xf32>
      %add3A_591 = arith.addf %scan3A_517, %get3A_574 : vector<16xf32>
      %add3A_592 = arith.addf %scan3A_518, %gather3A_590 : vector<16xf32>
      %get3A_593 = arith.constant 0 : i32
      %get3A_594 = arith.index_cast %get3A_593 : i32 to index
      %get3A_595 = arith.index_cast %scan3A_512 : i32 to index
      %get3A_596 = arith.constant 48 : index
      %get3A_597 = tpu.vector_load %arg8[%get3A_594, %get3A_595, %get3A_596] {strides = array<i32>} : memref<2x200x128xf32, #tpu.memory_space<vmem>>, vector<16xf32>,
      %get3A_598 = arith.constant 0 : i32
      %get3A_599 = arith.index_cast %get3A_598 : i32 to index
      %get3A_600 = arith.index_cast %scan3A_512 : i32 to index
      %get3A_601 = arith.constant 48 : index
      %get3A_602 = tpu.vector_load %arg7[%get3A_599, %get3A_600, %get3A_601] {strides = array<i32>} : memref<2x200x128xf32, #tpu.memory_space<vmem>>, vector<16xf32>,
      %bitcast3A_603 = vector.bitcast %get3A_602 : vector<16xf32> to vector<16xi32>
      %lt3A_604 = arith.constant 0 : i32
      %lt3A_605 = vector.broadcast %lt3A_604 : i32 to vector<16xi32>
      %lt3A_606 = arith.cmpi slt, %bitcast3A_603, %lt3A_605 : vector<16xi32>
      %add3A_607 = arith.constant 16 : i32
      %add3A_608 = vector.broadcast %add3A_607 : i32 to vector<16xi32>
      %add3A_609 = arith.addi %bitcast3A_603, %add3A_608 : vector<16xi32>
      %select_n3A_610 = arith.select %lt3A_606, %add3A_609, %bitcast3A_603 : vector<16xi1>, vector<16xi32>
      %reshape3A_611 = vector.shape_cast %select_n3A_610 : vector<16xi32> to vector<16x1xi32>
      %gather3A_612 = vector.shape_cast %reshape3A_611 : vector<16x1xi32> to vector<16xi32>
      %gather3A_613 = tpu.dynamic_gather %get3A_33[%gather3A_612] in [0] : vector<16xf32>, vector<16xi32> -> vector<16xf32>
      %add3A_614 = arith.addf %scan3A_519, %get3A_597 : vector<16xf32>
      %add3A_615 = arith.addf %scan3A_520, %gather3A_613 : vector<16xf32>
      %get3A_616 = arith.constant 0 : i32
      %get3A_617 = arith.index_cast %get3A_616 : i32 to index
      %get3A_618 = arith.index_cast %scan3A_512 : i32 to index
      %get3A_619 = arith.constant 64 : index
      %get3A_620 = tpu.vector_load %arg8[%get3A_617, %get3A_618, %get3A_619] {strides = array<i32>} : memref<2x200x128xf32, #tpu.memory_space<vmem>>, vector<16xf32>,
      %get3A_621 = arith.constant 0 : i32
      %get3A_622 = arith.index_cast %get3A_621 : i32 to index
      %get3A_623 = arith.index_cast %scan3A_512 : i32 to index
      %get3A_624 = arith.constant 64 : index
      %get3A_625 = tpu.vector_load %arg7[%get3A_622, %get3A_623, %get3A_624] {strides = array<i32>} : memref<2x200x128xf32, #tpu.memory_space<vmem>>, vector<16xf32>,
      %bitcast3A_626 = vector.bitcast %get3A_625 : vector<16xf32> to vector<16xi32>
      %lt3A_627 = arith.constant 0 : i32
      %lt3A_628 = vector.broadcast %lt3A_627 : i32 to vector<16xi32>
      %lt3A_629 = arith.cmpi slt, %bitcast3A_626, %lt3A_628 : vector<16xi32>
      %add3A_630 = arith.constant 16 : i32
      %add3A_631 = vector.broadcast %add3A_630 : i32 to vector<16xi32>
      %add3A_632 = arith.addi %bitcast3A_626, %add3A_631 : vector<16xi32>
      %select_n3A_633 = arith.select %lt3A_629, %add3A_632, %bitcast3A_626 : vector<16xi1>, vector<16xi32>
      %reshape3A_634 = vector.shape_cast %select_n3A_633 : vector<16xi32> to vector<16x1xi32>
      %gather3A_635 = vector.shape_cast %reshape3A_634 : vector<16x1xi32> to vector<16xi32>
      %gather3A_636 = tpu.dynamic_gather %get3A_33[%gather3A_635] in [0] : vector<16xf32>, vector<16xi32> -> vector<16xf32>
      %add3A_637 = arith.addf %scan3A_521, %get3A_620 : vector<16xf32>
      %add3A_638 = arith.addf %scan3A_522, %gather3A_636 : vector<16xf32>
      %get3A_639 = arith.constant 0 : i32
      %get3A_640 = arith.index_cast %get3A_639 : i32 to index
      %get3A_641 = arith.index_cast %scan3A_512 : i32 to index
      %get3A_642 = arith.constant 80 : index
      %get3A_643 = tpu.vector_load %arg8[%get3A_640, %get3A_641, %get3A_642] {strides = array<i32>} : memref<2x200x128xf32, #tpu.memory_space<vmem>>, vector<16xf32>,
      %get3A_644 = arith.constant 0 : i32
      %get3A_645 = arith.index_cast %get3A_644 : i32 to index
      %get3A_646 = arith.index_cast %scan3A_512 : i32 to index
      %get3A_647 = arith.constant 80 : index
      %get3A_648 = tpu.vector_load %arg7[%get3A_645, %get3A_646, %get3A_647] {strides = array<i32>} : memref<2x200x128xf32, #tpu.memory_space<vmem>>, vector<16xf32>,
      %bitcast3A_649 = vector.bitcast %get3A_648 : vector<16xf32> to vector<16xi32>
      %lt3A_650 = arith.constant 0 : i32
      %lt3A_651 = vector.broadcast %lt3A_650 : i32 to vector<16xi32>
      %lt3A_652 = arith.cmpi slt, %bitcast3A_649, %lt3A_651 : vector<16xi32>
      %add3A_653 = arith.constant 16 : i32
      %add3A_654 = vector.broadcast %add3A_653 : i32 to vector<16xi32>
      %add3A_655 = arith.addi %bitcast3A_649, %add3A_654 : vector<16xi32>
      %select_n3A_656 = arith.select %lt3A_652, %add3A_655, %bitcast3A_649 : vector<16xi1>, vector<16xi32>
      %reshape3A_657 = vector.shape_cast %select_n3A_656 : vector<16xi32> to vector<16x1xi32>
      %gather3A_658 = vector.shape_cast %reshape3A_657 : vector<16x1xi32> to vector<16xi32>
      %gather3A_659 = tpu.dynamic_gather %get3A_33[%gather3A_658] in [0] : vector<16xf32>, vector<16xi32> -> vector<16xf32>
      %add3A_660 = arith.addf %scan3A_523, %get3A_643 : vector<16xf32>
      %add3A_661 = arith.addf %scan3A_524, %gather3A_659 : vector<16xf32>
      %get3A_662 = arith.constant 0 : i32
      %get3A_663 = arith.index_cast %get3A_662 : i32 to index
      %get3A_664 = arith.index_cast %scan3A_512 : i32 to index
      %get3A_665 = arith.constant 96 : index
      %get3A_666 = tpu.vector_load %arg8[%get3A_663, %get3A_664, %get3A_665] {strides = array<i32>} : memref<2x200x128xf32, #tpu.memory_space<vmem>>, vector<16xf32>,
      %get3A_667 = arith.constant 0 : i32
      %get3A_668 = arith.index_cast %get3A_667 : i32 to index
      %get3A_669 = arith.index_cast %scan3A_512 : i32 to index
      %get3A_670 = arith.constant 96 : index
      %get3A_671 = tpu.vector_load %arg7[%get3A_668, %get3A_669, %get3A_670] {strides = array<i32>} : memref<2x200x128xf32, #tpu.memory_space<vmem>>, vector<16xf32>,
      %bitcast3A_672 = vector.bitcast %get3A_671 : vector<16xf32> to vector<16xi32>
      %lt3A_673 = arith.constant 0 : i32
      %lt3A_674 = vector.broadcast %lt3A_673 : i32 to vector<16xi32>
      %lt3A_675 = arith.cmpi slt, %bitcast3A_672, %lt3A_674 : vector<16xi32>
      %add3A_676 = arith.constant 16 : i32
      %add3A_677 = vector.broadcast %add3A_676 : i32 to vector<16xi32>
      %add3A_678 = arith.addi %bitcast3A_672, %add3A_677 : vector<16xi32>
      %select_n3A_679 = arith.select %lt3A_675, %add3A_678, %bitcast3A_672 : vector<16xi1>, vector<16xi32>
      %reshape3A_680 = vector.shape_cast %select_n3A_679 : vector<16xi32> to vector<16x1xi32>
      %gather3A_681 = vector.shape_cast %reshape3A_680 : vector<16x1xi32> to vector<16xi32>
      %gather3A_682 = tpu.dynamic_gather %get3A_33[%gather3A_681] in [0] : vector<16xf32>, vector<16xi32> -> vector<16xf32>
      %add3A_683 = arith.addf %scan3A_525, %get3A_666 : vector<16xf32>
      %add3A_684 = arith.addf %scan3A_526, %gather3A_682 : vector<16xf32>
      %get3A_685 = arith.constant 0 : i32
      %get3A_686 = arith.index_cast %get3A_685 : i32 to index
      %get3A_687 = arith.index_cast %scan3A_512 : i32 to index
      %get3A_688 = arith.constant 112 : index
      %get3A_689 = tpu.vector_load %arg8[%get3A_686, %get3A_687, %get3A_688] {strides = array<i32>} : memref<2x200x128xf32, #tpu.memory_space<vmem>>, vector<16xf32>,
      %get3A_690 = arith.constant 0 : i32
      %get3A_691 = arith.index_cast %get3A_690 : i32 to index
      %get3A_692 = arith.index_cast %scan3A_512 : i32 to index
      %get3A_693 = arith.constant 112 : index
      %get3A_694 = tpu.vector_load %arg7[%get3A_691, %get3A_692, %get3A_693] {strides = array<i32>} : memref<2x200x128xf32, #tpu.memory_space<vmem>>, vector<16xf32>,
      %bitcast3A_695 = vector.bitcast %get3A_694 : vector<16xf32> to vector<16xi32>
      %lt3A_696 = arith.constant 0 : i32
      %lt3A_697 = vector.broadcast %lt3A_696 : i32 to vector<16xi32>
      %lt3A_698 = arith.cmpi slt, %bitcast3A_695, %lt3A_697 : vector<16xi32>
      %add3A_699 = arith.constant 16 : i32
      %add3A_700 = vector.broadcast %add3A_699 : i32 to vector<16xi32>
      %add3A_701 = arith.addi %bitcast3A_695, %add3A_700 : vector<16xi32>
      %select_n3A_702 = arith.select %lt3A_698, %add3A_701, %bitcast3A_695 : vector<16xi1>, vector<16xi32>
      %reshape3A_703 = vector.shape_cast %select_n3A_702 : vector<16xi32> to vector<16x1xi32>
      %gather3A_704 = vector.shape_cast %reshape3A_703 : vector<16x1xi32> to vector<16xi32>
      %gather3A_705 = tpu.dynamic_gather %get3A_33[%gather3A_704] in [0] : vector<16xf32>, vector<16xi32> -> vector<16xf32>
      %add3A_706 = arith.addf %scan3A_527, %get3A_689 : vector<16xf32>
      %add3A_707 = arith.addf %scan3A_528, %gather3A_705 : vector<16xf32>
      scf.yield %add3A_545, %add3A_546, %add3A_568, %add3A_569, %add3A_591, %add3A_592, %add3A_614, %add3A_615, %add3A_637, %add3A_638, %add3A_660, %add3A_661, %add3A_683, %add3A_684, %add3A_706, %add3A_707 : vector<16xf32>, vector<16xf32>, vector<16xf32>, vector<16xf32>, vector<16xf32>, vector<16xf32>, vector<16xf32>, vector<16xf32>, vector<16xf32>, vector<16xf32>, vector<16xf32>, vector<16xf32>, vector<16xf32>, vector<16xf32>, vector<16xf32>, vector<16xf32>
    }
    %scan3A_347 = arith.constant 200 : i32
    %sub3A_348 = arith.constant 0.000000e+00 : f32
    %sub3A_349 = vector.broadcast %sub3A_348 : f32 to vector<16xf32>
    %sub3A_350 = arith.subf %sub3A_349, %scan3A_346#0 : vector<16xf32>
    %div3A_351 = arith.divf %sub3A_350, %scan3A_346#1 : vector<16xf32>
    %sub3A_352 = arith.constant 0.000000e+00 : f32
    %sub3A_353 = vector.broadcast %sub3A_352 : f32 to vector<16xf32>
    %sub3A_354 = arith.subf %sub3A_353, %scan3A_346#2 : vector<16xf32>
    %div3A_355 = arith.divf %sub3A_354, %scan3A_346#3 : vector<16xf32>
    %sub3A_356 = arith.constant 0.000000e+00 : f32
    %sub3A_357 = vector.broadcast %sub3A_356 : f32 to vector<16xf32>
    %sub3A_358 = arith.subf %sub3A_357, %scan3A_346#4 : vector<16xf32>
    %div3A_359 = arith.divf %sub3A_358, %scan3A_346#5 : vector<16xf32>
    %sub3A_360 = arith.constant 0.000000e+00 : f32
    %sub3A_361 = vector.broadcast %sub3A_360 : f32 to vector<16xf32>
    %sub3A_362 = arith.subf %sub3A_361, %scan3A_346#6 : vector<16xf32>
    %div3A_363 = arith.divf %sub3A_362, %scan3A_346#7 : vector<16xf32>
    %sub3A_364 = arith.constant 0.000000e+00 : f32
    %sub3A_365 = vector.broadcast %sub3A_364 : f32 to vector<16xf32>
    %sub3A_366 = arith.subf %sub3A_365, %scan3A_346#8 : vector<16xf32>
    %div3A_367 = arith.divf %sub3A_366, %scan3A_346#9 : vector<16xf32>
    %sub3A_368 = arith.constant 0.000000e+00 : f32
    %sub3A_369 = vector.broadcast %sub3A_368 : f32 to vector<16xf32>
    %sub3A_370 = arith.subf %sub3A_369, %scan3A_346#10 : vector<16xf32>
    %div3A_371 = arith.divf %sub3A_370, %scan3A_346#11 : vector<16xf32>
    %sub3A_372 = arith.constant 0.000000e+00 : f32
    %sub3A_373 = vector.broadcast %sub3A_372 : f32 to vector<16xf32>
    %sub3A_374 = arith.subf %sub3A_373, %scan3A_346#12 : vector<16xf32>
    %div3A_375 = arith.divf %sub3A_374, %scan3A_346#13 : vector<16xf32>
    %sub3A_376 = arith.constant 0.000000e+00 : f32
    %sub3A_377 = vector.broadcast %sub3A_376 : f32 to vector<16xf32>
    %sub3A_378 = arith.subf %sub3A_377, %scan3A_346#14 : vector<16xf32>
    %div3A_379 = arith.divf %sub3A_378, %scan3A_346#15 : vector<16xf32>
    %scan3A_380 = arith.constant 0 : i32
    %scan3A_381 = arith.constant 0 : i32
    %scan3A_382 = arith.constant 200 : i32
    %scan3A_383 = arith.addi %scan3A_381, %scan3A_382 : i32
    %scan3A_384 = arith.constant 1 : i32
    scf.for %scan3A_512 = %scan3A_381 to %scan3A_383 step %scan3A_384  : i32 {
      %get3A_513 = arith.constant 0 : i32
      %get3A_514 = arith.index_cast %get3A_513 : i32 to index
      %get3A_515 = arith.index_cast %scan3A_512 : i32 to index
      %get3A_516 = arith.constant 0 : index
      %get3A_517 = tpu.vector_load %arg8[%get3A_514, %get3A_515, %get3A_516] {strides = array<i32>} : memref<2x200x128xf32, #tpu.memory_space<vmem>>, vector<16xf32>,
      %get3A_518 = arith.constant 0 : i32
      %get3A_519 = arith.index_cast %get3A_518 : i32 to index
      %get3A_520 = arith.index_cast %scan3A_512 : i32 to index
      %get3A_521 = arith.constant 0 : index
      %get3A_522 = tpu.vector_load %arg7[%get3A_519, %get3A_520, %get3A_521] {strides = array<i32>} : memref<2x200x128xf32, #tpu.memory_space<vmem>>, vector<16xf32>,
      %bitcast3A = vector.bitcast %get3A_522 : vector<16xf32> to vector<16xi32>
      %lt3A = arith.constant 0 : i32
      %lt3A_523 = vector.broadcast %lt3A : i32 to vector<16xi32>
      %lt3A_524 = arith.cmpi slt, %bitcast3A, %lt3A_523 : vector<16xi32>
      %add3A_525 = arith.constant 16 : i32
      %add3A_526 = vector.broadcast %add3A_525 : i32 to vector<16xi32>
      %add3A_527 = arith.addi %bitcast3A, %add3A_526 : vector<16xi32>
      %select_n3A = arith.select %lt3A_524, %add3A_527, %bitcast3A : vector<16xi1>, vector<16xi32>
      %reshape3A = vector.shape_cast %select_n3A : vector<16xi32> to vector<16x1xi32>
      %gather3A = vector.shape_cast %reshape3A : vector<16x1xi32> to vector<16xi32>
      %gather3A_528 = tpu.dynamic_gather %get3A_33[%gather3A] in [0] : vector<16xf32>, vector<16xi32> -> vector<16xf32>
      %mul3A_529 = arith.mulf %div3A_351, %gather3A_528 : vector<16xf32>
      %add3A_530 = arith.addf %get3A_517, %mul3A_529 : vector<16xf32>
      %swap3A = arith.constant 0 : i32
      %swap3A_531 = arith.index_cast %swap3A : i32 to index
      %swap3A_532 = arith.index_cast %scan3A_512 : i32 to index
      %swap3A_533 = arith.constant 0 : index
      %swap3A_534 = tpu.vector_load %arg7[%swap3A_531, %swap3A_532, %swap3A_533] {strides = array<i32>} : memref<2x200x128xf32, #tpu.memory_space<vmem>>, vector<16xf32>,
      tpu.vector_store %arg7[%swap3A_531, %swap3A_532, %swap3A_533], %add3A_530 {strides = array<i32>} : memref<2x200x128xf32, #tpu.memory_space<vmem>>, vector<16xf32>,
      %get3A_535 = arith.constant 0 : i32
      %get3A_536 = arith.index_cast %get3A_535 : i32 to index
      %get3A_537 = arith.index_cast %scan3A_512 : i32 to index
      %get3A_538 = arith.constant 16 : index
      %get3A_539 = tpu.vector_load %arg8[%get3A_536, %get3A_537, %get3A_538] {strides = array<i32>} : memref<2x200x128xf32, #tpu.memory_space<vmem>>, vector<16xf32>,
      %get3A_540 = arith.constant 0 : i32
      %get3A_541 = arith.index_cast %get3A_540 : i32 to index
      %get3A_542 = arith.index_cast %scan3A_512 : i32 to index
      %get3A_543 = arith.constant 16 : index
      %get3A_544 = tpu.vector_load %arg7[%get3A_541, %get3A_542, %get3A_543] {strides = array<i32>} : memref<2x200x128xf32, #tpu.memory_space<vmem>>, vector<16xf32>,
      %bitcast3A_545 = vector.bitcast %get3A_544 : vector<16xf32> to vector<16xi32>
      %lt3A_546 = arith.constant 0 : i32
      %lt3A_547 = vector.broadcast %lt3A_546 : i32 to vector<16xi32>
      %lt3A_548 = arith.cmpi slt, %bitcast3A_545, %lt3A_547 : vector<16xi32>
      %add3A_549 = arith.constant 16 : i32
      %add3A_550 = vector.broadcast %add3A_549 : i32 to vector<16xi32>
      %add3A_551 = arith.addi %bitcast3A_545, %add3A_550 : vector<16xi32>
      %select_n3A_552 = arith.select %lt3A_548, %add3A_551, %bitcast3A_545 : vector<16xi1>, vector<16xi32>
      %reshape3A_553 = vector.shape_cast %select_n3A_552 : vector<16xi32> to vector<16x1xi32>
      %gather3A_554 = vector.shape_cast %reshape3A_553 : vector<16x1xi32> to vector<16xi32>
      %gather3A_555 = tpu.dynamic_gather %get3A_33[%gather3A_554] in [0] : vector<16xf32>, vector<16xi32> -> vector<16xf32>
      %mul3A_556 = arith.mulf %div3A_355, %gather3A_555 : vector<16xf32>
      %add3A_557 = arith.addf %get3A_539, %mul3A_556 : vector<16xf32>
      %swap3A_558 = arith.constant 0 : i32
      %swap3A_559 = arith.index_cast %swap3A_558 : i32 to index
      %swap3A_560 = arith.index_cast %scan3A_512 : i32 to index
      %swap3A_561 = arith.constant 16 : index
      %swap3A_562 = tpu.vector_load %arg7[%swap3A_559, %swap3A_560, %swap3A_561] {strides = array<i32>} : memref<2x200x128xf32, #tpu.memory_space<vmem>>, vector<16xf32>,
      tpu.vector_store %arg7[%swap3A_559, %swap3A_560, %swap3A_561], %add3A_557 {strides = array<i32>} : memref<2x200x128xf32, #tpu.memory_space<vmem>>, vector<16xf32>,
      %get3A_563 = arith.constant 0 : i32
      %get3A_564 = arith.index_cast %get3A_563 : i32 to index
      %get3A_565 = arith.index_cast %scan3A_512 : i32 to index
      %get3A_566 = arith.constant 32 : index
      %get3A_567 = tpu.vector_load %arg8[%get3A_564, %get3A_565, %get3A_566] {strides = array<i32>} : memref<2x200x128xf32, #tpu.memory_space<vmem>>, vector<16xf32>,
      %get3A_568 = arith.constant 0 : i32
      %get3A_569 = arith.index_cast %get3A_568 : i32 to index
      %get3A_570 = arith.index_cast %scan3A_512 : i32 to index
      %get3A_571 = arith.constant 32 : index
      %get3A_572 = tpu.vector_load %arg7[%get3A_569, %get3A_570, %get3A_571] {strides = array<i32>} : memref<2x200x128xf32, #tpu.memory_space<vmem>>, vector<16xf32>,
      %bitcast3A_573 = vector.bitcast %get3A_572 : vector<16xf32> to vector<16xi32>
      %lt3A_574 = arith.constant 0 : i32
      %lt3A_575 = vector.broadcast %lt3A_574 : i32 to vector<16xi32>
      %lt3A_576 = arith.cmpi slt, %bitcast3A_573, %lt3A_575 : vector<16xi32>
      %add3A_577 = arith.constant 16 : i32
      %add3A_578 = vector.broadcast %add3A_577 : i32 to vector<16xi32>
      %add3A_579 = arith.addi %bitcast3A_573, %add3A_578 : vector<16xi32>
      %select_n3A_580 = arith.select %lt3A_576, %add3A_579, %bitcast3A_573 : vector<16xi1>, vector<16xi32>
      %reshape3A_581 = vector.shape_cast %select_n3A_580 : vector<16xi32> to vector<16x1xi32>
      %gather3A_582 = vector.shape_cast %reshape3A_581 : vector<16x1xi32> to vector<16xi32>
      %gather3A_583 = tpu.dynamic_gather %get3A_33[%gather3A_582] in [0] : vector<16xf32>, vector<16xi32> -> vector<16xf32>
      %mul3A_584 = arith.mulf %div3A_359, %gather3A_583 : vector<16xf32>
      %add3A_585 = arith.addf %get3A_567, %mul3A_584 : vector<16xf32>
      %swap3A_586 = arith.constant 0 : i32
      %swap3A_587 = arith.index_cast %swap3A_586 : i32 to index
      %swap3A_588 = arith.index_cast %scan3A_512 : i32 to index
      %swap3A_589 = arith.constant 32 : index
      %swap3A_590 = tpu.vector_load %arg7[%swap3A_587, %swap3A_588, %swap3A_589] {strides = array<i32>} : memref<2x200x128xf32, #tpu.memory_space<vmem>>, vector<16xf32>,
      tpu.vector_store %arg7[%swap3A_587, %swap3A_588, %swap3A_589], %add3A_585 {strides = array<i32>} : memref<2x200x128xf32, #tpu.memory_space<vmem>>, vector<16xf32>,
      %get3A_591 = arith.constant 0 : i32
      %get3A_592 = arith.index_cast %get3A_591 : i32 to index
      %get3A_593 = arith.index_cast %scan3A_512 : i32 to index
      %get3A_594 = arith.constant 48 : index
      %get3A_595 = tpu.vector_load %arg8[%get3A_592, %get3A_593, %get3A_594] {strides = array<i32>} : memref<2x200x128xf32, #tpu.memory_space<vmem>>, vector<16xf32>,
      %get3A_596 = arith.constant 0 : i32
      %get3A_597 = arith.index_cast %get3A_596 : i32 to index
      %get3A_598 = arith.index_cast %scan3A_512 : i32 to index
      %get3A_599 = arith.constant 48 : index
      %get3A_600 = tpu.vector_load %arg7[%get3A_597, %get3A_598, %get3A_599] {strides = array<i32>} : memref<2x200x128xf32, #tpu.memory_space<vmem>>, vector<16xf32>,
      %bitcast3A_601 = vector.bitcast %get3A_600 : vector<16xf32> to vector<16xi32>
      %lt3A_602 = arith.constant 0 : i32
      %lt3A_603 = vector.broadcast %lt3A_602 : i32 to vector<16xi32>
      %lt3A_604 = arith.cmpi slt, %bitcast3A_601, %lt3A_603 : vector<16xi32>
      %add3A_605 = arith.constant 16 : i32
      %add3A_606 = vector.broadcast %add3A_605 : i32 to vector<16xi32>
      %add3A_607 = arith.addi %bitcast3A_601, %add3A_606 : vector<16xi32>
      %select_n3A_608 = arith.select %lt3A_604, %add3A_607, %bitcast3A_601 : vector<16xi1>, vector<16xi32>
      %reshape3A_609 = vector.shape_cast %select_n3A_608 : vector<16xi32> to vector<16x1xi32>
      %gather3A_610 = vector.shape_cast %reshape3A_609 : vector<16x1xi32> to vector<16xi32>
      %gather3A_611 = tpu.dynamic_gather %get3A_33[%gather3A_610] in [0] : vector<16xf32>, vector<16xi32> -> vector<16xf32>
      %mul3A_612 = arith.mulf %div3A_363, %gather3A_611 : vector<16xf32>
      %add3A_613 = arith.addf %get3A_595, %mul3A_612 : vector<16xf32>
      %swap3A_614 = arith.constant 0 : i32
      %swap3A_615 = arith.index_cast %swap3A_614 : i32 to index
      %swap3A_616 = arith.index_cast %scan3A_512 : i32 to index
      %swap3A_617 = arith.constant 48 : index
      %swap3A_618 = tpu.vector_load %arg7[%swap3A_615, %swap3A_616, %swap3A_617] {strides = array<i32>} : memref<2x200x128xf32, #tpu.memory_space<vmem>>, vector<16xf32>,
      tpu.vector_store %arg7[%swap3A_615, %swap3A_616, %swap3A_617], %add3A_613 {strides = array<i32>} : memref<2x200x128xf32, #tpu.memory_space<vmem>>, vector<16xf32>,
      %get3A_619 = arith.constant 0 : i32
      %get3A_620 = arith.index_cast %get3A_619 : i32 to index
      %get3A_621 = arith.index_cast %scan3A_512 : i32 to index
      %get3A_622 = arith.constant 64 : index
      %get3A_623 = tpu.vector_load %arg8[%get3A_620, %get3A_621, %get3A_622] {strides = array<i32>} : memref<2x200x128xf32, #tpu.memory_space<vmem>>, vector<16xf32>,
      %get3A_624 = arith.constant 0 : i32
      %get3A_625 = arith.index_cast %get3A_624 : i32 to index
      %get3A_626 = arith.index_cast %scan3A_512 : i32 to index
      %get3A_627 = arith.constant 64 : index
      %get3A_628 = tpu.vector_load %arg7[%get3A_625, %get3A_626, %get3A_627] {strides = array<i32>} : memref<2x200x128xf32, #tpu.memory_space<vmem>>, vector<16xf32>,
      %bitcast3A_629 = vector.bitcast %get3A_628 : vector<16xf32> to vector<16xi32>
      %lt3A_630 = arith.constant 0 : i32
      %lt3A_631 = vector.broadcast %lt3A_630 : i32 to vector<16xi32>
      %lt3A_632 = arith.cmpi slt, %bitcast3A_629, %lt3A_631 : vector<16xi32>
      %add3A_633 = arith.constant 16 : i32
      %add3A_634 = vector.broadcast %add3A_633 : i32 to vector<16xi32>
      %add3A_635 = arith.addi %bitcast3A_629, %add3A_634 : vector<16xi32>
      %select_n3A_636 = arith.select %lt3A_632, %add3A_635, %bitcast3A_629 : vector<16xi1>, vector<16xi32>
      %reshape3A_637 = vector.shape_cast %select_n3A_636 : vector<16xi32> to vector<16x1xi32>
      %gather3A_638 = vector.shape_cast %reshape3A_637 : vector<16x1xi32> to vector<16xi32>
      %gather3A_639 = tpu.dynamic_gather %get3A_33[%gather3A_638] in [0] : vector<16xf32>, vector<16xi32> -> vector<16xf32>
      %mul3A_640 = arith.mulf %div3A_367, %gather3A_639 : vector<16xf32>
      %add3A_641 = arith.addf %get3A_623, %mul3A_640 : vector<16xf32>
      %swap3A_642 = arith.constant 0 : i32
      %swap3A_643 = arith.index_cast %swap3A_642 : i32 to index
      %swap3A_644 = arith.index_cast %scan3A_512 : i32 to index
      %swap3A_645 = arith.constant 64 : index
      %swap3A_646 = tpu.vector_load %arg7[%swap3A_643, %swap3A_644, %swap3A_645] {strides = array<i32>} : memref<2x200x128xf32, #tpu.memory_space<vmem>>, vector<16xf32>,
      tpu.vector_store %arg7[%swap3A_643, %swap3A_644, %swap3A_645], %add3A_641 {strides = array<i32>} : memref<2x200x128xf32, #tpu.memory_space<vmem>>, vector<16xf32>,
      %get3A_647 = arith.constant 0 : i32
      %get3A_648 = arith.index_cast %get3A_647 : i32 to index
      %get3A_649 = arith.index_cast %scan3A_512 : i32 to index
      %get3A_650 = arith.constant 80 : index
      %get3A_651 = tpu.vector_load %arg8[%get3A_648, %get3A_649, %get3A_650] {strides = array<i32>} : memref<2x200x128xf32, #tpu.memory_space<vmem>>, vector<16xf32>,
      %get3A_652 = arith.constant 0 : i32
      %get3A_653 = arith.index_cast %get3A_652 : i32 to index
      %get3A_654 = arith.index_cast %scan3A_512 : i32 to index
      %get3A_655 = arith.constant 80 : index
      %get3A_656 = tpu.vector_load %arg7[%get3A_653, %get3A_654, %get3A_655] {strides = array<i32>} : memref<2x200x128xf32, #tpu.memory_space<vmem>>, vector<16xf32>,
      %bitcast3A_657 = vector.bitcast %get3A_656 : vector<16xf32> to vector<16xi32>
      %lt3A_658 = arith.constant 0 : i32
      %lt3A_659 = vector.broadcast %lt3A_658 : i32 to vector<16xi32>
      %lt3A_660 = arith.cmpi slt, %bitcast3A_657, %lt3A_659 : vector<16xi32>
      %add3A_661 = arith.constant 16 : i32
      %add3A_662 = vector.broadcast %add3A_661 : i32 to vector<16xi32>
      %add3A_663 = arith.addi %bitcast3A_657, %add3A_662 : vector<16xi32>
      %select_n3A_664 = arith.select %lt3A_660, %add3A_663, %bitcast3A_657 : vector<16xi1>, vector<16xi32>
      %reshape3A_665 = vector.shape_cast %select_n3A_664 : vector<16xi32> to vector<16x1xi32>
      %gather3A_666 = vector.shape_cast %reshape3A_665 : vector<16x1xi32> to vector<16xi32>
      %gather3A_667 = tpu.dynamic_gather %get3A_33[%gather3A_666] in [0] : vector<16xf32>, vector<16xi32> -> vector<16xf32>
      %mul3A_668 = arith.mulf %div3A_371, %gather3A_667 : vector<16xf32>
      %add3A_669 = arith.addf %get3A_651, %mul3A_668 : vector<16xf32>
      %swap3A_670 = arith.constant 0 : i32
      %swap3A_671 = arith.index_cast %swap3A_670 : i32 to index
      %swap3A_672 = arith.index_cast %scan3A_512 : i32 to index
      %swap3A_673 = arith.constant 80 : index
      %swap3A_674 = tpu.vector_load %arg7[%swap3A_671, %swap3A_672, %swap3A_673] {strides = array<i32>} : memref<2x200x128xf32, #tpu.memory_space<vmem>>, vector<16xf32>,
      tpu.vector_store %arg7[%swap3A_671, %swap3A_672, %swap3A_673], %add3A_669 {strides = array<i32>} : memref<2x200x128xf32, #tpu.memory_space<vmem>>, vector<16xf32>,
      %get3A_675 = arith.constant 0 : i32
      %get3A_676 = arith.index_cast %get3A_675 : i32 to index
      %get3A_677 = arith.index_cast %scan3A_512 : i32 to index
      %get3A_678 = arith.constant 96 : index
      %get3A_679 = tpu.vector_load %arg8[%get3A_676, %get3A_677, %get3A_678] {strides = array<i32>} : memref<2x200x128xf32, #tpu.memory_space<vmem>>, vector<16xf32>,
      %get3A_680 = arith.constant 0 : i32
      %get3A_681 = arith.index_cast %get3A_680 : i32 to index
      %get3A_682 = arith.index_cast %scan3A_512 : i32 to index
      %get3A_683 = arith.constant 96 : index
      %get3A_684 = tpu.vector_load %arg7[%get3A_681, %get3A_682, %get3A_683] {strides = array<i32>} : memref<2x200x128xf32, #tpu.memory_space<vmem>>, vector<16xf32>,
      %bitcast3A_685 = vector.bitcast %get3A_684 : vector<16xf32> to vector<16xi32>
      %lt3A_686 = arith.constant 0 : i32
      %lt3A_687 = vector.broadcast %lt3A_686 : i32 to vector<16xi32>
      %lt3A_688 = arith.cmpi slt, %bitcast3A_685, %lt3A_687 : vector<16xi32>
      %add3A_689 = arith.constant 16 : i32
      %add3A_690 = vector.broadcast %add3A_689 : i32 to vector<16xi32>
      %add3A_691 = arith.addi %bitcast3A_685, %add3A_690 : vector<16xi32>
      %select_n3A_692 = arith.select %lt3A_688, %add3A_691, %bitcast3A_685 : vector<16xi1>, vector<16xi32>
      %reshape3A_693 = vector.shape_cast %select_n3A_692 : vector<16xi32> to vector<16x1xi32>
      %gather3A_694 = vector.shape_cast %reshape3A_693 : vector<16x1xi32> to vector<16xi32>
      %gather3A_695 = tpu.dynamic_gather %get3A_33[%gather3A_694] in [0] : vector<16xf32>, vector<16xi32> -> vector<16xf32>
      %mul3A_696 = arith.mulf %div3A_375, %gather3A_695 : vector<16xf32>
      %add3A_697 = arith.addf %get3A_679, %mul3A_696 : vector<16xf32>
      %swap3A_698 = arith.constant 0 : i32
      %swap3A_699 = arith.index_cast %swap3A_698 : i32 to index
      %swap3A_700 = arith.index_cast %scan3A_512 : i32 to index
      %swap3A_701 = arith.constant 96 : index
      %swap3A_702 = tpu.vector_load %arg7[%swap3A_699, %swap3A_700, %swap3A_701] {strides = array<i32>} : memref<2x200x128xf32, #tpu.memory_space<vmem>>, vector<16xf32>,
      tpu.vector_store %arg7[%swap3A_699, %swap3A_700, %swap3A_701], %add3A_697 {strides = array<i32>} : memref<2x200x128xf32, #tpu.memory_space<vmem>>, vector<16xf32>,
      %get3A_703 = arith.constant 0 : i32
      %get3A_704 = arith.index_cast %get3A_703 : i32 to index
      %get3A_705 = arith.index_cast %scan3A_512 : i32 to index
      %get3A_706 = arith.constant 112 : index
      %get3A_707 = tpu.vector_load %arg8[%get3A_704, %get3A_705, %get3A_706] {strides = array<i32>} : memref<2x200x128xf32, #tpu.memory_space<vmem>>, vector<16xf32>,
      %get3A_708 = arith.constant 0 : i32
      %get3A_709 = arith.index_cast %get3A_708 : i32 to index
      %get3A_710 = arith.index_cast %scan3A_512 : i32 to index
      %get3A_711 = arith.constant 112 : index
      %get3A_712 = tpu.vector_load %arg7[%get3A_709, %get3A_710, %get3A_711] {strides = array<i32>} : memref<2x200x128xf32, #tpu.memory_space<vmem>>, vector<16xf32>,
      %bitcast3A_713 = vector.bitcast %get3A_712 : vector<16xf32> to vector<16xi32>
      %lt3A_714 = arith.constant 0 : i32
      %lt3A_715 = vector.broadcast %lt3A_714 : i32 to vector<16xi32>
      %lt3A_716 = arith.cmpi slt, %bitcast3A_713, %lt3A_715 : vector<16xi32>
      %add3A_717 = arith.constant 16 : i32
      %add3A_718 = vector.broadcast %add3A_717 : i32 to vector<16xi32>
      %add3A_719 = arith.addi %bitcast3A_713, %add3A_718 : vector<16xi32>
      %select_n3A_720 = arith.select %lt3A_716, %add3A_719, %bitcast3A_713 : vector<16xi1>, vector<16xi32>
      %reshape3A_721 = vector.shape_cast %select_n3A_720 : vector<16xi32> to vector<16x1xi32>
      %gather3A_722 = vector.shape_cast %reshape3A_721 : vector<16x1xi32> to vector<16xi32>
      %gather3A_723 = tpu.dynamic_gather %get3A_33[%gather3A_722] in [0] : vector<16xf32>, vector<16xi32> -> vector<16xf32>
      %mul3A_724 = arith.mulf %div3A_379, %gather3A_723 : vector<16xf32>
      %add3A_725 = arith.addf %get3A_707, %mul3A_724 : vector<16xf32>
      %swap3A_726 = arith.constant 0 : i32
      %swap3A_727 = arith.index_cast %swap3A_726 : i32 to index
      %swap3A_728 = arith.index_cast %scan3A_512 : i32 to index
      %swap3A_729 = arith.constant 112 : index
      %swap3A_730 = tpu.vector_load %arg7[%swap3A_727, %swap3A_728, %swap3A_729] {strides = array<i32>} : memref<2x200x128xf32, #tpu.memory_space<vmem>>, vector<16xf32>,
      tpu.vector_store %arg7[%swap3A_727, %swap3A_728, %swap3A_729], %add3A_725 {strides = array<i32>} : memref<2x200x128xf32, #tpu.memory_space<vmem>>, vector<16xf32>,
    }
    %scan3A_385 = arith.constant 200 : i32
    %add3A_386 = arith.constant 256 : i32
    %add3A_387 = arith.addi %mul3A_2, %add3A_386 : i32
    %dma_start3A_388 = arith.constant 0 : i32
    %dma_start3A_389 = arith.constant 0 : i32
    %dma_start3A_390 = arith.constant 0 : i32
    %dma_start3A_391 = tpu.memref_slice %arg7[%dma_start3A_388, %dma_start3A_389, %dma_start3A_390] : memref<2x200x128xf32, #tpu.memory_space<vmem>> -> memref<1x200x128xf32, #tpu.memory_space<vmem>>
    %dma_start3A_392 = tpu.memref_squeeze %dma_start3A_391 : memref<1x200x128xf32, #tpu.memory_space<vmem>> -> memref<200x128xf32, #tpu.memory_space<vmem>>
    %dma_start3A_393 = arith.constant 0 : i32
    %dma_start3A_394 = tpu.memref_slice %arg5[%dma_start3A_393, %add3A_387] : memref<200x16384xf32, #tpu.memory_space<hbm>> -> memref<200x128xf32, #tpu.memory_space<hbm>>
    %dma_start3A_395 = arith.constant 0 : i32
    %dma_start3A_396 = tpu.memref_slice %arg5[%dma_start3A_395, %add3A_387] : memref<200x16384xf32, #tpu.memory_space<hbm>> -> memref<200x128xf32, #tpu.memory_space<hbm>>
    %dma_start3A_397 = arith.constant 0 : i32
    %dma_start3A_398 = arith.constant 0 : i32
    %dma_start3A_399 = tpu.memref_slice %arg7[%dma_start3A_388, %dma_start3A_397, %dma_start3A_398] : memref<2x200x128xf32, #tpu.memory_space<vmem>> -> memref<1x200x128xf32, #tpu.memory_space<vmem>>
    %dma_start3A_400 = tpu.memref_squeeze %dma_start3A_399 : memref<1x200x128xf32, #tpu.memory_space<vmem>> -> memref<200x128xf32, #tpu.memory_space<vmem>>
    tpu.enqueue_dma source(%dma_start3A_400 : memref<200x128xf32, #tpu.memory_space<vmem>>) target(%dma_start3A_396 : memref<200x128xf32, #tpu.memory_space<hbm>>) target_semaphore(%arg13 : memref<!tpu.dma_semaphore, #tpu.memory_space<semaphore_mem>>)
    %dma_wait3A_401 = arith.constant 1 : i32
    %dma_wait3A_402 = arith.constant 0 : i32
    %dma_wait3A_403 = arith.constant 0 : i32
    %dma_wait3A_404 = tpu.memref_slice %arg7[%dma_wait3A_401, %dma_wait3A_402, %dma_wait3A_403] : memref<2x200x128xf32, #tpu.memory_space<vmem>> -> memref<1x200x128xf32, #tpu.memory_space<vmem>>
    %dma_wait3A_405 = tpu.memref_squeeze %dma_wait3A_404 : memref<1x200x128xf32, #tpu.memory_space<vmem>> -> memref<200x128xf32, #tpu.memory_space<vmem>>
    %dma_wait3A_406 = arith.constant 0 : i32
    %dma_wait3A_407 = tpu.memref_slice %arg2[%dma_wait3A_406, %add3A_287] : memref<200x16384xf32, #tpu.memory_space<hbm>> -> memref<200x128xf32, #tpu.memory_space<hbm>>
    %dma_wait3A_408 = arith.constant 0 : i32
    %dma_wait3A_409 = arith.constant 0 : i32
    %dma_wait3A_410 = tpu.memref_slice %arg7[%dma_wait3A_401, %dma_wait3A_408, %dma_wait3A_409] : memref<2x200x128xf32, #tpu.memory_space<vmem>> -> memref<1x200x128xf32, #tpu.memory_space<vmem>>
    %dma_wait3A_411 = tpu.memref_squeeze %dma_wait3A_410 : memref<1x200x128xf32, #tpu.memory_space<vmem>> -> memref<200x128xf32, #tpu.memory_space<vmem>>
    %dma_wait3A_412 = arith.constant 0 : i32
    %dma_wait3A_413 = tpu.memref_slice %arg2[%dma_wait3A_412, %add3A_287] : memref<200x16384xf32, #tpu.memory_space<hbm>> -> memref<200x128xf32, #tpu.memory_space<hbm>>
    tpu.wait_dma2 semaphore(%arg10 : memref<!tpu.dma_semaphore, #tpu.memory_space<semaphore_mem>>) src(%dma_wait3A_413 : memref<200x128xf32, #tpu.memory_space<hbm>>) dst(%dma_wait3A_411 : memref<200x128xf32, #tpu.memory_space<vmem>>)
    %dma_wait3A_414 = arith.constant 1 : i32
    %dma_wait3A_415 = arith.constant 0 : i32
    %dma_wait3A_416 = arith.constant 0 : i32
    %dma_wait3A_417 = tpu.memref_slice %arg8[%dma_wait3A_414, %dma_wait3A_415, %dma_wait3A_416] : memref<2x200x128xf32, #tpu.memory_space<vmem>> -> memref<1x200x128xf32, #tpu.memory_space<vmem>>
    %dma_wait3A_418 = tpu.memref_squeeze %dma_wait3A_417 : memref<1x200x128xf32, #tpu.memory_space<vmem>> -> memref<200x128xf32, #tpu.memory_space<vmem>>
    %dma_wait3A_419 = arith.constant 0 : i32
    %dma_wait3A_420 = tpu.memref_slice %arg3[%dma_wait3A_419, %add3A_302] : memref<200x16384xf32, #tpu.memory_space<hbm>> -> memref<200x128xf32, #tpu.memory_space<hbm>>
    %dma_wait3A_421 = arith.constant 0 : i32
    %dma_wait3A_422 = arith.constant 0 : i32
    %dma_wait3A_423 = tpu.memref_slice %arg8[%dma_wait3A_414, %dma_wait3A_421, %dma_wait3A_422] : memref<2x200x128xf32, #tpu.memory_space<vmem>> -> memref<1x200x128xf32, #tpu.memory_space<vmem>>
    %dma_wait3A_424 = tpu.memref_squeeze %dma_wait3A_423 : memref<1x200x128xf32, #tpu.memory_space<vmem>> -> memref<200x128xf32, #tpu.memory_space<vmem>>
    %dma_wait3A_425 = arith.constant 0 : i32
    %dma_wait3A_426 = tpu.memref_slice %arg3[%dma_wait3A_425, %add3A_302] : memref<200x16384xf32, #tpu.memory_space<hbm>> -> memref<200x128xf32, #tpu.memory_space<hbm>>
    tpu.wait_dma2 semaphore(%arg12 : memref<!tpu.dma_semaphore, #tpu.memory_space<semaphore_mem>>) src(%dma_wait3A_426 : memref<200x128xf32, #tpu.memory_space<hbm>>) dst(%dma_wait3A_424 : memref<200x128xf32, #tpu.memory_space<vmem>>)
    %scan3A_427 = arith.constant 0 : i32
    %scan3A_428 = arith.constant 200 : i32
    %scan3A_429 = arith.addi %scan3A_427, %scan3A_428 : i32
    %scan3A_430 = arith.constant 1 : i32
    %scan3A_431:16 = scf.for %scan3A_512 = %scan3A_427 to %scan3A_429 step %scan3A_430 iter_args(%scan3A_513 = %broadcast_in_dim3A_3, %scan3A_514 = %broadcast_in_dim3A_3, %scan3A_515 = %broadcast_in_dim3A_3, %scan3A_516 = %broadcast_in_dim3A_3, %scan3A_517 = %broadcast_in_dim3A_3, %scan3A_518 = %broadcast_in_dim3A_3, %scan3A_519 = %broadcast_in_dim3A_3, %scan3A_520 = %broadcast_in_dim3A_3, %scan3A_521 = %broadcast_in_dim3A_3, %scan3A_522 = %broadcast_in_dim3A_3, %scan3A_523 = %broadcast_in_dim3A_3, %scan3A_524 = %broadcast_in_dim3A_3, %scan3A_525 = %broadcast_in_dim3A_3, %scan3A_526 = %broadcast_in_dim3A_3, %scan3A_527 = %broadcast_in_dim3A_3, %scan3A_528 = %broadcast_in_dim3A_3) -> (vector<16xf32>, vector<16xf32>, vector<16xf32>, vector<16xf32>, vector<16xf32>, vector<16xf32>, vector<16xf32>, vector<16xf32>, vector<16xf32>, vector<16xf32>, vector<16xf32>, vector<16xf32>, vector<16xf32>, vector<16xf32>, vector<16xf32>, vector<16xf32>)  : i32 {
      %get3A_529 = arith.constant 1 : i32
      %get3A_530 = arith.index_cast %get3A_529 : i32 to index
      %get3A_531 = arith.index_cast %scan3A_512 : i32 to index
      %get3A_532 = arith.constant 0 : index
      %get3A_533 = tpu.vector_load %arg8[%get3A_530, %get3A_531, %get3A_532] {strides = array<i32>} : memref<2x200x128xf32, #tpu.memory_space<vmem>>, vector<16xf32>,
      %get3A_534 = arith.constant 1 : i32
      %get3A_535 = arith.index_cast %get3A_534 : i32 to index
      %get3A_536 = arith.index_cast %scan3A_512 : i32 to index
      %get3A_537 = arith.constant 0 : index
      %get3A_538 = tpu.vector_load %arg7[%get3A_535, %get3A_536, %get3A_537] {strides = array<i32>} : memref<2x200x128xf32, #tpu.memory_space<vmem>>, vector<16xf32>,
      %bitcast3A = vector.bitcast %get3A_538 : vector<16xf32> to vector<16xi32>
      %lt3A = arith.constant 0 : i32
      %lt3A_539 = vector.broadcast %lt3A : i32 to vector<16xi32>
      %lt3A_540 = arith.cmpi slt, %bitcast3A, %lt3A_539 : vector<16xi32>
      %add3A_541 = arith.constant 16 : i32
      %add3A_542 = vector.broadcast %add3A_541 : i32 to vector<16xi32>
      %add3A_543 = arith.addi %bitcast3A, %add3A_542 : vector<16xi32>
      %select_n3A = arith.select %lt3A_540, %add3A_543, %bitcast3A : vector<16xi1>, vector<16xi32>
      %reshape3A = vector.shape_cast %select_n3A : vector<16xi32> to vector<16x1xi32>
      %gather3A = vector.shape_cast %reshape3A : vector<16x1xi32> to vector<16xi32>
      %gather3A_544 = tpu.dynamic_gather %get3A_33[%gather3A] in [0] : vector<16xf32>, vector<16xi32> -> vector<16xf32>
      %add3A_545 = arith.addf %scan3A_513, %get3A_533 : vector<16xf32>
      %add3A_546 = arith.addf %scan3A_514, %gather3A_544 : vector<16xf32>
      %get3A_547 = arith.constant 1 : i32
      %get3A_548 = arith.index_cast %get3A_547 : i32 to index
      %get3A_549 = arith.index_cast %scan3A_512 : i32 to index
      %get3A_550 = arith.constant 16 : index
      %get3A_551 = tpu.vector_load %arg8[%get3A_548, %get3A_549, %get3A_550] {strides = array<i32>} : memref<2x200x128xf32, #tpu.memory_space<vmem>>, vector<16xf32>,
      %get3A_552 = arith.constant 1 : i32
      %get3A_553 = arith.index_cast %get3A_552 : i32 to index
      %get3A_554 = arith.index_cast %scan3A_512 : i32 to index
      %get3A_555 = arith.constant 16 : index
      %get3A_556 = tpu.vector_load %arg7[%get3A_553, %get3A_554, %get3A_555] {strides = array<i32>} : memref<2x200x128xf32, #tpu.memory_space<vmem>>, vector<16xf32>,
      %bitcast3A_557 = vector.bitcast %get3A_556 : vector<16xf32> to vector<16xi32>
      %lt3A_558 = arith.constant 0 : i32
      %lt3A_559 = vector.broadcast %lt3A_558 : i32 to vector<16xi32>
      %lt3A_560 = arith.cmpi slt, %bitcast3A_557, %lt3A_559 : vector<16xi32>
      %add3A_561 = arith.constant 16 : i32
      %add3A_562 = vector.broadcast %add3A_561 : i32 to vector<16xi32>
      %add3A_563 = arith.addi %bitcast3A_557, %add3A_562 : vector<16xi32>
      %select_n3A_564 = arith.select %lt3A_560, %add3A_563, %bitcast3A_557 : vector<16xi1>, vector<16xi32>
      %reshape3A_565 = vector.shape_cast %select_n3A_564 : vector<16xi32> to vector<16x1xi32>
      %gather3A_566 = vector.shape_cast %reshape3A_565 : vector<16x1xi32> to vector<16xi32>
      %gather3A_567 = tpu.dynamic_gather %get3A_33[%gather3A_566] in [0] : vector<16xf32>, vector<16xi32> -> vector<16xf32>
      %add3A_568 = arith.addf %scan3A_515, %get3A_551 : vector<16xf32>
      %add3A_569 = arith.addf %scan3A_516, %gather3A_567 : vector<16xf32>
      %get3A_570 = arith.constant 1 : i32
      %get3A_571 = arith.index_cast %get3A_570 : i32 to index
      %get3A_572 = arith.index_cast %scan3A_512 : i32 to index
      %get3A_573 = arith.constant 32 : index
      %get3A_574 = tpu.vector_load %arg8[%get3A_571, %get3A_572, %get3A_573] {strides = array<i32>} : memref<2x200x128xf32, #tpu.memory_space<vmem>>, vector<16xf32>,
      %get3A_575 = arith.constant 1 : i32
      %get3A_576 = arith.index_cast %get3A_575 : i32 to index
      %get3A_577 = arith.index_cast %scan3A_512 : i32 to index
      %get3A_578 = arith.constant 32 : index
      %get3A_579 = tpu.vector_load %arg7[%get3A_576, %get3A_577, %get3A_578] {strides = array<i32>} : memref<2x200x128xf32, #tpu.memory_space<vmem>>, vector<16xf32>,
      %bitcast3A_580 = vector.bitcast %get3A_579 : vector<16xf32> to vector<16xi32>
      %lt3A_581 = arith.constant 0 : i32
      %lt3A_582 = vector.broadcast %lt3A_581 : i32 to vector<16xi32>
      %lt3A_583 = arith.cmpi slt, %bitcast3A_580, %lt3A_582 : vector<16xi32>
      %add3A_584 = arith.constant 16 : i32
      %add3A_585 = vector.broadcast %add3A_584 : i32 to vector<16xi32>
      %add3A_586 = arith.addi %bitcast3A_580, %add3A_585 : vector<16xi32>
      %select_n3A_587 = arith.select %lt3A_583, %add3A_586, %bitcast3A_580 : vector<16xi1>, vector<16xi32>
      %reshape3A_588 = vector.shape_cast %select_n3A_587 : vector<16xi32> to vector<16x1xi32>
      %gather3A_589 = vector.shape_cast %reshape3A_588 : vector<16x1xi32> to vector<16xi32>
      %gather3A_590 = tpu.dynamic_gather %get3A_33[%gather3A_589] in [0] : vector<16xf32>, vector<16xi32> -> vector<16xf32>
      %add3A_591 = arith.addf %scan3A_517, %get3A_574 : vector<16xf32>
      %add3A_592 = arith.addf %scan3A_518, %gather3A_590 : vector<16xf32>
      %get3A_593 = arith.constant 1 : i32
      %get3A_594 = arith.index_cast %get3A_593 : i32 to index
      %get3A_595 = arith.index_cast %scan3A_512 : i32 to index
      %get3A_596 = arith.constant 48 : index
      %get3A_597 = tpu.vector_load %arg8[%get3A_594, %get3A_595, %get3A_596] {strides = array<i32>} : memref<2x200x128xf32, #tpu.memory_space<vmem>>, vector<16xf32>,
      %get3A_598 = arith.constant 1 : i32
      %get3A_599 = arith.index_cast %get3A_598 : i32 to index
      %get3A_600 = arith.index_cast %scan3A_512 : i32 to index
      %get3A_601 = arith.constant 48 : index
      %get3A_602 = tpu.vector_load %arg7[%get3A_599, %get3A_600, %get3A_601] {strides = array<i32>} : memref<2x200x128xf32, #tpu.memory_space<vmem>>, vector<16xf32>,
      %bitcast3A_603 = vector.bitcast %get3A_602 : vector<16xf32> to vector<16xi32>
      %lt3A_604 = arith.constant 0 : i32
      %lt3A_605 = vector.broadcast %lt3A_604 : i32 to vector<16xi32>
      %lt3A_606 = arith.cmpi slt, %bitcast3A_603, %lt3A_605 : vector<16xi32>
      %add3A_607 = arith.constant 16 : i32
      %add3A_608 = vector.broadcast %add3A_607 : i32 to vector<16xi32>
      %add3A_609 = arith.addi %bitcast3A_603, %add3A_608 : vector<16xi32>
      %select_n3A_610 = arith.select %lt3A_606, %add3A_609, %bitcast3A_603 : vector<16xi1>, vector<16xi32>
      %reshape3A_611 = vector.shape_cast %select_n3A_610 : vector<16xi32> to vector<16x1xi32>
      %gather3A_612 = vector.shape_cast %reshape3A_611 : vector<16x1xi32> to vector<16xi32>
      %gather3A_613 = tpu.dynamic_gather %get3A_33[%gather3A_612] in [0] : vector<16xf32>, vector<16xi32> -> vector<16xf32>
      %add3A_614 = arith.addf %scan3A_519, %get3A_597 : vector<16xf32>
      %add3A_615 = arith.addf %scan3A_520, %gather3A_613 : vector<16xf32>
      %get3A_616 = arith.constant 1 : i32
      %get3A_617 = arith.index_cast %get3A_616 : i32 to index
      %get3A_618 = arith.index_cast %scan3A_512 : i32 to index
      %get3A_619 = arith.constant 64 : index
      %get3A_620 = tpu.vector_load %arg8[%get3A_617, %get3A_618, %get3A_619] {strides = array<i32>} : memref<2x200x128xf32, #tpu.memory_space<vmem>>, vector<16xf32>,
      %get3A_621 = arith.constant 1 : i32
      %get3A_622 = arith.index_cast %get3A_621 : i32 to index
      %get3A_623 = arith.index_cast %scan3A_512 : i32 to index
      %get3A_624 = arith.constant 64 : index
      %get3A_625 = tpu.vector_load %arg7[%get3A_622, %get3A_623, %get3A_624] {strides = array<i32>} : memref<2x200x128xf32, #tpu.memory_space<vmem>>, vector<16xf32>,
      %bitcast3A_626 = vector.bitcast %get3A_625 : vector<16xf32> to vector<16xi32>
      %lt3A_627 = arith.constant 0 : i32
      %lt3A_628 = vector.broadcast %lt3A_627 : i32 to vector<16xi32>
      %lt3A_629 = arith.cmpi slt, %bitcast3A_626, %lt3A_628 : vector<16xi32>
      %add3A_630 = arith.constant 16 : i32
      %add3A_631 = vector.broadcast %add3A_630 : i32 to vector<16xi32>
      %add3A_632 = arith.addi %bitcast3A_626, %add3A_631 : vector<16xi32>
      %select_n3A_633 = arith.select %lt3A_629, %add3A_632, %bitcast3A_626 : vector<16xi1>, vector<16xi32>
      %reshape3A_634 = vector.shape_cast %select_n3A_633 : vector<16xi32> to vector<16x1xi32>
      %gather3A_635 = vector.shape_cast %reshape3A_634 : vector<16x1xi32> to vector<16xi32>
      %gather3A_636 = tpu.dynamic_gather %get3A_33[%gather3A_635] in [0] : vector<16xf32>, vector<16xi32> -> vector<16xf32>
      %add3A_637 = arith.addf %scan3A_521, %get3A_620 : vector<16xf32>
      %add3A_638 = arith.addf %scan3A_522, %gather3A_636 : vector<16xf32>
      %get3A_639 = arith.constant 1 : i32
      %get3A_640 = arith.index_cast %get3A_639 : i32 to index
      %get3A_641 = arith.index_cast %scan3A_512 : i32 to index
      %get3A_642 = arith.constant 80 : index
      %get3A_643 = tpu.vector_load %arg8[%get3A_640, %get3A_641, %get3A_642] {strides = array<i32>} : memref<2x200x128xf32, #tpu.memory_space<vmem>>, vector<16xf32>,
      %get3A_644 = arith.constant 1 : i32
      %get3A_645 = arith.index_cast %get3A_644 : i32 to index
      %get3A_646 = arith.index_cast %scan3A_512 : i32 to index
      %get3A_647 = arith.constant 80 : index
      %get3A_648 = tpu.vector_load %arg7[%get3A_645, %get3A_646, %get3A_647] {strides = array<i32>} : memref<2x200x128xf32, #tpu.memory_space<vmem>>, vector<16xf32>,
      %bitcast3A_649 = vector.bitcast %get3A_648 : vector<16xf32> to vector<16xi32>
      %lt3A_650 = arith.constant 0 : i32
      %lt3A_651 = vector.broadcast %lt3A_650 : i32 to vector<16xi32>
      %lt3A_652 = arith.cmpi slt, %bitcast3A_649, %lt3A_651 : vector<16xi32>
      %add3A_653 = arith.constant 16 : i32
      %add3A_654 = vector.broadcast %add3A_653 : i32 to vector<16xi32>
      %add3A_655 = arith.addi %bitcast3A_649, %add3A_654 : vector<16xi32>
      %select_n3A_656 = arith.select %lt3A_652, %add3A_655, %bitcast3A_649 : vector<16xi1>, vector<16xi32>
      %reshape3A_657 = vector.shape_cast %select_n3A_656 : vector<16xi32> to vector<16x1xi32>
      %gather3A_658 = vector.shape_cast %reshape3A_657 : vector<16x1xi32> to vector<16xi32>
      %gather3A_659 = tpu.dynamic_gather %get3A_33[%gather3A_658] in [0] : vector<16xf32>, vector<16xi32> -> vector<16xf32>
      %add3A_660 = arith.addf %scan3A_523, %get3A_643 : vector<16xf32>
      %add3A_661 = arith.addf %scan3A_524, %gather3A_659 : vector<16xf32>
      %get3A_662 = arith.constant 1 : i32
      %get3A_663 = arith.index_cast %get3A_662 : i32 to index
      %get3A_664 = arith.index_cast %scan3A_512 : i32 to index
      %get3A_665 = arith.constant 96 : index
      %get3A_666 = tpu.vector_load %arg8[%get3A_663, %get3A_664, %get3A_665] {strides = array<i32>} : memref<2x200x128xf32, #tpu.memory_space<vmem>>, vector<16xf32>,
      %get3A_667 = arith.constant 1 : i32
      %get3A_668 = arith.index_cast %get3A_667 : i32 to index
      %get3A_669 = arith.index_cast %scan3A_512 : i32 to index
      %get3A_670 = arith.constant 96 : index
      %get3A_671 = tpu.vector_load %arg7[%get3A_668, %get3A_669, %get3A_670] {strides = array<i32>} : memref<2x200x128xf32, #tpu.memory_space<vmem>>, vector<16xf32>,
      %bitcast3A_672 = vector.bitcast %get3A_671 : vector<16xf32> to vector<16xi32>
      %lt3A_673 = arith.constant 0 : i32
      %lt3A_674 = vector.broadcast %lt3A_673 : i32 to vector<16xi32>
      %lt3A_675 = arith.cmpi slt, %bitcast3A_672, %lt3A_674 : vector<16xi32>
      %add3A_676 = arith.constant 16 : i32
      %add3A_677 = vector.broadcast %add3A_676 : i32 to vector<16xi32>
      %add3A_678 = arith.addi %bitcast3A_672, %add3A_677 : vector<16xi32>
      %select_n3A_679 = arith.select %lt3A_675, %add3A_678, %bitcast3A_672 : vector<16xi1>, vector<16xi32>
      %reshape3A_680 = vector.shape_cast %select_n3A_679 : vector<16xi32> to vector<16x1xi32>
      %gather3A_681 = vector.shape_cast %reshape3A_680 : vector<16x1xi32> to vector<16xi32>
      %gather3A_682 = tpu.dynamic_gather %get3A_33[%gather3A_681] in [0] : vector<16xf32>, vector<16xi32> -> vector<16xf32>
      %add3A_683 = arith.addf %scan3A_525, %get3A_666 : vector<16xf32>
      %add3A_684 = arith.addf %scan3A_526, %gather3A_682 : vector<16xf32>
      %get3A_685 = arith.constant 1 : i32
      %get3A_686 = arith.index_cast %get3A_685 : i32 to index
      %get3A_687 = arith.index_cast %scan3A_512 : i32 to index
      %get3A_688 = arith.constant 112 : index
      %get3A_689 = tpu.vector_load %arg8[%get3A_686, %get3A_687, %get3A_688] {strides = array<i32>} : memref<2x200x128xf32, #tpu.memory_space<vmem>>, vector<16xf32>,
      %get3A_690 = arith.constant 1 : i32
      %get3A_691 = arith.index_cast %get3A_690 : i32 to index
      %get3A_692 = arith.index_cast %scan3A_512 : i32 to index
      %get3A_693 = arith.constant 112 : index
      %get3A_694 = tpu.vector_load %arg7[%get3A_691, %get3A_692, %get3A_693] {strides = array<i32>} : memref<2x200x128xf32, #tpu.memory_space<vmem>>, vector<16xf32>,
      %bitcast3A_695 = vector.bitcast %get3A_694 : vector<16xf32> to vector<16xi32>
      %lt3A_696 = arith.constant 0 : i32
      %lt3A_697 = vector.broadcast %lt3A_696 : i32 to vector<16xi32>
      %lt3A_698 = arith.cmpi slt, %bitcast3A_695, %lt3A_697 : vector<16xi32>
      %add3A_699 = arith.constant 16 : i32
      %add3A_700 = vector.broadcast %add3A_699 : i32 to vector<16xi32>
      %add3A_701 = arith.addi %bitcast3A_695, %add3A_700 : vector<16xi32>
      %select_n3A_702 = arith.select %lt3A_698, %add3A_701, %bitcast3A_695 : vector<16xi1>, vector<16xi32>
      %reshape3A_703 = vector.shape_cast %select_n3A_702 : vector<16xi32> to vector<16x1xi32>
      %gather3A_704 = vector.shape_cast %reshape3A_703 : vector<16x1xi32> to vector<16xi32>
      %gather3A_705 = tpu.dynamic_gather %get3A_33[%gather3A_704] in [0] : vector<16xf32>, vector<16xi32> -> vector<16xf32>
      %add3A_706 = arith.addf %scan3A_527, %get3A_689 : vector<16xf32>
      %add3A_707 = arith.addf %scan3A_528, %gather3A_705 : vector<16xf32>
      scf.yield %add3A_545, %add3A_546, %add3A_568, %add3A_569, %add3A_591, %add3A_592, %add3A_614, %add3A_615, %add3A_637, %add3A_638, %add3A_660, %add3A_661, %add3A_683, %add3A_684, %add3A_706, %add3A_707 : vector<16xf32>, vector<16xf32>, vector<16xf32>, vector<16xf32>, vector<16xf32>, vector<16xf32>, vector<16xf32>, vector<16xf32>, vector<16xf32>, vector<16xf32>, vector<16xf32>, vector<16xf32>, vector<16xf32>, vector<16xf32>, vector<16xf32>, vector<16xf32>
    }
    %scan3A_432 = arith.constant 200 : i32
    %sub3A_433 = arith.constant 0.000000e+00 : f32
    %sub3A_434 = vector.broadcast %sub3A_433 : f32 to vector<16xf32>
    %sub3A_435 = arith.subf %sub3A_434, %scan3A_431#0 : vector<16xf32>
    %div3A_436 = arith.divf %sub3A_435, %scan3A_431#1 : vector<16xf32>
    %sub3A_437 = arith.constant 0.000000e+00 : f32
    %sub3A_438 = vector.broadcast %sub3A_437 : f32 to vector<16xf32>
    %sub3A_439 = arith.subf %sub3A_438, %scan3A_431#2 : vector<16xf32>
    %div3A_440 = arith.divf %sub3A_439, %scan3A_431#3 : vector<16xf32>
    %sub3A_441 = arith.constant 0.000000e+00 : f32
    %sub3A_442 = vector.broadcast %sub3A_441 : f32 to vector<16xf32>
    %sub3A_443 = arith.subf %sub3A_442, %scan3A_431#4 : vector<16xf32>
    %div3A_444 = arith.divf %sub3A_443, %scan3A_431#5 : vector<16xf32>
    %sub3A_445 = arith.constant 0.000000e+00 : f32
    %sub3A_446 = vector.broadcast %sub3A_445 : f32 to vector<16xf32>
    %sub3A_447 = arith.subf %sub3A_446, %scan3A_431#6 : vector<16xf32>
    %div3A_448 = arith.divf %sub3A_447, %scan3A_431#7 : vector<16xf32>
    %sub3A_449 = arith.constant 0.000000e+00 : f32
    %sub3A_450 = vector.broadcast %sub3A_449 : f32 to vector<16xf32>
    %sub3A_451 = arith.subf %sub3A_450, %scan3A_431#8 : vector<16xf32>
    %div3A_452 = arith.divf %sub3A_451, %scan3A_431#9 : vector<16xf32>
    %sub3A_453 = arith.constant 0.000000e+00 : f32
    %sub3A_454 = vector.broadcast %sub3A_453 : f32 to vector<16xf32>
    %sub3A_455 = arith.subf %sub3A_454, %scan3A_431#10 : vector<16xf32>
    %div3A_456 = arith.divf %sub3A_455, %scan3A_431#11 : vector<16xf32>
    %sub3A_457 = arith.constant 0.000000e+00 : f32
    %sub3A_458 = vector.broadcast %sub3A_457 : f32 to vector<16xf32>
    %sub3A_459 = arith.subf %sub3A_458, %scan3A_431#12 : vector<16xf32>
    %div3A_460 = arith.divf %sub3A_459, %scan3A_431#13 : vector<16xf32>
    %sub3A_461 = arith.constant 0.000000e+00 : f32
    %sub3A_462 = vector.broadcast %sub3A_461 : f32 to vector<16xf32>
    %sub3A_463 = arith.subf %sub3A_462, %scan3A_431#14 : vector<16xf32>
    %div3A_464 = arith.divf %sub3A_463, %scan3A_431#15 : vector<16xf32>
    %scan3A_465 = arith.constant 0 : i32
    %scan3A_466 = arith.constant 0 : i32
    %scan3A_467 = arith.constant 200 : i32
    %scan3A_468 = arith.addi %scan3A_466, %scan3A_467 : i32
    %scan3A_469 = arith.constant 1 : i32
    scf.for %scan3A_512 = %scan3A_466 to %scan3A_468 step %scan3A_469  : i32 {
      %get3A_513 = arith.constant 1 : i32
      %get3A_514 = arith.index_cast %get3A_513 : i32 to index
      %get3A_515 = arith.index_cast %scan3A_512 : i32 to index
      %get3A_516 = arith.constant 0 : index
      %get3A_517 = tpu.vector_load %arg8[%get3A_514, %get3A_515, %get3A_516] {strides = array<i32>} : memref<2x200x128xf32, #tpu.memory_space<vmem>>, vector<16xf32>,
      %get3A_518 = arith.constant 1 : i32
      %get3A_519 = arith.index_cast %get3A_518 : i32 to index
      %get3A_520 = arith.index_cast %scan3A_512 : i32 to index
      %get3A_521 = arith.constant 0 : index
      %get3A_522 = tpu.vector_load %arg7[%get3A_519, %get3A_520, %get3A_521] {strides = array<i32>} : memref<2x200x128xf32, #tpu.memory_space<vmem>>, vector<16xf32>,
      %bitcast3A = vector.bitcast %get3A_522 : vector<16xf32> to vector<16xi32>
      %lt3A = arith.constant 0 : i32
      %lt3A_523 = vector.broadcast %lt3A : i32 to vector<16xi32>
      %lt3A_524 = arith.cmpi slt, %bitcast3A, %lt3A_523 : vector<16xi32>
      %add3A_525 = arith.constant 16 : i32
      %add3A_526 = vector.broadcast %add3A_525 : i32 to vector<16xi32>
      %add3A_527 = arith.addi %bitcast3A, %add3A_526 : vector<16xi32>
      %select_n3A = arith.select %lt3A_524, %add3A_527, %bitcast3A : vector<16xi1>, vector<16xi32>
      %reshape3A = vector.shape_cast %select_n3A : vector<16xi32> to vector<16x1xi32>
      %gather3A = vector.shape_cast %reshape3A : vector<16x1xi32> to vector<16xi32>
      %gather3A_528 = tpu.dynamic_gather %get3A_33[%gather3A] in [0] : vector<16xf32>, vector<16xi32> -> vector<16xf32>
      %mul3A_529 = arith.mulf %div3A_436, %gather3A_528 : vector<16xf32>
      %add3A_530 = arith.addf %get3A_517, %mul3A_529 : vector<16xf32>
      %swap3A = arith.constant 1 : i32
      %swap3A_531 = arith.index_cast %swap3A : i32 to index
      %swap3A_532 = arith.index_cast %scan3A_512 : i32 to index
      %swap3A_533 = arith.constant 0 : index
      %swap3A_534 = tpu.vector_load %arg7[%swap3A_531, %swap3A_532, %swap3A_533] {strides = array<i32>} : memref<2x200x128xf32, #tpu.memory_space<vmem>>, vector<16xf32>,
      tpu.vector_store %arg7[%swap3A_531, %swap3A_532, %swap3A_533], %add3A_530 {strides = array<i32>} : memref<2x200x128xf32, #tpu.memory_space<vmem>>, vector<16xf32>,
      %get3A_535 = arith.constant 1 : i32
      %get3A_536 = arith.index_cast %get3A_535 : i32 to index
      %get3A_537 = arith.index_cast %scan3A_512 : i32 to index
      %get3A_538 = arith.constant 16 : index
      %get3A_539 = tpu.vector_load %arg8[%get3A_536, %get3A_537, %get3A_538] {strides = array<i32>} : memref<2x200x128xf32, #tpu.memory_space<vmem>>, vector<16xf32>,
      %get3A_540 = arith.constant 1 : i32
      %get3A_541 = arith.index_cast %get3A_540 : i32 to index
      %get3A_542 = arith.index_cast %scan3A_512 : i32 to index
      %get3A_543 = arith.constant 16 : index
      %get3A_544 = tpu.vector_load %arg7[%get3A_541, %get3A_542, %get3A_543] {strides = array<i32>} : memref<2x200x128xf32, #tpu.memory_space<vmem>>, vector<16xf32>,
      %bitcast3A_545 = vector.bitcast %get3A_544 : vector<16xf32> to vector<16xi32>
      %lt3A_546 = arith.constant 0 : i32
      %lt3A_547 = vector.broadcast %lt3A_546 : i32 to vector<16xi32>
      %lt3A_548 = arith.cmpi slt, %bitcast3A_545, %lt3A_547 : vector<16xi32>
      %add3A_549 = arith.constant 16 : i32
      %add3A_550 = vector.broadcast %add3A_549 : i32 to vector<16xi32>
      %add3A_551 = arith.addi %bitcast3A_545, %add3A_550 : vector<16xi32>
      %select_n3A_552 = arith.select %lt3A_548, %add3A_551, %bitcast3A_545 : vector<16xi1>, vector<16xi32>
      %reshape3A_553 = vector.shape_cast %select_n3A_552 : vector<16xi32> to vector<16x1xi32>
      %gather3A_554 = vector.shape_cast %reshape3A_553 : vector<16x1xi32> to vector<16xi32>
      %gather3A_555 = tpu.dynamic_gather %get3A_33[%gather3A_554] in [0] : vector<16xf32>, vector<16xi32> -> vector<16xf32>
      %mul3A_556 = arith.mulf %div3A_440, %gather3A_555 : vector<16xf32>
      %add3A_557 = arith.addf %get3A_539, %mul3A_556 : vector<16xf32>
      %swap3A_558 = arith.constant 1 : i32
      %swap3A_559 = arith.index_cast %swap3A_558 : i32 to index
      %swap3A_560 = arith.index_cast %scan3A_512 : i32 to index
      %swap3A_561 = arith.constant 16 : index
      %swap3A_562 = tpu.vector_load %arg7[%swap3A_559, %swap3A_560, %swap3A_561] {strides = array<i32>} : memref<2x200x128xf32, #tpu.memory_space<vmem>>, vector<16xf32>,
      tpu.vector_store %arg7[%swap3A_559, %swap3A_560, %swap3A_561], %add3A_557 {strides = array<i32>} : memref<2x200x128xf32, #tpu.memory_space<vmem>>, vector<16xf32>,
      %get3A_563 = arith.constant 1 : i32
      %get3A_564 = arith.index_cast %get3A_563 : i32 to index
      %get3A_565 = arith.index_cast %scan3A_512 : i32 to index
      %get3A_566 = arith.constant 32 : index
      %get3A_567 = tpu.vector_load %arg8[%get3A_564, %get3A_565, %get3A_566] {strides = array<i32>} : memref<2x200x128xf32, #tpu.memory_space<vmem>>, vector<16xf32>,
      %get3A_568 = arith.constant 1 : i32
      %get3A_569 = arith.index_cast %get3A_568 : i32 to index
      %get3A_570 = arith.index_cast %scan3A_512 : i32 to index
      %get3A_571 = arith.constant 32 : index
      %get3A_572 = tpu.vector_load %arg7[%get3A_569, %get3A_570, %get3A_571] {strides = array<i32>} : memref<2x200x128xf32, #tpu.memory_space<vmem>>, vector<16xf32>,
      %bitcast3A_573 = vector.bitcast %get3A_572 : vector<16xf32> to vector<16xi32>
      %lt3A_574 = arith.constant 0 : i32
      %lt3A_575 = vector.broadcast %lt3A_574 : i32 to vector<16xi32>
      %lt3A_576 = arith.cmpi slt, %bitcast3A_573, %lt3A_575 : vector<16xi32>
      %add3A_577 = arith.constant 16 : i32
      %add3A_578 = vector.broadcast %add3A_577 : i32 to vector<16xi32>
      %add3A_579 = arith.addi %bitcast3A_573, %add3A_578 : vector<16xi32>
      %select_n3A_580 = arith.select %lt3A_576, %add3A_579, %bitcast3A_573 : vector<16xi1>, vector<16xi32>
      %reshape3A_581 = vector.shape_cast %select_n3A_580 : vector<16xi32> to vector<16x1xi32>
      %gather3A_582 = vector.shape_cast %reshape3A_581 : vector<16x1xi32> to vector<16xi32>
      %gather3A_583 = tpu.dynamic_gather %get3A_33[%gather3A_582] in [0] : vector<16xf32>, vector<16xi32> -> vector<16xf32>
      %mul3A_584 = arith.mulf %div3A_444, %gather3A_583 : vector<16xf32>
      %add3A_585 = arith.addf %get3A_567, %mul3A_584 : vector<16xf32>
      %swap3A_586 = arith.constant 1 : i32
      %swap3A_587 = arith.index_cast %swap3A_586 : i32 to index
      %swap3A_588 = arith.index_cast %scan3A_512 : i32 to index
      %swap3A_589 = arith.constant 32 : index
      %swap3A_590 = tpu.vector_load %arg7[%swap3A_587, %swap3A_588, %swap3A_589] {strides = array<i32>} : memref<2x200x128xf32, #tpu.memory_space<vmem>>, vector<16xf32>,
      tpu.vector_store %arg7[%swap3A_587, %swap3A_588, %swap3A_589], %add3A_585 {strides = array<i32>} : memref<2x200x128xf32, #tpu.memory_space<vmem>>, vector<16xf32>,
      %get3A_591 = arith.constant 1 : i32
      %get3A_592 = arith.index_cast %get3A_591 : i32 to index
      %get3A_593 = arith.index_cast %scan3A_512 : i32 to index
      %get3A_594 = arith.constant 48 : index
      %get3A_595 = tpu.vector_load %arg8[%get3A_592, %get3A_593, %get3A_594] {strides = array<i32>} : memref<2x200x128xf32, #tpu.memory_space<vmem>>, vector<16xf32>,
      %get3A_596 = arith.constant 1 : i32
      %get3A_597 = arith.index_cast %get3A_596 : i32 to index
      %get3A_598 = arith.index_cast %scan3A_512 : i32 to index
      %get3A_599 = arith.constant 48 : index
      %get3A_600 = tpu.vector_load %arg7[%get3A_597, %get3A_598, %get3A_599] {strides = array<i32>} : memref<2x200x128xf32, #tpu.memory_space<vmem>>, vector<16xf32>,
      %bitcast3A_601 = vector.bitcast %get3A_600 : vector<16xf32> to vector<16xi32>
      %lt3A_602 = arith.constant 0 : i32
      %lt3A_603 = vector.broadcast %lt3A_602 : i32 to vector<16xi32>
      %lt3A_604 = arith.cmpi slt, %bitcast3A_601, %lt3A_603 : vector<16xi32>
      %add3A_605 = arith.constant 16 : i32
      %add3A_606 = vector.broadcast %add3A_605 : i32 to vector<16xi32>
      %add3A_607 = arith.addi %bitcast3A_601, %add3A_606 : vector<16xi32>
      %select_n3A_608 = arith.select %lt3A_604, %add3A_607, %bitcast3A_601 : vector<16xi1>, vector<16xi32>
      %reshape3A_609 = vector.shape_cast %select_n3A_608 : vector<16xi32> to vector<16x1xi32>
      %gather3A_610 = vector.shape_cast %reshape3A_609 : vector<16x1xi32> to vector<16xi32>
      %gather3A_611 = tpu.dynamic_gather %get3A_33[%gather3A_610] in [0] : vector<16xf32>, vector<16xi32> -> vector<16xf32>
      %mul3A_612 = arith.mulf %div3A_448, %gather3A_611 : vector<16xf32>
      %add3A_613 = arith.addf %get3A_595, %mul3A_612 : vector<16xf32>
      %swap3A_614 = arith.constant 1 : i32
      %swap3A_615 = arith.index_cast %swap3A_614 : i32 to index
      %swap3A_616 = arith.index_cast %scan3A_512 : i32 to index
      %swap3A_617 = arith.constant 48 : index
      %swap3A_618 = tpu.vector_load %arg7[%swap3A_615, %swap3A_616, %swap3A_617] {strides = array<i32>} : memref<2x200x128xf32, #tpu.memory_space<vmem>>, vector<16xf32>,
      tpu.vector_store %arg7[%swap3A_615, %swap3A_616, %swap3A_617], %add3A_613 {strides = array<i32>} : memref<2x200x128xf32, #tpu.memory_space<vmem>>, vector<16xf32>,
      %get3A_619 = arith.constant 1 : i32
      %get3A_620 = arith.index_cast %get3A_619 : i32 to index
      %get3A_621 = arith.index_cast %scan3A_512 : i32 to index
      %get3A_622 = arith.constant 64 : index
      %get3A_623 = tpu.vector_load %arg8[%get3A_620, %get3A_621, %get3A_622] {strides = array<i32>} : memref<2x200x128xf32, #tpu.memory_space<vmem>>, vector<16xf32>,
      %get3A_624 = arith.constant 1 : i32
      %get3A_625 = arith.index_cast %get3A_624 : i32 to index
      %get3A_626 = arith.index_cast %scan3A_512 : i32 to index
      %get3A_627 = arith.constant 64 : index
      %get3A_628 = tpu.vector_load %arg7[%get3A_625, %get3A_626, %get3A_627] {strides = array<i32>} : memref<2x200x128xf32, #tpu.memory_space<vmem>>, vector<16xf32>,
      %bitcast3A_629 = vector.bitcast %get3A_628 : vector<16xf32> to vector<16xi32>
      %lt3A_630 = arith.constant 0 : i32
      %lt3A_631 = vector.broadcast %lt3A_630 : i32 to vector<16xi32>
      %lt3A_632 = arith.cmpi slt, %bitcast3A_629, %lt3A_631 : vector<16xi32>
      %add3A_633 = arith.constant 16 : i32
      %add3A_634 = vector.broadcast %add3A_633 : i32 to vector<16xi32>
      %add3A_635 = arith.addi %bitcast3A_629, %add3A_634 : vector<16xi32>
      %select_n3A_636 = arith.select %lt3A_632, %add3A_635, %bitcast3A_629 : vector<16xi1>, vector<16xi32>
      %reshape3A_637 = vector.shape_cast %select_n3A_636 : vector<16xi32> to vector<16x1xi32>
      %gather3A_638 = vector.shape_cast %reshape3A_637 : vector<16x1xi32> to vector<16xi32>
      %gather3A_639 = tpu.dynamic_gather %get3A_33[%gather3A_638] in [0] : vector<16xf32>, vector<16xi32> -> vector<16xf32>
      %mul3A_640 = arith.mulf %div3A_452, %gather3A_639 : vector<16xf32>
      %add3A_641 = arith.addf %get3A_623, %mul3A_640 : vector<16xf32>
      %swap3A_642 = arith.constant 1 : i32
      %swap3A_643 = arith.index_cast %swap3A_642 : i32 to index
      %swap3A_644 = arith.index_cast %scan3A_512 : i32 to index
      %swap3A_645 = arith.constant 64 : index
      %swap3A_646 = tpu.vector_load %arg7[%swap3A_643, %swap3A_644, %swap3A_645] {strides = array<i32>} : memref<2x200x128xf32, #tpu.memory_space<vmem>>, vector<16xf32>,
      tpu.vector_store %arg7[%swap3A_643, %swap3A_644, %swap3A_645], %add3A_641 {strides = array<i32>} : memref<2x200x128xf32, #tpu.memory_space<vmem>>, vector<16xf32>,
      %get3A_647 = arith.constant 1 : i32
      %get3A_648 = arith.index_cast %get3A_647 : i32 to index
      %get3A_649 = arith.index_cast %scan3A_512 : i32 to index
      %get3A_650 = arith.constant 80 : index
      %get3A_651 = tpu.vector_load %arg8[%get3A_648, %get3A_649, %get3A_650] {strides = array<i32>} : memref<2x200x128xf32, #tpu.memory_space<vmem>>, vector<16xf32>,
      %get3A_652 = arith.constant 1 : i32
      %get3A_653 = arith.index_cast %get3A_652 : i32 to index
      %get3A_654 = arith.index_cast %scan3A_512 : i32 to index
      %get3A_655 = arith.constant 80 : index
      %get3A_656 = tpu.vector_load %arg7[%get3A_653, %get3A_654, %get3A_655] {strides = array<i32>} : memref<2x200x128xf32, #tpu.memory_space<vmem>>, vector<16xf32>,
      %bitcast3A_657 = vector.bitcast %get3A_656 : vector<16xf32> to vector<16xi32>
      %lt3A_658 = arith.constant 0 : i32
      %lt3A_659 = vector.broadcast %lt3A_658 : i32 to vector<16xi32>
      %lt3A_660 = arith.cmpi slt, %bitcast3A_657, %lt3A_659 : vector<16xi32>
      %add3A_661 = arith.constant 16 : i32
      %add3A_662 = vector.broadcast %add3A_661 : i32 to vector<16xi32>
      %add3A_663 = arith.addi %bitcast3A_657, %add3A_662 : vector<16xi32>
      %select_n3A_664 = arith.select %lt3A_660, %add3A_663, %bitcast3A_657 : vector<16xi1>, vector<16xi32>
      %reshape3A_665 = vector.shape_cast %select_n3A_664 : vector<16xi32> to vector<16x1xi32>
      %gather3A_666 = vector.shape_cast %reshape3A_665 : vector<16x1xi32> to vector<16xi32>
      %gather3A_667 = tpu.dynamic_gather %get3A_33[%gather3A_666] in [0] : vector<16xf32>, vector<16xi32> -> vector<16xf32>
      %mul3A_668 = arith.mulf %div3A_456, %gather3A_667 : vector<16xf32>
      %add3A_669 = arith.addf %get3A_651, %mul3A_668 : vector<16xf32>
      %swap3A_670 = arith.constant 1 : i32
      %swap3A_671 = arith.index_cast %swap3A_670 : i32 to index
      %swap3A_672 = arith.index_cast %scan3A_512 : i32 to index
      %swap3A_673 = arith.constant 80 : index
      %swap3A_674 = tpu.vector_load %arg7[%swap3A_671, %swap3A_672, %swap3A_673] {strides = array<i32>} : memref<2x200x128xf32, #tpu.memory_space<vmem>>, vector<16xf32>,
      tpu.vector_store %arg7[%swap3A_671, %swap3A_672, %swap3A_673], %add3A_669 {strides = array<i32>} : memref<2x200x128xf32, #tpu.memory_space<vmem>>, vector<16xf32>,
      %get3A_675 = arith.constant 1 : i32
      %get3A_676 = arith.index_cast %get3A_675 : i32 to index
      %get3A_677 = arith.index_cast %scan3A_512 : i32 to index
      %get3A_678 = arith.constant 96 : index
      %get3A_679 = tpu.vector_load %arg8[%get3A_676, %get3A_677, %get3A_678] {strides = array<i32>} : memref<2x200x128xf32, #tpu.memory_space<vmem>>, vector<16xf32>,
      %get3A_680 = arith.constant 1 : i32
      %get3A_681 = arith.index_cast %get3A_680 : i32 to index
      %get3A_682 = arith.index_cast %scan3A_512 : i32 to index
      %get3A_683 = arith.constant 96 : index
      %get3A_684 = tpu.vector_load %arg7[%get3A_681, %get3A_682, %get3A_683] {strides = array<i32>} : memref<2x200x128xf32, #tpu.memory_space<vmem>>, vector<16xf32>,
      %bitcast3A_685 = vector.bitcast %get3A_684 : vector<16xf32> to vector<16xi32>
      %lt3A_686 = arith.constant 0 : i32
      %lt3A_687 = vector.broadcast %lt3A_686 : i32 to vector<16xi32>
      %lt3A_688 = arith.cmpi slt, %bitcast3A_685, %lt3A_687 : vector<16xi32>
      %add3A_689 = arith.constant 16 : i32
      %add3A_690 = vector.broadcast %add3A_689 : i32 to vector<16xi32>
      %add3A_691 = arith.addi %bitcast3A_685, %add3A_690 : vector<16xi32>
      %select_n3A_692 = arith.select %lt3A_688, %add3A_691, %bitcast3A_685 : vector<16xi1>, vector<16xi32>
      %reshape3A_693 = vector.shape_cast %select_n3A_692 : vector<16xi32> to vector<16x1xi32>
      %gather3A_694 = vector.shape_cast %reshape3A_693 : vector<16x1xi32> to vector<16xi32>
      %gather3A_695 = tpu.dynamic_gather %get3A_33[%gather3A_694] in [0] : vector<16xf32>, vector<16xi32> -> vector<16xf32>
      %mul3A_696 = arith.mulf %div3A_460, %gather3A_695 : vector<16xf32>
      %add3A_697 = arith.addf %get3A_679, %mul3A_696 : vector<16xf32>
      %swap3A_698 = arith.constant 1 : i32
      %swap3A_699 = arith.index_cast %swap3A_698 : i32 to index
      %swap3A_700 = arith.index_cast %scan3A_512 : i32 to index
      %swap3A_701 = arith.constant 96 : index
      %swap3A_702 = tpu.vector_load %arg7[%swap3A_699, %swap3A_700, %swap3A_701] {strides = array<i32>} : memref<2x200x128xf32, #tpu.memory_space<vmem>>, vector<16xf32>,
      tpu.vector_store %arg7[%swap3A_699, %swap3A_700, %swap3A_701], %add3A_697 {strides = array<i32>} : memref<2x200x128xf32, #tpu.memory_space<vmem>>, vector<16xf32>,
      %get3A_703 = arith.constant 1 : i32
      %get3A_704 = arith.index_cast %get3A_703 : i32 to index
      %get3A_705 = arith.index_cast %scan3A_512 : i32 to index
      %get3A_706 = arith.constant 112 : index
      %get3A_707 = tpu.vector_load %arg8[%get3A_704, %get3A_705, %get3A_706] {strides = array<i32>} : memref<2x200x128xf32, #tpu.memory_space<vmem>>, vector<16xf32>,
      %get3A_708 = arith.constant 1 : i32
      %get3A_709 = arith.index_cast %get3A_708 : i32 to index
      %get3A_710 = arith.index_cast %scan3A_512 : i32 to index
      %get3A_711 = arith.constant 112 : index
      %get3A_712 = tpu.vector_load %arg7[%get3A_709, %get3A_710, %get3A_711] {strides = array<i32>} : memref<2x200x128xf32, #tpu.memory_space<vmem>>, vector<16xf32>,
      %bitcast3A_713 = vector.bitcast %get3A_712 : vector<16xf32> to vector<16xi32>
      %lt3A_714 = arith.constant 0 : i32
      %lt3A_715 = vector.broadcast %lt3A_714 : i32 to vector<16xi32>
      %lt3A_716 = arith.cmpi slt, %bitcast3A_713, %lt3A_715 : vector<16xi32>
      %add3A_717 = arith.constant 16 : i32
      %add3A_718 = vector.broadcast %add3A_717 : i32 to vector<16xi32>
      %add3A_719 = arith.addi %bitcast3A_713, %add3A_718 : vector<16xi32>
      %select_n3A_720 = arith.select %lt3A_716, %add3A_719, %bitcast3A_713 : vector<16xi1>, vector<16xi32>
      %reshape3A_721 = vector.shape_cast %select_n3A_720 : vector<16xi32> to vector<16x1xi32>
      %gather3A_722 = vector.shape_cast %reshape3A_721 : vector<16x1xi32> to vector<16xi32>
      %gather3A_723 = tpu.dynamic_gather %get3A_33[%gather3A_722] in [0] : vector<16xf32>, vector<16xi32> -> vector<16xf32>
      %mul3A_724 = arith.mulf %div3A_464, %gather3A_723 : vector<16xf32>
      %add3A_725 = arith.addf %get3A_707, %mul3A_724 : vector<16xf32>
      %swap3A_726 = arith.constant 1 : i32
      %swap3A_727 = arith.index_cast %swap3A_726 : i32 to index
      %swap3A_728 = arith.index_cast %scan3A_512 : i32 to index
      %swap3A_729 = arith.constant 112 : index
      %swap3A_730 = tpu.vector_load %arg7[%swap3A_727, %swap3A_728, %swap3A_729] {strides = array<i32>} : memref<2x200x128xf32, #tpu.memory_space<vmem>>, vector<16xf32>,
      tpu.vector_store %arg7[%swap3A_727, %swap3A_728, %swap3A_729], %add3A_725 {strides = array<i32>} : memref<2x200x128xf32, #tpu.memory_space<vmem>>, vector<16xf32>,
    }
    %scan3A_470 = arith.constant 200 : i32
    %add3A_471 = arith.constant 384 : i32
    %add3A_472 = arith.addi %mul3A_2, %add3A_471 : i32
    %dma_start3A_473 = arith.constant 1 : i32
    %dma_start3A_474 = arith.constant 0 : i32
    %dma_start3A_475 = arith.constant 0 : i32
    %dma_start3A_476 = tpu.memref_slice %arg7[%dma_start3A_473, %dma_start3A_474, %dma_start3A_475] : memref<2x200x128xf32, #tpu.memory_space<vmem>> -> memref<1x200x128xf32, #tpu.memory_space<vmem>>
    %dma_start3A_477 = tpu.memref_squeeze %dma_start3A_476 : memref<1x200x128xf32, #tpu.memory_space<vmem>> -> memref<200x128xf32, #tpu.memory_space<vmem>>
    %dma_start3A_478 = arith.constant 0 : i32
    %dma_start3A_479 = tpu.memref_slice %arg5[%dma_start3A_478, %add3A_472] : memref<200x16384xf32, #tpu.memory_space<hbm>> -> memref<200x128xf32, #tpu.memory_space<hbm>>
    %dma_start3A_480 = arith.constant 0 : i32
    %dma_start3A_481 = tpu.memref_slice %arg5[%dma_start3A_480, %add3A_472] : memref<200x16384xf32, #tpu.memory_space<hbm>> -> memref<200x128xf32, #tpu.memory_space<hbm>>
    %dma_start3A_482 = arith.constant 0 : i32
    %dma_start3A_483 = arith.constant 0 : i32
    %dma_start3A_484 = tpu.memref_slice %arg7[%dma_start3A_473, %dma_start3A_482, %dma_start3A_483] : memref<2x200x128xf32, #tpu.memory_space<vmem>> -> memref<1x200x128xf32, #tpu.memory_space<vmem>>
    %dma_start3A_485 = tpu.memref_squeeze %dma_start3A_484 : memref<1x200x128xf32, #tpu.memory_space<vmem>> -> memref<200x128xf32, #tpu.memory_space<vmem>>
    tpu.enqueue_dma source(%dma_start3A_485 : memref<200x128xf32, #tpu.memory_space<vmem>>) target(%dma_start3A_481 : memref<200x128xf32, #tpu.memory_space<hbm>>) target_semaphore(%arg14 : memref<!tpu.dma_semaphore, #tpu.memory_space<semaphore_mem>>)
    %dma_wait3A_486 = arith.constant 0 : i32
    %dma_wait3A_487 = arith.constant 0 : i32
    %dma_wait3A_488 = arith.constant 0 : i32
    %dma_wait3A_489 = tpu.memref_slice %arg7[%dma_wait3A_486, %dma_wait3A_487, %dma_wait3A_488] : memref<2x200x128xf32, #tpu.memory_space<vmem>> -> memref<1x200x128xf32, #tpu.memory_space<vmem>>
    %dma_wait3A_490 = tpu.memref_squeeze %dma_wait3A_489 : memref<1x200x128xf32, #tpu.memory_space<vmem>> -> memref<200x128xf32, #tpu.memory_space<vmem>>
    %dma_wait3A_491 = arith.constant 0 : i32
    %dma_wait3A_492 = tpu.memref_slice %arg5[%dma_wait3A_491, %add3A_387] : memref<200x16384xf32, #tpu.memory_space<hbm>> -> memref<200x128xf32, #tpu.memory_space<hbm>>
    %dma_wait3A_493 = arith.constant 0 : i32
    %dma_wait3A_494 = tpu.memref_slice %arg5[%dma_wait3A_493, %add3A_387] : memref<200x16384xf32, #tpu.memory_space<hbm>> -> memref<200x128xf32, #tpu.memory_space<hbm>>
    %dma_wait3A_495 = arith.constant 0 : i32
    %dma_wait3A_496 = arith.constant 0 : i32
    %dma_wait3A_497 = tpu.memref_slice %arg7[%dma_wait3A_486, %dma_wait3A_495, %dma_wait3A_496] : memref<2x200x128xf32, #tpu.memory_space<vmem>> -> memref<1x200x128xf32, #tpu.memory_space<vmem>>
    %dma_wait3A_498 = tpu.memref_squeeze %dma_wait3A_497 : memref<1x200x128xf32, #tpu.memory_space<vmem>> -> memref<200x128xf32, #tpu.memory_space<vmem>>
    tpu.wait_dma2 semaphore(%arg13 : memref<!tpu.dma_semaphore, #tpu.memory_space<semaphore_mem>>) src(%dma_wait3A_498 : memref<200x128xf32, #tpu.memory_space<vmem>>) dst(%dma_wait3A_494 : memref<200x128xf32, #tpu.memory_space<hbm>>)
    %dma_wait3A_499 = arith.constant 1 : i32
    %dma_wait3A_500 = arith.constant 0 : i32
    %dma_wait3A_501 = arith.constant 0 : i32
    %dma_wait3A_502 = tpu.memref_slice %arg7[%dma_wait3A_499, %dma_wait3A_500, %dma_wait3A_501] : memref<2x200x128xf32, #tpu.memory_space<vmem>> -> memref<1x200x128xf32, #tpu.memory_space<vmem>>
    %dma_wait3A_503 = tpu.memref_squeeze %dma_wait3A_502 : memref<1x200x128xf32, #tpu.memory_space<vmem>> -> memref<200x128xf32, #tpu.memory_space<vmem>>
    %dma_wait3A_504 = arith.constant 0 : i32
    %dma_wait3A_505 = tpu.memref_slice %arg5[%dma_wait3A_504, %add3A_472] : memref<200x16384xf32, #tpu.memory_space<hbm>> -> memref<200x128xf32, #tpu.memory_space<hbm>>
    %dma_wait3A_506 = arith.constant 0 : i32
    %dma_wait3A_507 = tpu.memref_slice %arg5[%dma_wait3A_506, %add3A_472] : memref<200x16384xf32, #tpu.memory_space<hbm>> -> memref<200x128xf32, #tpu.memory_space<hbm>>
    %dma_wait3A_508 = arith.constant 0 : i32
    %dma_wait3A_509 = arith.constant 0 : i32
    %dma_wait3A_510 = tpu.memref_slice %arg7[%dma_wait3A_499, %dma_wait3A_508, %dma_wait3A_509] : memref<2x200x128xf32, #tpu.memory_space<vmem>> -> memref<1x200x128xf32, #tpu.memory_space<vmem>>
    %dma_wait3A_511 = tpu.memref_squeeze %dma_wait3A_510 : memref<1x200x128xf32, #tpu.memory_space<vmem>> -> memref<200x128xf32, #tpu.memory_space<vmem>>
    tpu.wait_dma2 semaphore(%arg14 : memref<!tpu.dma_semaphore, #tpu.memory_space<semaphore_mem>>) src(%dma_wait3A_511 : memref<200x128xf32, #tpu.memory_space<vmem>>) dst(%dma_wait3A_507 : memref<200x128xf32, #tpu.memory_space<hbm>>)
    return
  }
}

</mosaic_0001>

<sc_bundles>
// kernel: kernel.3.cloned.1.call-start
scs
__scs_entry_jumppad:
0x0: {  	(pc) =	sbr.rel $0x88, $3  }
0x1: {  	(tag) =	ssettag $0x0;
	lr =	simm.s32 $0x1  }
0x2: {  	[smem:$0x3F9E] =	sst lr;
	_ =	strace $0xD0000000  }
0x3: {  	_ = 	snop  }
0x4: {  	_ = 	snop  }
0x5: {  	_ = 	snop  }
0x6: {  	_ = 	snop  }
0x7: {  	_ = 	snop  }
__scs_overlays_trampoline_lowered:
0x8: {  	[smem:$0x3FAD] =	sst s0  }
0x9: {  	[smem:$0x3FAE] =	sst s1  }
0xa: {  	[smem:$0x3FAF] =	sst s2  }
0xb: {  	[smem:$0x3FB0] =	sst s3  }
0xc: {  	[smem:$0x3FB1] =	sst s4  }
0xd: {  	[smem:$0x3FB2] =	sst s5  }
0xe: {  	[smem:$0x3FB3] =	sst s6  }
0xf: {  	[smem:$0x3FB4] =	sst s7  }
0x10: {  	[smem:$0x3FB5] =	sst s8  }
0x11: {  	[smem:$0x3FB6] =	sst s9;
	s0 =	simm.s32 @!p0 $0x0  }
0x12: {  	s1 =	sld [smem:$0x3F9C];
	s0 =	simm.s32 @p0 $0x1  }
0x13: {  	[smem:$0x3FB7] =	sst s0;
	s0 =	simm.s32 @!p1 $0x0  }
0x14: {  	s2 =	sld [smem:$0x3F9B];
	s0 =	simm.s32 @p1 $0x1  }
0x15: {  	[smem:$0x3FB8] =	sst s0;
	s0 =	simm.s32 @!p2 $0x0  }
0x16: {  	s3 =	sld [smem:$0x3FDB];
	s0 =	simm.s32 @p2 $0x1  }
0x17: {  	s4 =	simm.s32 $0x1BF5;
	[smem:$0x3FBA] =	sst s0  }
0x18: {  	s0 =	sld [smem:$0x3F9D];
	_ =	swait.ge [sflag:s4], $0x0  }
0x19: {  	s7 =	sld [smem:$0x3F9E]  }
0x1a: {  	s8 =	sadd.s32 $0xFFFFE003, lr  }
0x1b: {  	s9 =	sadd.s32 $0xFFFFFEF7, lr;
	s5 =	simm.s32 $0xFFFFFFFF;
	p2 =	slt.u32 s8, $0xFFFFF086  }
0x1c: {  	p1 =	slt.u32 s9, $0xF7A;
	s5 =	simm.s32 @!p2 $0x0  }
0x1d: {  	s5 =	simm.s32 @p1 $0x1;
	p0 =	seq.s32 s7, s2  }
0x1e: {  	s7 =	smul.u32 @!p0 $0xF7A, s2;
	p2 =	seq.s32 @!p0 s5, $0x0  }
0x1f: {  	s9 =	smul.u32 $0xF7A, s1;
	s8 =	simm.s32 @!p0 $0x1BF5;
	p2 =	por !p2, p0  }
0x20: {  	[sflag:s8] =	ssyncset.s32 @!p0 $0xFFFFF086;
	s6 =	sadd.s32 @!p0 s3, s7;
	s7 =	simm.s32 @!p0 $0x108  }
0x21: {  	s3 =	sadd.s32 s3, s9;
	s6 =	sadd.s32 @!p0 $0x88, s6;
	s7 =	simm.s32 @p2 $0x1082  }
0x22: {  	[simem:s7], [sflag:s8] =	dma.local @!p0 [hbm:s6], $0xF7A  }
0x23: {  	s9 =	sor.u32 $0xD0000000, s2;
	s6 =	simm.s32 $0x108;
	_ =	swait.ge @!p0 [sflag:s8], $0x0  }
0x24: {  	s3 =	sadd.s32 $0x88, s3;
	s6 =	simm.s32 @!p1 $0x1082;
	[sflag:s4] =	ssyncset.s32 $0xFFFFF086  }
0x25: {  	[simem:s6], [sflag:s4] =	dma.local [hbm:s3], $0xF7A  }
0x26: {  	[smem:$0x3F9E] =	sst s1;
	(tag) =	ssettag s2;
	_ =	strace s9  }
0x27: {  	s1 =	sld [smem:$0x3FAE]  }
0x28: {  	s2 =	sld [smem:$0x3FAF]  }
0x29: {  	s4 =	sld [smem:$0x3FB1]  }
0x2a: {  	p0 =	seq.s32 s5, $0x0;
	s5 =	sld [smem:$0x3FB2]  }
0x2b: {  	s6 =	sld [smem:$0x3FB3]  }
0x2c: {  	s7 =	sld [smem:$0x3FB4]  }
0x2d: {  	s3 =	simm.s32 $0x108;
	s8 =	sld [smem:$0x3FB5]  }
0x2e: {  	s3 =	simm.s32 @!p0 $0x1082;
	s9 =	sld [smem:$0x3FB6]  }
0x2f: {  	lr =	sadd.s32 s0, s3;
	s0 =	sld [smem:$0x3FAD]  }
0x30: {  	s3 =	sld [smem:$0x3FB0]  }
0x31: {  	[smem:$0x3FB9] =	sst s10  }
0x32: {  	s10 =	sld [smem:$0x3FB7];
	_ =	sdelay $0x3  }
0x33: {  	p0 =	seq.s32 s10, $0x1;
	s10 =	sld [smem:$0x3FB9];
	_ =	sdelay $0x3  }
0x34: {  	[smem:$0x3FB9] =	sst s10  }
0x35: {  	s10 =	sld [smem:$0x3FB8];
	_ =	sdelay $0x3  }
0x36: {  	p1 =	seq.s32 s10, $0x1;
	s10 =	sld [smem:$0x3FB9];
	_ =	sdelay $0x3  }
0x37: {  	[smem:$0x3FB9] =	sst s10  }
0x38: {  	s10 =	sld [smem:$0x3FBA]  }
0x39: {  	_ = 	snop;
	(pc) =	sbr.ind lr, $3  }
0x3a: {  	_ = 	snop  }
0x3b: {  	_ = 	snop  }
0x3c: {  	p2 =	seq.s32 s10, $0x1;
	s10 =	sld [smem:$0x3FB9]  }
0x3d: {  	_ =	shalt  }
0x3e: {  	_ =	shalt  }
0x3f: {  	_ =	shalt  }
0x40: {  	_ =	shalt  }
0x41: {  	_ =	shalt  }
0x42: {  	_ =	shalt  }
0x43: {  	_ =	shalt  }
0x44: {  	_ =	shalt  }
0x45: {  	_ =	shalt  }
0x46: {  	_ =	shalt  }
0x47: {  	_ =	shalt  }
0x48: {  	_ =	shalt  }
0x49: {  	_ =	shalt  }
0x4a: {  	_ =	shalt  }
0x4b: {  	_ =	shalt  }
0x4c: {  	_ =	shalt  }
0x4d: {  	_ =	shalt  }
0x4e: {  	_ =	shalt  }
0x4f: {  	_ =	shalt  }
0x50: {  	_ =	shalt  }
0x51: {  	_ =	shalt  }
0x52: {  	_ =	shalt  }
0x53: {  	_ =	shalt  }
0x54: {  	_ =	shalt  }
0x55: {  	_ =	shalt  }
0x56: {  	_ =	shalt  }
0x57: {  	_ =	shalt  }
0x58: {  	_ =	shalt  }
0x59: {  	_ =	shalt  }
0x5a: {  	_ =	shalt  }
0x5b: {  	_ =	shalt  }
0x5c: {  	_ =	shalt  }
0x5d: {  	_ =	shalt  }
0x5e: {  	_ =	shalt  }
0x5f: {  	_ =	shalt  }
0x60: {  	_ =	shalt  }
0x61: {  	_ =	shalt  }
0x62: {  	_ =	shalt  }
0x63: {  	_ =	shalt  }
0x64: {  	_ =	shalt  }
0x65: {  	_ =	shalt  }
0x66: {  	_ =	shalt  }
0x67: {  	_ =	shalt  }
0x68: {  	_ =	shalt  }
0x69: {  	_ =	shalt  }
0x6a: {  	_ =	shalt  }
0x6b: {  	_ =	shalt  }
0x6c: {  	_ =	shalt  }
0x6d: {  	_ =	shalt  }
0x6e: {  	_ =	shalt  }
0x6f: {  	_ =	shalt  }
0x70: {  	_ =	shalt  }
0x71: {  	_ =	shalt  }
0x72: {  	_ =	shalt  }
0x73: {  	_ =	shalt  }
0x74: {  	_ =	shalt  }
0x75: {  	_ =	shalt  }
0x76: {  	_ =	shalt  }
0x77: {  	_ =	shalt  }
0x78: {  	_ =	shalt  }
0x79: {  	_ =	shalt  }
0x7a: {  	_ =	shalt  }
0x7b: {  	_ =	shalt  }
0x7c: {  	_ =	shalt  }
0x7d: {  	_ =	shalt  }
0x7e: {  	_ =	shalt  }
0x7f: {  	_ =	shalt  }
0x80: {  	_ =	shalt  }
0x81: {  	_ =	shalt  }
0x82: {  	_ =	shalt  }
0x83: {  	_ =	shalt  }
0x84: {  	_ =	shalt  }
0x85: {  	_ =	shalt  }
0x86: {  	_ =	shalt  }
0x87: {  	_ =	shalt  }
.Lfunc_end0:
.L_simem_size_0:
called_computation_lowered:
.L_overlay_start_0:
0x88: {  	s2 =	sld [smem:$0x3FD9]  }
0x89: {  	s3 =	sld [smem:$0x3FFE];
	_ =	sdelay $0x1  }
0x8a: {  	s1 =	srdreg.scid  }
0x8b: {  	s0 =	sand.u32 $0x1, s1  }
0x8c: {  	s17 =	sshll.u32 s0, $0xA;
	s2 =	sadd.s32 s3, s2  }
0x8d: {  	s2 =	sadd.s32 s2, s17  }
0x8e: {  	[smem:$0x3FC5] =	sst s2  }
0x8f: {  	_ = 	snop  }
0x90: {  	s2 =	sld [smem:$0x3FC8]  }
0x91: {  	s18 =	sld [smem:$0x3FC7]  }
0x92: {  	s4 =	sld [smem:$0x3FD0];
	(tm) =	ssettm $0x1  }
0x93: {  	s5 =	sld [smem:$0x3FFB];
	_ =	sdelay $0x3  }
0x94: {  	_ =	strace s5  }
0x95: {  	s5 =	sld [smem:$0x3FFC];
	_ =	sdelay $0x3  }
0x96: {  	_ =	strace s5  }
0x97: {  	s5 =	sld [smem:$0x3FFD];
	_ =	sdelay $0x3  }
0x98: {  	_ =	strace s5  }
0x99: {  	_ =	strace $0x8FFFFFFF  }
0x9a: {  	s19 =	sld [smem:$0x3FDB];
	_ =	sdelay $0x1  }
0x9b: {  	s6 =	simm.s32 $_scs_section_size  }
0x9c: {  	s7 =	simm.s32 $_size__tile_overlayer_lowered;
	s8 =	simm.s32 $_tile_overlayer_lowered  }
0x9d: {  	s22 =	simm.s32 $0x1BFF;
	s21 =	sshll.u32 s8, $0x1;
	s5 =	sadd.s32 s6, s19  }
0x9e: {  	s9 =	simm.s32 $0x0;
	s20 =	sshll.u32 s7, $0x1;
	s7 =	sadd.s32 s21, s5  }
0x9f: {  	[timem:s9], [sflag:s22] =	dma.local [hbm:s7], s20  }
0xa0: {  	_ =	swait.ge [sflag:s22], s20  }
0xa1: {  	s6 =	ssub.s32 $0x0, s20;
	[sflag:s22] =	ssyncset.done $0x0  }
0xa2: {  	[sflag:s22] =	ssyncadd.s32 s6;
	_ =	sdelay $0x1  }
0xa3: {  	s23 =	simm.s32 $0x1B8B  }
0xa4: {  	_ =	swait.ge [sflag:s23], $0x1  }
0xa5: {  	[sflag:s23] =	ssyncset.done $0x0  }
0xa6: {  	s25 =	simm.s32 $0x1B8E;
	s24 =	sld [smem:$0x3FFE];
	[sflag:s23] =	ssyncadd.s32 $0xFFFFFFFF  }
0xa7: {  	s26 =	simm.s32 $execute0_lowered;
	[smem:$0x3FD2] =	sst s25  }
0xa8: {  	s7 =	sshll.u32 s26, $0x1;
	_ =	strace $0x80000046;
	[dreg:$0x1] =	wrdreg $0xFFFFFFFF  }
0xa9: {  	s28 =	simm.s32 $_size_execute0_lowered;
	s5 =	sadd.s32 s5, s7;
	[dreg:$0x0] =	wrdreg $0x0  }
0xaa: {  	s7 =	sshll.u32 s28, $0x1;
	[dreg:$0x2] =	wrdreg s5  }
0xab: {  	[dreg:$0x3] =	wrdreg s7  }
0xac: {  	[dreg:$0x4] =	wrdreg $0xC0  }
0xad: {  	_ =	task [dreg:s9], $0x5FFFF  }
0xae: {  	[dreg:$0x1] =	wrdreg $0xFFFFFFFF  }
0xaf: {  	[dreg:$0x0] =	wrdreg $0x60  }
0xb0: {  	[dreg:$0x2] =	wrdreg s24  }
0xb1: {  	[dreg:$0x3] =	wrdreg s2  }
0xb2: {  	[dreg:$0x4] =	wrdreg s18  }
0xb3: {  	[dreg:$0x5] =	wrdreg s4  }
0xb4: {  	[dreg:$0x6] =	wrdreg $0x9  }
0xb5: {  	_ =	task.clear_ibuf [dreg:s9], $0x7FFFF;
	_ =	strace $0x90000046  }
0xb6: {  	s29 =	simm.s32 $0x9;
	_ =	strace $0x80000048  }
0xb7: {  	_ =	swait.ge [sflag:s29], $0x1  }
0xb8: {  	[sflag:s29] =	ssyncadd.s32 $0xFFFFFFFF  }
0xb9: {  	_ =	strace $0x90000048  }
0xba: {  	_ =	sfence  }
0xbb: {  	s30 =	sld [smem:$0x0];
	_ =	sdelay $0x2  }
0xbc: {  	s31 =	sshll.u32 s1, $0xD;
	s1 =	sshrl.u32 s1, $0x2  }
0xbd: {  	s3 =	sand.u32 $0x4000, s31;
	s1 =	sadd.s32 s1, s30  }
0xbe: {  	s0 =	sor.u32 s3, s0;
	s1 =	sshll.u32 s1, $0x11  }
0xbf: {  	s0 =	sor.u32 s1, s0  }
0xc0: {  	s0 =	sadd.s32 $0x8F2B, s0  }
0xc1: {  	[sflag:s0] =	ssyncadd.remote.s32 $0x1  }
0xc2: {  	_ =	sfence.sel $0xFFFF  }
0xc3: {  	[dreg:$0x0] =	wrdreg $0xFFFFFFFF;
	(pc) =	sbr.abs _section_cstart, $3  }
0xc4: {  	[dreg:$0x1] =	wrdreg $0xFFFFFFFF  }
0xc5: {  	_ =	task.clear_ibuf [dreg:s9], $0x2FFFF;
	_ =	strace $0x9FFFFFFF  }
0xc6: {  	(tm) =	ssettm $0x7FFFFFFF  }
0xc7: {  	_ =	shalt  }
tec
execute0_lowered:
.L_overlay_start_1:
0x0: {  	(tag) =	ssettag $0x1  }
0x1: {  	s0 =	rddreg [dreg:$0x0]  }
0x2: {  	s3 =	rddreg [dreg:$0x1]  }
0x3: {  	s15 =	rddreg [dreg:$0x3];
	s2 =	simm.s32 $0x0  }
0x4: {  	s4 =	srdreg.scid;
	s1 =	stileid.u32;
	s18 =	simm.s32 $0x20000  }
0x5: {  	s19 =	simm.s32 $0x80;
	s20 =	simm.s32 $0xC880;
	s21 =	simm.s32 $0x7  }
0x6: {  	s22 =	simm.s32 $0x6480;
	s23 =	simm.s32 $0x12C80;
	s24 =	simm.s32 $0x1  }
0x7: {  	s25 =	simm.s32 $0x3;
	s26 =	simm.s32 $0x5;
	s28 =	simm.s32 $0x2  }
0x8: {  	s29 =	simm.s32 $0x4;
	s30 =	simm.s32 $0x6;
	s31 =	simm.s32 $0x0  }
0x9: {  	[smem:$0x7FF] =	sst s2;
	s4 =	sand.u32 $0x1, s4;
	s7 =	sshll.u32 s1, $0xA  }
0xa: {  	s0 =	sadd.s32 $0x400, s0;
	s5 =	ssub.s32 $0x2, s4;
	s4 =	sshll.u32 s4, $0x9  }
0xb: {  	_ =	strace $0x80000047;
	s6 =	sshrl.u32 s5, $0x1;
	s10 =	sor.u32 s4, s7  }
0xc: {  	s16 =	ssub.s32 s5, s6;
	s4 =	sadd.s32 s0, s10;
	s5 =	sadd.s32 s3, s10  }
0xd: {  	s11 =	sor.u32 $0x80, s10;
	s14 =	sor.u32 $0x100, s10;
	s8 =	sadd.s32 s15, s10  }
0xe: {  	s17 =	sor.u32 $0x180, s10;
	s6 =	sadd.s32 s0, s11;
	s7 =	sadd.s32 s3, s11  }
0xf: {  	s9 =	sadd.s32 s0, s14;
	s10 =	sadd.s32 s3, s14;
	s11 =	sadd.s32 s15, s11  }
0x10: {  	s12 =	sadd.s32 s0, s17;
	s13 =	sadd.s32 s3, s17;
	s14 =	sadd.s32 s15, s14  }
0x11: {  	s15 =	sadd.s32 s15, s17;
	s16 =	smax.u32 s16, $0x1;
	s17 =	simm.s32 $0x400  }
.LBB2_1:
0x12: {  	[tilespmem:s19], [sflag:$0x1] =	stream.strided.gather [hbm4b:s4+s17], $0x6400, s18, s17, $0x38;
	[tilespmem:$0x19080] =	vst v63  }
0x13: {  	_ = 	snop  }
0x14: {  	[tilespmem:s20], [sflag:$0x3] =	stream.strided.gather [hbm4b:s5+s17], $0x6400, s18, s17, $0x38;
	[tilespmem:$0x19080] =	vst v63  }
0x15: {  	s0 =	rddreg [dreg:$0x2]  }
0x16: {  	[tilespmem:s2], [sflag:$0x7] =	stream.linear.gather [hbm4b:s0+s2], $0x8, $0x38;
	[tilespmem:$0x19080] =	vst v63  }
0x17: {  	_ =	swait.ge [sflag:s21], $0x8  }
0x18: {  	[sflag:s21] =	ssyncset.done $0x0  }
0x19: {  	[sflag:s21] =	ssyncadd.s32 $0xFFFFFFF8  }
0x1a: {  	v0 =	vld [tilespmem:$0x0];
	[tilespmem:s22], [sflag:$0x2] =	stream.strided.gather [hbm4b:s6+s17], $0x6400, s18, s17, $0x38  }
0x1b: {  	_ = 	snop  }
0x1c: {  	[tilespmem:s23], [sflag:$0x4] =	stream.strided.gather [hbm4b:s7+s17], $0x6400, s18, s17, $0x38;
	[tilespmem:$0x19080] =	vst v63  }
0x1d: {  	_ =	swait.ge [sflag:s24], $0x6400  }
0x1e: {  	[sflag:s24] =	ssyncset.done $0x0  }
0x1f: {  	[sflag:s24] =	ssyncadd.s32 $0xFFFF9C00  }
0x20: {  	_ =	swait.ge [sflag:s25], $0x6400  }
0x21: {  	[sflag:s25] =	ssyncset.done $0x0  }
0x22: {  	s1 =	simm.s32 $0x0;
	[sflag:s25] =	ssyncadd.s32 $0xFFFF9C00  }
0x23: {  	v1 =	vld [tilespmem:s1+$0xF0]  }
0x24: {  	v3 =	vld [tilespmem:s1+$0x80]  }
0x25: {  	v4 =	vld [tilespmem:s1+$0x90]  }
0x26: {  	v5 =	vld [tilespmem:s1+$0xA0]  }
0x27: {  	v6 =	vld [tilespmem:s1+$0xB0]  }
0x28: {  	v7 =	vld [tilespmem:s1+$0xC0]  }
0x29: {  	v8 =	vld [tilespmem:s1+$0xD0]  }
0x2a: {  	v9 =	vld [tilespmem:s1+$0xE0]  }
0x2b: {  	v10 =	vld [tilespmem:s1+$0xC880];
	v1 =	vperm.xlane v0, v1  }
0x2c: {  	v2 =	vimm.f32 $0.0e+00;
	v3 =	vperm.xlane v0, v3;
	v4 =	vperm.xlane v0, v4  }
0x2d: {  	v20 =	vld [tilespmem:s1+$0xC890];
	v5 =	vperm.xlane v0, v5;
	v6 =	vperm.xlane v0, v6;
	v1 =	vadd.f32 v1, v2  }
0x2e: {  	v21 =	vld [tilespmem:s1+$0xC8A0];
	v16 =	vadd.f32 v3, v2;
	v15 =	vadd.f32 v4, v2  }
0x2f: {  	v17 =	vld [tilespmem:s1+$0xC8B0];
	v3 =	vperm.xlane v0, v7;
	v14 =	vadd.f32 v5, v2;
	v13 =	vadd.f32 v6, v2  }
0x30: {  	v18 =	vld [tilespmem:s1+$0xC8C0];
	v5 =	vperm.xlane v0, v8;
	v6 =	vperm.xlane v0, v9;
	v4 =	vadd.f32 v10, v2  }
0x31: {  	v19 =	vld [tilespmem:s1+$0xC8D0];
	v7 =	vimm.f32 $0.0e+00;
	v8 =	vimm.f32 $0.0e+00;
	v11 =	vadd.f32 v3, v2  }
0x32: {  	v9 =	vimm.f32 $0.0e+00;
	v12 =	vadd.f32 v5, v2;
	v3 =	vadd.f32 v20, v2;
	v20 =	vld [tilespmem:s1+$0xC8E0]  }
0x33: {  	s3 =	simm.s32 $0x400;
	s0 =	simm.s32 $0x80;
	v10 =	vadd.f32 v6, v2;
	v5 =	vadd.f32 v21, v2;
	v21 =	vld [tilespmem:s1+$0xC8F0];
	v6 =	vimm.f32 $0.0e+00  }
.LBB2_2:
0x34: {  	p0 =	sne.s32 s3, $0x18E00;
	v22 =	vld [tilespmem:s0+$0xF0];
	v2 =	vadd.f32 v17, v2  }
0x35: {  	v17 =	vld [tilespmem:s0+$0x80];
	v7 =	vadd.f32 v18, v7  }
0x36: {  	v18 =	vld [tilespmem:s0+$0x90];
	v8 =	vadd.f32 v19, v8  }
0x37: {  	v19 =	vld [tilespmem:s0+$0xA0];
	v9 =	vadd.f32 v20, v9  }
0x38: {  	v20 =	vld [tilespmem:s0+$0xB0];
	v6 =	vadd.f32 v21, v6  }
0x39: {  	v21 =	vld [tilespmem:s0+$0xC0];
	v22 =	vperm.xlane v0, v22  }
0x3a: {  	v17 =	vperm.xlane v0, v17;
	v23 =	vld [tilespmem:s0+$0xD0]  }
0x3b: {  	v18 =	vperm.xlane v0, v18;
	v24 =	vld [tilespmem:s0+$0xE0];
	v1 =	vadd.f32 v22, v1  }
0x3c: {  	v22 =	vld [tilespmem:s0+$0xC880];
	v16 =	vadd.f32 v17, v16;
	v17 =	vperm.xlane v0, v19  }
0x3d: {  	v25 =	vld [tilespmem:s0+$0xC890];
	v15 =	vadd.f32 v18, v15;
	v18 =	vperm.xlane v0, v20  }
0x3e: {  	v26 =	vld [tilespmem:s0+$0xC8A0];
	v14 =	vadd.f32 v17, v14;
	v19 =	vperm.xlane v0, v21  }
.Ltmp0:
0x3f: {  	v17 =	vld [tilespmem:s0+$0xC8B0];
	v13 =	vadd.f32 v18, v13;
	v20 =	vperm.xlane v0, v23;
	(pc) =	sbr.rel @p0 .LBB2_2-.Ltmp0, $4  }
0x40: {  	v18 =	vld [tilespmem:s0+$0xC8C0];
	v11 =	vadd.f32 v19, v11;
	v21 =	vperm.xlane v0, v24  }
0x41: {  	v4 =	vadd.f32 v22, v4;
	v19 =	vld [tilespmem:s0+$0xC8D0];
	v12 =	vadd.f32 v20, v12  }
0x42: {  	v3 =	vadd.f32 v25, v3;
	v20 =	vld [tilespmem:s0+$0xC8E0];
	v10 =	vadd.f32 v21, v10  }
0x43: {  	v5 =	vadd.f32 v26, v5;
	v21 =	vld [tilespmem:s0+$0xC8F0];
	s0 =	sshra.s32 s3, $0x2;
	s3 =	sadd.s32 $0x200, s3  }
0x44: {  	v22 =	vld [tilespmem:s0+$0x80]  }
0x45: {  	v23 =	vld [tilespmem:s0+$0x90]  }
0x46: {  	v24 =	vld [tilespmem:s0+$0xA0]  }
0x47: {  	v25 =	vld [tilespmem:s0+$0xB0]  }
0x48: {  	v26 =	vld [tilespmem:s0+$0xC0]  }
0x49: {  	v27 =	vld [tilespmem:s0+$0xD0];
	v22 =	vperm.xlane v0, v22  }
0x4a: {  	v28 =	vld [tilespmem:s0+$0xE0];
	v23 =	vperm.xlane v0, v23  }
0x4b: {  	v59 =	vld [tilespmem:s0+$0xF0];
	v24 =	vperm.xlane v0, v24;
	v16 =	vadd.f32 v22, v16  }
0x4c: {  	v60 =	vld [tilespmem:s0+$0xC880];
	v2 =	vadd.f32 v17, v2;
	v25 =	vperm.xlane v0, v25;
	v15 =	vadd.f32 v23, v15  }
0x4d: {  	v17 =	vld [tilespmem:s0+$0xC8D0];
	v61 =	vperm.xlane v0, v26;
	v14 =	vadd.f32 v24, v14;
	(erf) = vrcp.f32 v16  }
0x4e: {  	v62 =	vperm.xlane v0, v27;
	v13 =	vadd.f32 v25, v13;
	v16 =	vld [tilespmem:s0+$0xC890];
	(erf) = vrcp.f32 v15  }
0x4f: {  	v63 =	vperm.xlane v0, v28;
	v11 =	vadd.f32 v61, v11;
	v15 =	vld [tilespmem:s0+$0xC8A0];
	(erf) = vrcp.f32 v14  }
0x50: {  	v12 =	vadd.f32 v62, v12;
	v22 =	vperm.xlane v0, v59;
	v14 =	vld [tilespmem:s0+$0xC8B0];
	(erf) = vrcp.f32 v13  }
0x51: {  	v7 =	vadd.f32 v18, v7;
	v10 =	vadd.f32 v63, v10;
	v13 =	vld [tilespmem:s0+$0xC8C0];
	(erf) = vrcp.f32 v11  }
0x52: {  	v4 =	vadd.f32 v60, v4;
	v1 =	vadd.f32 v22, v1;
	v11 =	vld [tilespmem:s0+$0xC8E0];
	(erf) = vrcp.f32 v12  }
0x53: {  	v8 =	vadd.f32 v19, v8;
	v9 =	vadd.f32 v20, v9;
	(erf) = vrcp.f32 v10  }
0x54: {  	v4 =	vsub.f32 $0.0e+00, v4;
	v12 =	vld [tilespmem:s0+$0xC8F0];
	s0 =	simm.s32 $0x0;
	v10 =	vadd.f32 v21, v6;
	(erf) = vrcp.f32 v1  }
0x55: {  	v15 =	vadd.f32 v15, v5;
	v5 =	vld [tilespmem:s0+$0xC880];
	v1 =	vadd.f32 v16, v3  }
0x56: {  	v19 =	vld [tilespmem:s0+$0x80];
	v2 =	vadd.f32 v14, v2;
	v14 =	vadd.f32 v17, v8;
	v16 =	vpop (erf)  }
0x57: {  	v6 =	vld [tilespmem:s0+$0xC890];
	v7 =	vadd.f32 v13, v7;
	v11 =	vadd.f32 v11, v9;
	v13 =	vpop (erf)  }
0x58: {  	v3 =	vld [tilespmem:s0+$0xC8A0];
	v8 =	vsub.f32 $0.0e+00, v1;
	v14 =	vsub.f32 $0.0e+00, v14;
	v9 =	vpop (erf)  }
0x59: {  	v1 =	vld [tilespmem:s0+$0xC8B0];
	v18 =	vadd.f32 v12, v10;
	v10 =	vsub.f32 $0.0e+00, v15;
	v17 =	vpop (erf)  }
0x5a: {  	v2 =	vsub.f32 $0.0e+00, v2;
	v12 =	vmul.f32 v16, v4;
	v8 =	vmul.f32 v13, v8;
	v13 =	vld [tilespmem:s0+$0x90];
	v15 =	vpop (erf)  }
0x5b: {  	v7 =	vsub.f32 $0.0e+00, v7;
	v16 =	vld [tilespmem:s0+$0xA0];
	v19 =	vperm.xlane v0, v19;
	v9 =	vmul.f32 v9, v10;
	v4 =	vpop (erf)  }
0x5c: {  	v18 =	vsub.f32 $0.0e+00, v18;
	v10 =	vmul.f32 v17, v2;
	v2 =	vsub.f32 $0.0e+00, v11;
	v17 =	vld [tilespmem:s0+$0xB0];
	v20 =	vpop (erf)  }
0x5d: {  	v11 =	vmul.f32 v15, v7;
	v15 =	vld [tilespmem:s0+$0xC0];
	v7 =	vmul.f32 v4, v14;
	v14 =	vpop (erf)  }
0x5e: {  	v4 =	vmul.f32 v20, v2;
	v2 =	vmul.f32 v14, v18;
	v14 =	vld [tilespmem:s0+$0xD0]  }
0x5f: {  	s3 =	simm.s32 $0x200;
	v18 =	vperm.xlane v0, v13;
	v13 =	vld [tilespmem:s0+$0xE0]  }
.LBB2_4:
0x60: {  	p0 =	sne.s32 s3, $0x18E00;
	v19 =	vmul.f32 v19, v12;
	v16 =	vperm.xlane v0, v16;
	v20 =	vld [tilespmem:s0+$0xF0]  }
0x61: {  	v18 =	vmul.f32 v18, v8;
	v17 =	vperm.xlane v0, v17;
	v21 =	vld [tilespmem:s0+$0xC8C0]  }
0x62: {  	v5 =	vadd.f32 v19, v5;
	v16 =	vmul.f32 v16, v9;
	v15 =	vperm.xlane v0, v15;
	v19 =	vld [tilespmem:s0+$0xC8D0]  }
0x63: {  	v6 =	vadd.f32 v18, v6;
	v17 =	vmul.f32 v17, v10;
	v14 =	vperm.xlane v0, v14;
	v18 =	vld [tilespmem:s0+$0xC8E0]  }
0x64: {  	s1 =	sshra.s32 s3, $0x2;
	[tilespmem:s0+$0x80] =	vst v5;
	v3 =	vadd.f32 v16, v3;
	v15 =	vmul.f32 v15, v11;
	v13 =	vperm.xlane v0, v13;
	v16 =	vld [tilespmem:s0+$0xC8F0]  }
0x65: {  	v5 =	vld [tilespmem:s1+$0xC880];
	[tilespmem:s0+$0x90] =	vst v6;
	v1 =	vadd.f32 v17, v1;
	v14 =	vmul.f32 v14, v7;
	v17 =	vperm.xlane v0, v20  }
0x66: {  	v6 =	vld [tilespmem:s1+$0xC890];
	[tilespmem:s0+$0xA0] =	vst v3;
	v15 =	vadd.f32 v15, v21;
	v13 =	vmul.f32 v13, v4  }
0x67: {  	v3 =	vld [tilespmem:s1+$0xC8A0];
	[tilespmem:s0+$0xB0] =	vst v1;
	v14 =	vadd.f32 v14, v19;
	v17 =	vmul.f32 v17, v2  }
0x68: {  	v1 =	vld [tilespmem:s1+$0xC8B0];
	[tilespmem:s0+$0xC0] =	vst v15;
	v13 =	vadd.f32 v13, v18  }
0x69: {  	v18 =	vld [tilespmem:s1+$0x80];
	[tilespmem:s0+$0xD0] =	vst v14;
	v14 =	vadd.f32 v17, v16  }
0x6a: {  	v20 =	vld [tilespmem:s1+$0x90];
	[tilespmem:s0+$0xE0] =	vst v13  }
.Ltmp1:
0x6b: {  	v16 =	vld [tilespmem:s1+$0xA0];
	[tilespmem:s0+$0xF0] =	vst v14;
	s0 =	smov.u32 s1;
	(pc) =	sbr.rel @p0 .LBB2_4-.Ltmp1, $4  }
0x6c: {  	v17 =	vld [tilespmem:s0+$0xB0]  }
0x6d: {  	v15 =	vld [tilespmem:s0+$0xC0]  }
0x6e: {  	v19 =	vperm.xlane v0, v18;
	v14 =	vld [tilespmem:s0+$0xD0]  }
0x6f: {  	s3 =	sadd.s32 $0x200, s3;
	v18 =	vperm.xlane v0, v20;
	v13 =	vld [tilespmem:s0+$0xE0]  }
0x70: {  	v12 =	vmul.f32 v19, v12;
	v19 =	vld [tilespmem:s0+$0xF0];
	v16 =	vperm.xlane v0, v16  }
0x71: {  	v20 =	vld [tilespmem:s0+$0xC8C0];
	v8 =	vmul.f32 v18, v8;
	v17 =	vperm.xlane v0, v17  }
0x72: {  	v5 =	vadd.f32 v12, v5;
	v12 =	vld [tilespmem:s0+$0xC8D0];
	v9 =	vmul.f32 v16, v9;
	v15 =	vperm.xlane v0, v15  }
0x73: {  	v16 =	vld [tilespmem:s0+$0xC8E0];
	v6 =	vadd.f32 v8, v6;
	v8 =	vmul.f32 v17, v10;
	v10 =	vperm.xlane v0, v14  }
0x74: {  	[tilespmem:s0+$0x80] =	vst v5;
	v3 =	vadd.f32 v9, v3;
	v5 =	vmul.f32 v15, v11;
	v9 =	vperm.xlane v0, v13;
	v11 =	vld [tilespmem:s0+$0xC8F0]  }
0x75: {  	[tilespmem:s0+$0x90] =	vst v6;
	v1 =	vadd.f32 v8, v1;
	v6 =	vmul.f32 v10, v7;
	v7 =	vperm.xlane v0, v19  }
0x76: {  	[tilespmem:s0+$0xA0] =	vst v3;
	v3 =	vadd.f32 v5, v20;
	v4 =	vmul.f32 v9, v4  }
0x77: {  	[tilespmem:s0+$0xB0] =	vst v1;
	v1 =	vadd.f32 v6, v12;
	v2 =	vmul.f32 v7, v2  }
0x78: {  	[tilespmem:s0+$0xC0] =	vst v3;
	v3 =	vadd.f32 v4, v16  }
0x79: {  	[tilespmem:s0+$0xD0] =	vst v1;
	v1 =	vadd.f32 v2, v11  }
0x7a: {  	[tilespmem:s0+$0xE0] =	vst v3  }
0x7b: {  	[tilespmem:s0+$0xF0] =	vst v1  }
0x7c: {  	[hbm4b:s8+s17] =	stream.strided.scatter [tilespmem:s19], [sflag:$0x5], $0x6400, s18, s17, $0x38;
	[tilespmem:$0x19080] =	vst v63  }
0x7d: {  	_ =	swait.ge [sflag:s26], $0x6400  }
0x7e: {  	[sflag:s26] =	ssyncset.done $0x0  }
0x7f: {  	[sflag:s26] =	ssyncadd.s32 $0xFFFF9C00  }
0x80: {  	[tilespmem:s19], [sflag:$0x1] =	stream.strided.gather [hbm4b:s9+s17], $0x6400, s18, s17, $0x38;
	[tilespmem:$0x19080] =	vst v63  }
0x81: {  	_ = 	snop  }
0x82: {  	[tilespmem:s20], [sflag:$0x3] =	stream.strided.gather [hbm4b:s10+s17], $0x6400, s18, s17, $0x38;
	[tilespmem:$0x19080] =	vst v63  }
0x83: {  	_ =	swait.ge [sflag:s28], $0x6400  }
0x84: {  	[sflag:s28] =	ssyncset.done $0x0  }
0x85: {  	[sflag:s28] =	ssyncadd.s32 $0xFFFF9C00  }
0x86: {  	_ =	swait.ge [sflag:s29], $0x6400  }
0x87: {  	[sflag:s29] =	ssyncset.done $0x0  }
0x88: {  	s1 =	simm.s32 $0x0;
	[sflag:s29] =	ssyncadd.s32 $0xFFFF9C00  }
0x89: {  	v1 =	vld [tilespmem:s1+$0x64F0]  }
0x8a: {  	v3 =	vld [tilespmem:s1+$0x6480]  }
0x8b: {  	v4 =	vld [tilespmem:s1+$0x6490]  }
0x8c: {  	v5 =	vld [tilespmem:s1+$0x64A0]  }
0x8d: {  	v6 =	vld [tilespmem:s1+$0x64B0]  }
0x8e: {  	v7 =	vld [tilespmem:s1+$0x64C0]  }
0x8f: {  	v8 =	vld [tilespmem:s1+$0x64D0]  }
0x90: {  	v9 =	vld [tilespmem:s1+$0x64E0]  }
0x91: {  	v10 =	vld [tilespmem:s1+$0x12C80];
	v1 =	vperm.xlane v0, v1  }
0x92: {  	v2 =	vimm.f32 $0.0e+00;
	v3 =	vperm.xlane v0, v3;
	v4 =	vperm.xlane v0, v4  }
0x93: {  	v20 =	vld [tilespmem:s1+$0x12C90];
	v5 =	vperm.xlane v0, v5;
	v6 =	vperm.xlane v0, v6;
	v1 =	vadd.f32 v1, v2  }
0x94: {  	v21 =	vld [tilespmem:s1+$0x12CA0];
	v16 =	vadd.f32 v3, v2;
	v15 =	vadd.f32 v4, v2  }
0x95: {  	v17 =	vld [tilespmem:s1+$0x12CB0];
	v3 =	vperm.xlane v0, v7;
	v14 =	vadd.f32 v5, v2;
	v13 =	vadd.f32 v6, v2  }
0x96: {  	v18 =	vld [tilespmem:s1+$0x12CC0];
	v5 =	vperm.xlane v0, v8;
	v6 =	vperm.xlane v0, v9;
	v4 =	vadd.f32 v10, v2  }
0x97: {  	v19 =	vld [tilespmem:s1+$0x12CD0];
	v7 =	vimm.f32 $0.0e+00;
	v8 =	vimm.f32 $0.0e+00;
	v11 =	vadd.f32 v3, v2  }
0x98: {  	v9 =	vimm.f32 $0.0e+00;
	v12 =	vadd.f32 v5, v2;
	v3 =	vadd.f32 v20, v2;
	v20 =	vld [tilespmem:s1+$0x12CE0]  }
0x99: {  	s3 =	simm.s32 $0x400;
	s0 =	simm.s32 $0x80;
	v10 =	vadd.f32 v6, v2;
	v5 =	vadd.f32 v21, v2;
	v21 =	vld [tilespmem:s1+$0x12CF0];
	v6 =	vimm.f32 $0.0e+00  }
.LBB2_6:
0x9a: {  	p0 =	sne.s32 s3, $0x18E00;
	v22 =	vld [tilespmem:s0+$0x64F0];
	v2 =	vadd.f32 v17, v2  }
0x9b: {  	v17 =	vld [tilespmem:s0+$0x6480];
	v7 =	vadd.f32 v18, v7  }
0x9c: {  	v18 =	vld [tilespmem:s0+$0x6490];
	v8 =	vadd.f32 v19, v8  }
0x9d: {  	v19 =	vld [tilespmem:s0+$0x64A0];
	v9 =	vadd.f32 v20, v9  }
0x9e: {  	v20 =	vld [tilespmem:s0+$0x64B0];
	v6 =	vadd.f32 v21, v6  }
0x9f: {  	v21 =	vld [tilespmem:s0+$0x64C0];
	v22 =	vperm.xlane v0, v22  }
0xa0: {  	v17 =	vperm.xlane v0, v17;
	v23 =	vld [tilespmem:s0+$0x64D0]  }
0xa1: {  	v18 =	vperm.xlane v0, v18;
	v24 =	vld [tilespmem:s0+$0x64E0];
	v1 =	vadd.f32 v22, v1  }
0xa2: {  	v22 =	vld [tilespmem:s0+$0x12C80];
	v16 =	vadd.f32 v17, v16;
	v17 =	vperm.xlane v0, v19  }
0xa3: {  	v25 =	vld [tilespmem:s0+$0x12C90];
	v15 =	vadd.f32 v18, v15;
	v18 =	vperm.xlane v0, v20  }
0xa4: {  	v26 =	vld [tilespmem:s0+$0x12CA0];
	v14 =	vadd.f32 v17, v14;
	v19 =	vperm.xlane v0, v21  }
.Ltmp2:
0xa5: {  	v17 =	vld [tilespmem:s0+$0x12CB0];
	v13 =	vadd.f32 v18, v13;
	v20 =	vperm.xlane v0, v23;
	(pc) =	sbr.rel @p0 .LBB2_6-.Ltmp2, $4  }
0xa6: {  	v18 =	vld [tilespmem:s0+$0x12CC0];
	v11 =	vadd.f32 v19, v11;
	v21 =	vperm.xlane v0, v24  }
0xa7: {  	v4 =	vadd.f32 v22, v4;
	v19 =	vld [tilespmem:s0+$0x12CD0];
	v12 =	vadd.f32 v20, v12  }
0xa8: {  	v3 =	vadd.f32 v25, v3;
	v20 =	vld [tilespmem:s0+$0x12CE0];
	v10 =	vadd.f32 v21, v10  }
0xa9: {  	v5 =	vadd.f32 v26, v5;
	v21 =	vld [tilespmem:s0+$0x12CF0];
	s0 =	sshra.s32 s3, $0x2;
	s3 =	sadd.s32 $0x200, s3  }
0xaa: {  	v22 =	vld [tilespmem:s0+$0x6480]  }
0xab: {  	v23 =	vld [tilespmem:s0+$0x6490]  }
0xac: {  	v24 =	vld [tilespmem:s0+$0x64A0]  }
0xad: {  	v25 =	vld [tilespmem:s0+$0x64B0]  }
0xae: {  	v26 =	vld [tilespmem:s0+$0x64C0]  }
0xaf: {  	v27 =	vld [tilespmem:s0+$0x64D0];
	v22 =	vperm.xlane v0, v22  }
0xb0: {  	v28 =	vld [tilespmem:s0+$0x64E0];
	v23 =	vperm.xlane v0, v23  }
0xb1: {  	v59 =	vld [tilespmem:s0+$0x64F0];
	v24 =	vperm.xlane v0, v24;
	v16 =	vadd.f32 v22, v16  }
0xb2: {  	v60 =	vld [tilespmem:s0+$0x12C80];
	v2 =	vadd.f32 v17, v2;
	v25 =	vperm.xlane v0, v25;
	v15 =	vadd.f32 v23, v15  }
0xb3: {  	v17 =	vld [tilespmem:s0+$0x12CD0];
	v61 =	vperm.xlane v0, v26;
	v14 =	vadd.f32 v24, v14;
	(erf) = vrcp.f32 v16  }
0xb4: {  	v62 =	vperm.xlane v0, v27;
	v13 =	vadd.f32 v25, v13;
	v16 =	vld [tilespmem:s0+$0x12C90];
	(erf) = vrcp.f32 v15  }
0xb5: {  	v63 =	vperm.xlane v0, v28;
	v11 =	vadd.f32 v61, v11;
	v15 =	vld [tilespmem:s0+$0x12CA0];
	(erf) = vrcp.f32 v14  }
0xb6: {  	v12 =	vadd.f32 v62, v12;
	v22 =	vperm.xlane v0, v59;
	v14 =	vld [tilespmem:s0+$0x12CB0];
	(erf) = vrcp.f32 v13  }
0xb7: {  	v7 =	vadd.f32 v18, v7;
	v10 =	vadd.f32 v63, v10;
	v13 =	vld [tilespmem:s0+$0x12CC0];
	(erf) = vrcp.f32 v11  }
0xb8: {  	v4 =	vadd.f32 v60, v4;
	v1 =	vadd.f32 v22, v1;
	v11 =	vld [tilespmem:s0+$0x12CE0];
	(erf) = vrcp.f32 v12  }
0xb9: {  	v8 =	vadd.f32 v19, v8;
	v9 =	vadd.f32 v20, v9;
	(erf) = vrcp.f32 v10  }
0xba: {  	v4 =	vsub.f32 $0.0e+00, v4;
	v12 =	vld [tilespmem:s0+$0x12CF0];
	s0 =	simm.s32 $0x0;
	v10 =	vadd.f32 v21, v6;
	(erf) = vrcp.f32 v1  }
0xbb: {  	v15 =	vadd.f32 v15, v5;
	v5 =	vld [tilespmem:s0+$0x12C80];
	v1 =	vadd.f32 v16, v3  }
0xbc: {  	v19 =	vld [tilespmem:s0+$0x6480];
	v2 =	vadd.f32 v14, v2;
	v14 =	vadd.f32 v17, v8;
	v16 =	vpop (erf)  }
0xbd: {  	v6 =	vld [tilespmem:s0+$0x12C90];
	v7 =	vadd.f32 v13, v7;
	v11 =	vadd.f32 v11, v9;
	v13 =	vpop (erf)  }
0xbe: {  	v3 =	vld [tilespmem:s0+$0x12CA0];
	v8 =	vsub.f32 $0.0e+00, v1;
	v14 =	vsub.f32 $0.0e+00, v14;
	v9 =	vpop (erf)  }
0xbf: {  	v1 =	vld [tilespmem:s0+$0x12CB0];
	v18 =	vadd.f32 v12, v10;
	v10 =	vsub.f32 $0.0e+00, v15;
	v17 =	vpop (erf)  }
0xc0: {  	v2 =	vsub.f32 $0.0e+00, v2;
	v12 =	vmul.f32 v16, v4;
	v8 =	vmul.f32 v13, v8;
	v13 =	vld [tilespmem:s0+$0x6490];
	v15 =	vpop (erf)  }
0xc1: {  	v7 =	vsub.f32 $0.0e+00, v7;
	v16 =	vld [tilespmem:s0+$0x64A0];
	v19 =	vperm.xlane v0, v19;
	v9 =	vmul.f32 v9, v10;
	v4 =	vpop (erf)  }
0xc2: {  	v18 =	vsub.f32 $0.0e+00, v18;
	v10 =	vmul.f32 v17, v2;
	v2 =	vsub.f32 $0.0e+00, v11;
	v17 =	vld [tilespmem:s0+$0x64B0];
	v20 =	vpop (erf)  }
0xc3: {  	v11 =	vmul.f32 v15, v7;
	v15 =	vld [tilespmem:s0+$0x64C0];
	v7 =	vmul.f32 v4, v14;
	v14 =	vpop (erf)  }
0xc4: {  	v4 =	vmul.f32 v20, v2;
	v2 =	vmul.f32 v14, v18;
	v14 =	vld [tilespmem:s0+$0x64D0]  }
0xc5: {  	s3 =	simm.s32 $0x200;
	v18 =	vperm.xlane v0, v13;
	v13 =	vld [tilespmem:s0+$0x64E0]  }
.LBB2_8:
0xc6: {  	p0 =	sne.s32 s3, $0x18E00;
	v19 =	vmul.f32 v19, v12;
	v16 =	vperm.xlane v0, v16;
	v20 =	vld [tilespmem:s0+$0x64F0]  }
0xc7: {  	v18 =	vmul.f32 v18, v8;
	v17 =	vperm.xlane v0, v17;
	v21 =	vld [tilespmem:s0+$0x12CC0]  }
0xc8: {  	v5 =	vadd.f32 v19, v5;
	v16 =	vmul.f32 v16, v9;
	v15 =	vperm.xlane v0, v15;
	v19 =	vld [tilespmem:s0+$0x12CD0]  }
0xc9: {  	v6 =	vadd.f32 v18, v6;
	v17 =	vmul.f32 v17, v10;
	v14 =	vperm.xlane v0, v14;
	v18 =	vld [tilespmem:s0+$0x12CE0]  }
0xca: {  	s1 =	sshra.s32 s3, $0x2;
	[tilespmem:s0+$0x6480] =	vst v5;
	v3 =	vadd.f32 v16, v3;
	v15 =	vmul.f32 v15, v11;
	v13 =	vperm.xlane v0, v13;
	v16 =	vld [tilespmem:s0+$0x12CF0]  }
0xcb: {  	v5 =	vld [tilespmem:s1+$0x12C80];
	[tilespmem:s0+$0x6490] =	vst v6;
	v1 =	vadd.f32 v17, v1;
	v14 =	vmul.f32 v14, v7;
	v17 =	vperm.xlane v0, v20  }
0xcc: {  	v6 =	vld [tilespmem:s1+$0x12C90];
	[tilespmem:s0+$0x64A0] =	vst v3;
	v15 =	vadd.f32 v15, v21;
	v13 =	vmul.f32 v13, v4  }
0xcd: {  	v3 =	vld [tilespmem:s1+$0x12CA0];
	[tilespmem:s0+$0x64B0] =	vst v1;
	v14 =	vadd.f32 v14, v19;
	v17 =	vmul.f32 v17, v2  }
0xce: {  	v1 =	vld [tilespmem:s1+$0x12CB0];
	[tilespmem:s0+$0x64C0] =	vst v15;
	v13 =	vadd.f32 v13, v18  }
0xcf: {  	v18 =	vld [tilespmem:s1+$0x6480];
	[tilespmem:s0+$0x64D0] =	vst v14;
	v14 =	vadd.f32 v17, v16  }
0xd0: {  	v20 =	vld [tilespmem:s1+$0x6490];
	[tilespmem:s0+$0x64E0] =	vst v13  }
.Ltmp3:
0xd1: {  	v16 =	vld [tilespmem:s1+$0x64A0];
	[tilespmem:s0+$0x64F0] =	vst v14;
	s0 =	smov.u32 s1;
	(pc) =	sbr.rel @p0 .LBB2_8-.Ltmp3, $4  }
0xd2: {  	v17 =	vld [tilespmem:s0+$0x64B0]  }
0xd3: {  	v15 =	vld [tilespmem:s0+$0x64C0]  }
0xd4: {  	v19 =	vperm.xlane v0, v18;
	v14 =	vld [tilespmem:s0+$0x64D0]  }
0xd5: {  	s3 =	sadd.s32 $0x200, s3;
	v18 =	vperm.xlane v0, v20;
	v13 =	vld [tilespmem:s0+$0x64E0]  }
0xd6: {  	v12 =	vmul.f32 v19, v12;
	v19 =	vld [tilespmem:s0+$0x64F0];
	v16 =	vperm.xlane v0, v16  }
0xd7: {  	v20 =	vld [tilespmem:s0+$0x12CC0];
	v8 =	vmul.f32 v18, v8;
	v17 =	vperm.xlane v0, v17  }
0xd8: {  	v5 =	vadd.f32 v12, v5;
	v12 =	vld [tilespmem:s0+$0x12CD0];
	v9 =	vmul.f32 v16, v9;
	v15 =	vperm.xlane v0, v15  }
0xd9: {  	v16 =	vld [tilespmem:s0+$0x12CE0];
	v6 =	vadd.f32 v8, v6;
	v8 =	vmul.f32 v17, v10;
	v10 =	vperm.xlane v0, v14  }
0xda: {  	[tilespmem:s0+$0x6480] =	vst v5;
	v3 =	vadd.f32 v9, v3;
	v5 =	vmul.f32 v15, v11;
	v9 =	vperm.xlane v0, v13;
	v11 =	vld [tilespmem:s0+$0x12CF0]  }
0xdb: {  	[tilespmem:s0+$0x6490] =	vst v6;
	v1 =	vadd.f32 v8, v1;
	v6 =	vmul.f32 v10, v7;
	v7 =	vperm.xlane v0, v19  }
0xdc: {  	[tilespmem:s0+$0x64A0] =	vst v3;
	v3 =	vadd.f32 v5, v20;
	v4 =	vmul.f32 v9, v4  }
0xdd: {  	[tilespmem:s0+$0x64B0] =	vst v1;
	v1 =	vadd.f32 v6, v12;
	v2 =	vmul.f32 v7, v2  }
0xde: {  	[tilespmem:s0+$0x64C0] =	vst v3;
	v3 =	vadd.f32 v4, v16  }
0xdf: {  	[tilespmem:s0+$0x64D0] =	vst v1;
	v1 =	vadd.f32 v2, v11  }
0xe0: {  	[tilespmem:s0+$0x64E0] =	vst v3  }
0xe1: {  	[tilespmem:s0+$0x64F0] =	vst v1  }
0xe2: {  	[hbm4b:s11+s17] =	stream.strided.scatter [tilespmem:s22], [sflag:$0x6], $0x6400, s18, s17, $0x38;
	[tilespmem:$0x19080] =	vst v63  }
0xe3: {  	_ =	swait.ge [sflag:s30], $0x6400  }
0xe4: {  	[sflag:s30] =	ssyncset.done $0x0  }
0xe5: {  	[sflag:s30] =	ssyncadd.s32 $0xFFFF9C00  }
0xe6: {  	[tilespmem:s22], [sflag:$0x2] =	stream.strided.gather [hbm4b:s12+s17], $0x6400, s18, s17, $0x38;
	[tilespmem:$0x19080] =	vst v63  }
0xe7: {  	_ = 	snop  }
0xe8: {  	[tilespmem:s23], [sflag:$0x4] =	stream.strided.gather [hbm4b:s13+s17], $0x6400, s18, s17, $0x38;
	[tilespmem:$0x19080] =	vst v63  }
0xe9: {  	_ =	swait.ge [sflag:s24], $0x6400  }
0xea: {  	[sflag:s24] =	ssyncset.done $0x0  }
0xeb: {  	[sflag:s24] =	ssyncadd.s32 $0xFFFF9C00  }
0xec: {  	_ =	swait.ge [sflag:s25], $0x6400  }
0xed: {  	[sflag:s25] =	ssyncset.done $0x0  }
0xee: {  	s1 =	simm.s32 $0x0;
	[sflag:s25] =	ssyncadd.s32 $0xFFFF9C00  }
0xef: {  	v1 =	vld [tilespmem:s1+$0xF0]  }
0xf0: {  	v3 =	vld [tilespmem:s1+$0x80]  }
0xf1: {  	v4 =	vld [tilespmem:s1+$0x90]  }
0xf2: {  	v5 =	vld [tilespmem:s1+$0xA0]  }
0xf3: {  	v6 =	vld [tilespmem:s1+$0xB0]  }
0xf4: {  	v7 =	vld [tilespmem:s1+$0xC0]  }
0xf5: {  	v8 =	vld [tilespmem:s1+$0xD0]  }
0xf6: {  	v9 =	vld [tilespmem:s1+$0xE0]  }
0xf7: {  	v10 =	vld [tilespmem:s1+$0xC880];
	v1 =	vperm.xlane v0, v1  }
0xf8: {  	v2 =	vimm.f32 $0.0e+00;
	v3 =	vperm.xlane v0, v3;
	v4 =	vperm.xlane v0, v4  }
0xf9: {  	v20 =	vld [tilespmem:s1+$0xC890];
	v5 =	vperm.xlane v0, v5;
	v6 =	vperm.xlane v0, v6;
	v1 =	vadd.f32 v1, v2  }
0xfa: {  	v21 =	vld [tilespmem:s1+$0xC8A0];
	v16 =	vadd.f32 v3, v2;
	v15 =	vadd.f32 v4, v2  }
0xfb: {  	v17 =	vld [tilespmem:s1+$0xC8B0];
	v3 =	vperm.xlane v0, v7;
	v14 =	vadd.f32 v5, v2;
	v13 =	vadd.f32 v6, v2  }
0xfc: {  	v18 =	vld [tilespmem:s1+$0xC8C0];
	v5 =	vperm.xlane v0, v8;
	v6 =	vperm.xlane v0, v9;
	v4 =	vadd.f32 v10, v2  }
0xfd: {  	v19 =	vld [tilespmem:s1+$0xC8D0];
	v7 =	vimm.f32 $0.0e+00;
	v8 =	vimm.f32 $0.0e+00;
	v11 =	vadd.f32 v3, v2  }
0xfe: {  	v9 =	vimm.f32 $0.0e+00;
	v12 =	vadd.f32 v5, v2;
	v3 =	vadd.f32 v20, v2;
	v20 =	vld [tilespmem:s1+$0xC8E0]  }
0xff: {  	s3 =	simm.s32 $0x400;
	s0 =	simm.s32 $0x80;
	v10 =	vadd.f32 v6, v2;
	v5 =	vadd.f32 v21, v2;
	v21 =	vld [tilespmem:s1+$0xC8F0];
	v6 =	vimm.f32 $0.0e+00  }
.LBB2_10:
0x100: {  	p0 =	sne.s32 s3, $0x18E00;
	v22 =	vld [tilespmem:s0+$0xF0];
	v2 =	vadd.f32 v17, v2  }
0x101: {  	v17 =	vld [tilespmem:s0+$0x80];
	v7 =	vadd.f32 v18, v7  }
0x102: {  	v18 =	vld [tilespmem:s0+$0x90];
	v8 =	vadd.f32 v19, v8  }
0x103: {  	v19 =	vld [tilespmem:s0+$0xA0];
	v9 =	vadd.f32 v20, v9  }
0x104: {  	v20 =	vld [tilespmem:s0+$0xB0];
	v6 =	vadd.f32 v21, v6  }
0x105: {  	v21 =	vld [tilespmem:s0+$0xC0];
	v22 =	vperm.xlane v0, v22  }
0x106: {  	v17 =	vperm.xlane v0, v17;
	v23 =	vld [tilespmem:s0+$0xD0]  }
0x107: {  	v18 =	vperm.xlane v0, v18;
	v24 =	vld [tilespmem:s0+$0xE0];
	v1 =	vadd.f32 v22, v1  }
0x108: {  	v22 =	vld [tilespmem:s0+$0xC880];
	v16 =	vadd.f32 v17, v16;
	v17 =	vperm.xlane v0, v19  }
0x109: {  	v25 =	vld [tilespmem:s0+$0xC890];
	v15 =	vadd.f32 v18, v15;
	v18 =	vperm.xlane v0, v20  }
0x10a: {  	v26 =	vld [tilespmem:s0+$0xC8A0];
	v14 =	vadd.f32 v17, v14;
	v19 =	vperm.xlane v0, v21  }
.Ltmp4:
0x10b: {  	v17 =	vld [tilespmem:s0+$0xC8B0];
	v13 =	vadd.f32 v18, v13;
	v20 =	vperm.xlane v0, v23;
	(pc) =	sbr.rel @p0 .LBB2_10-.Ltmp4, $4  }
0x10c: {  	v18 =	vld [tilespmem:s0+$0xC8C0];
	v11 =	vadd.f32 v19, v11;
	v21 =	vperm.xlane v0, v24  }
0x10d: {  	v4 =	vadd.f32 v22, v4;
	v19 =	vld [tilespmem:s0+$0xC8D0];
	v12 =	vadd.f32 v20, v12  }
0x10e: {  	v3 =	vadd.f32 v25, v3;
	v20 =	vld [tilespmem:s0+$0xC8E0];
	v10 =	vadd.f32 v21, v10  }
0x10f: {  	v5 =	vadd.f32 v26, v5;
	v21 =	vld [tilespmem:s0+$0xC8F0];
	s0 =	sshra.s32 s3, $0x2;
	s3 =	sadd.s32 $0x200, s3  }
0x110: {  	v22 =	vld [tilespmem:s0+$0x80]  }
0x111: {  	v23 =	vld [tilespmem:s0+$0x90]  }
0x112: {  	v24 =	vld [tilespmem:s0+$0xA0]  }
0x113: {  	v25 =	vld [tilespmem:s0+$0xB0]  }
0x114: {  	v26 =	vld [tilespmem:s0+$0xC0]  }
0x115: {  	v27 =	vld [tilespmem:s0+$0xD0];
	v22 =	vperm.xlane v0, v22  }
0x116: {  	v28 =	vld [tilespmem:s0+$0xE0];
	v23 =	vperm.xlane v0, v23  }
0x117: {  	v59 =	vld [tilespmem:s0+$0xF0];
	v24 =	vperm.xlane v0, v24;
	v16 =	vadd.f32 v22, v16  }
0x118: {  	v60 =	vld [tilespmem:s0+$0xC880];
	v2 =	vadd.f32 v17, v2;
	v25 =	vperm.xlane v0, v25;
	v15 =	vadd.f32 v23, v15  }
0x119: {  	v17 =	vld [tilespmem:s0+$0xC8D0];
	v61 =	vperm.xlane v0, v26;
	v14 =	vadd.f32 v24, v14;
	(erf) = vrcp.f32 v16  }
0x11a: {  	v62 =	vperm.xlane v0, v27;
	v13 =	vadd.f32 v25, v13;
	v16 =	vld [tilespmem:s0+$0xC890];
	(erf) = vrcp.f32 v15  }
0x11b: {  	v63 =	vperm.xlane v0, v28;
	v11 =	vadd.f32 v61, v11;
	v15 =	vld [tilespmem:s0+$0xC8A0];
	(erf) = vrcp.f32 v14  }
0x11c: {  	v12 =	vadd.f32 v62, v12;
	v22 =	vperm.xlane v0, v59;
	v14 =	vld [tilespmem:s0+$0xC8B0];
	(erf) = vrcp.f32 v13  }
0x11d: {  	v7 =	vadd.f32 v18, v7;
	v10 =	vadd.f32 v63, v10;
	v13 =	vld [tilespmem:s0+$0xC8C0];
	(erf) = vrcp.f32 v11  }
0x11e: {  	v4 =	vadd.f32 v60, v4;
	v1 =	vadd.f32 v22, v1;
	v11 =	vld [tilespmem:s0+$0xC8E0];
	(erf) = vrcp.f32 v12  }
0x11f: {  	v8 =	vadd.f32 v19, v8;
	v9 =	vadd.f32 v20, v9;
	(erf) = vrcp.f32 v10  }
0x120: {  	v4 =	vsub.f32 $0.0e+00, v4;
	v12 =	vld [tilespmem:s0+$0xC8F0];
	s0 =	simm.s32 $0x0;
	v10 =	vadd.f32 v21, v6;
	(erf) = vrcp.f32 v1  }
0x121: {  	v15 =	vadd.f32 v15, v5;
	v5 =	vld [tilespmem:s0+$0xC880];
	v1 =	vadd.f32 v16, v3  }
0x122: {  	v19 =	vld [tilespmem:s0+$0x80];
	v2 =	vadd.f32 v14, v2;
	v14 =	vadd.f32 v17, v8;
	v16 =	vpop (erf)  }
0x123: {  	v6 =	vld [tilespmem:s0+$0xC890];
	v7 =	vadd.f32 v13, v7;
	v11 =	vadd.f32 v11, v9;
	v13 =	vpop (erf)  }
0x124: {  	v3 =	vld [tilespmem:s0+$0xC8A0];
	v8 =	vsub.f32 $0.0e+00, v1;
	v14 =	vsub.f32 $0.0e+00, v14;
	v9 =	vpop (erf)  }
0x125: {  	v1 =	vld [tilespmem:s0+$0xC8B0];
	v18 =	vadd.f32 v12, v10;
	v10 =	vsub.f32 $0.0e+00, v15;
	v17 =	vpop (erf)  }
0x126: {  	v2 =	vsub.f32 $0.0e+00, v2;
	v12 =	vmul.f32 v16, v4;
	v8 =	vmul.f32 v13, v8;
	v13 =	vld [tilespmem:s0+$0x90];
	v15 =	vpop (erf)  }
0x127: {  	v7 =	vsub.f32 $0.0e+00, v7;
	v16 =	vld [tilespmem:s0+$0xA0];
	v19 =	vperm.xlane v0, v19;
	v9 =	vmul.f32 v9, v10;
	v4 =	vpop (erf)  }
0x128: {  	v18 =	vsub.f32 $0.0e+00, v18;
	v10 =	vmul.f32 v17, v2;
	v2 =	vsub.f32 $0.0e+00, v11;
	v17 =	vld [tilespmem:s0+$0xB0];
	v20 =	vpop (erf)  }
0x129: {  	v11 =	vmul.f32 v15, v7;
	v15 =	vld [tilespmem:s0+$0xC0];
	v7 =	vmul.f32 v4, v14;
	v14 =	vpop (erf)  }
0x12a: {  	v4 =	vmul.f32 v20, v2;
	v2 =	vmul.f32 v14, v18;
	v14 =	vld [tilespmem:s0+$0xD0]  }
0x12b: {  	s3 =	simm.s32 $0x200;
	v18 =	vperm.xlane v0, v13;
	v13 =	vld [tilespmem:s0+$0xE0]  }
.LBB2_12:
0x12c: {  	p0 =	sne.s32 s3, $0x18E00;
	v19 =	vmul.f32 v19, v12;
	v16 =	vperm.xlane v0, v16;
	v20 =	vld [tilespmem:s0+$0xF0]  }
0x12d: {  	v18 =	vmul.f32 v18, v8;
	v17 =	vperm.xlane v0, v17;
	v21 =	vld [tilespmem:s0+$0xC8C0]  }
0x12e: {  	v5 =	vadd.f32 v19, v5;
	v16 =	vmul.f32 v16, v9;
	v15 =	vperm.xlane v0, v15;
	v19 =	vld [tilespmem:s0+$0xC8D0]  }
0x12f: {  	v6 =	vadd.f32 v18, v6;
	v17 =	vmul.f32 v17, v10;
	v14 =	vperm.xlane v0, v14;
	v18 =	vld [tilespmem:s0+$0xC8E0]  }
0x130: {  	s1 =	sshra.s32 s3, $0x2;
	[tilespmem:s0+$0x80] =	vst v5;
	v3 =	vadd.f32 v16, v3;
	v15 =	vmul.f32 v15, v11;
	v13 =	vperm.xlane v0, v13;
	v16 =	vld [tilespmem:s0+$0xC8F0]  }
0x131: {  	v5 =	vld [tilespmem:s1+$0xC880];
	[tilespmem:s0+$0x90] =	vst v6;
	v1 =	vadd.f32 v17, v1;
	v14 =	vmul.f32 v14, v7;
	v17 =	vperm.xlane v0, v20  }
0x132: {  	v6 =	vld [tilespmem:s1+$0xC890];
	[tilespmem:s0+$0xA0] =	vst v3;
	v15 =	vadd.f32 v15, v21;
	v13 =	vmul.f32 v13, v4  }
0x133: {  	v3 =	vld [tilespmem:s1+$0xC8A0];
	[tilespmem:s0+$0xB0] =	vst v1;
	v14 =	vadd.f32 v14, v19;
	v17 =	vmul.f32 v17, v2  }
0x134: {  	v1 =	vld [tilespmem:s1+$0xC8B0];
	[tilespmem:s0+$0xC0] =	vst v15;
	v13 =	vadd.f32 v13, v18  }
0x135: {  	v18 =	vld [tilespmem:s1+$0x80];
	[tilespmem:s0+$0xD0] =	vst v14;
	v14 =	vadd.f32 v17, v16  }
0x136: {  	v20 =	vld [tilespmem:s1+$0x90];
	[tilespmem:s0+$0xE0] =	vst v13  }
.Ltmp5:
0x137: {  	v16 =	vld [tilespmem:s1+$0xA0];
	[tilespmem:s0+$0xF0] =	vst v14;
	s0 =	smov.u32 s1;
	(pc) =	sbr.rel @p0 .LBB2_12-.Ltmp5, $4  }
0x138: {  	v17 =	vld [tilespmem:s0+$0xB0]  }
0x139: {  	v15 =	vld [tilespmem:s0+$0xC0]  }
0x13a: {  	v19 =	vperm.xlane v0, v18;
	v14 =	vld [tilespmem:s0+$0xD0]  }
0x13b: {  	s3 =	sadd.s32 $0x200, s3;
	v18 =	vperm.xlane v0, v20;
	v13 =	vld [tilespmem:s0+$0xE0]  }
0x13c: {  	v12 =	vmul.f32 v19, v12;
	v19 =	vld [tilespmem:s0+$0xF0];
	v16 =	vperm.xlane v0, v16  }
0x13d: {  	v20 =	vld [tilespmem:s0+$0xC8C0];
	v8 =	vmul.f32 v18, v8;
	v17 =	vperm.xlane v0, v17  }
0x13e: {  	v5 =	vadd.f32 v12, v5;
	v12 =	vld [tilespmem:s0+$0xC8D0];
	v9 =	vmul.f32 v16, v9;
	v15 =	vperm.xlane v0, v15  }
0x13f: {  	v16 =	vld [tilespmem:s0+$0xC8E0];
	v6 =	vadd.f32 v8, v6;
	v8 =	vmul.f32 v17, v10;
	v10 =	vperm.xlane v0, v14  }
0x140: {  	[tilespmem:s0+$0x80] =	vst v5;
	v3 =	vadd.f32 v9, v3;
	v5 =	vmul.f32 v15, v11;
	v9 =	vperm.xlane v0, v13;
	v11 =	vld [tilespmem:s0+$0xC8F0]  }
0x141: {  	[tilespmem:s0+$0x90] =	vst v6;
	v1 =	vadd.f32 v8, v1;
	v6 =	vmul.f32 v10, v7;
	v7 =	vperm.xlane v0, v19  }
0x142: {  	[tilespmem:s0+$0xA0] =	vst v3;
	v3 =	vadd.f32 v5, v20;
	v4 =	vmul.f32 v9, v4  }
0x143: {  	[tilespmem:s0+$0xB0] =	vst v1;
	v1 =	vadd.f32 v6, v12;
	v2 =	vmul.f32 v7, v2  }
0x144: {  	[tilespmem:s0+$0xC0] =	vst v3;
	v3 =	vadd.f32 v4, v16  }
0x145: {  	[tilespmem:s0+$0xD0] =	vst v1;
	v1 =	vadd.f32 v2, v11  }
0x146: {  	[tilespmem:s0+$0xE0] =	vst v3  }
0x147: {  	[tilespmem:s0+$0xF0] =	vst v1  }
0x148: {  	[hbm4b:s14+s17] =	stream.strided.scatter [tilespmem:s19], [sflag:$0x5], $0x6400, s18, s17, $0x38;
	[tilespmem:$0x19080] =	vst v63  }
0x149: {  	_ =	swait.ge [sflag:s28], $0x6400  }
0x14a: {  	[sflag:s28] =	ssyncset.done $0x0  }
0x14b: {  	[sflag:s28] =	ssyncadd.s32 $0xFFFF9C00  }
0x14c: {  	_ =	swait.ge [sflag:s29], $0x6400  }
0x14d: {  	[sflag:s29] =	ssyncset.done $0x0  }
0x14e: {  	s1 =	simm.s32 $0x0;
	[sflag:s29] =	ssyncadd.s32 $0xFFFF9C00  }
0x14f: {  	v1 =	vld [tilespmem:s1+$0x64F0]  }
0x150: {  	v3 =	vld [tilespmem:s1+$0x6480]  }
0x151: {  	v4 =	vld [tilespmem:s1+$0x6490]  }
0x152: {  	v5 =	vld [tilespmem:s1+$0x64A0]  }
0x153: {  	v6 =	vld [tilespmem:s1+$0x64B0]  }
0x154: {  	v7 =	vld [tilespmem:s1+$0x64C0]  }
0x155: {  	v8 =	vld [tilespmem:s1+$0x64D0]  }
0x156: {  	v9 =	vld [tilespmem:s1+$0x64E0]  }
0x157: {  	v10 =	vld [tilespmem:s1+$0x12C80];
	v1 =	vperm.xlane v0, v1  }
0x158: {  	v2 =	vimm.f32 $0.0e+00;
	v3 =	vperm.xlane v0, v3;
	v4 =	vperm.xlane v0, v4  }
0x159: {  	v20 =	vld [tilespmem:s1+$0x12C90];
	v5 =	vperm.xlane v0, v5;
	v6 =	vperm.xlane v0, v6;
	v1 =	vadd.f32 v1, v2  }
0x15a: {  	v21 =	vld [tilespmem:s1+$0x12CA0];
	v16 =	vadd.f32 v3, v2;
	v15 =	vadd.f32 v4, v2  }
0x15b: {  	v17 =	vld [tilespmem:s1+$0x12CB0];
	v3 =	vperm.xlane v0, v7;
	v14 =	vadd.f32 v5, v2;
	v13 =	vadd.f32 v6, v2  }
0x15c: {  	v18 =	vld [tilespmem:s1+$0x12CC0];
	v5 =	vperm.xlane v0, v8;
	v6 =	vperm.xlane v0, v9;
	v4 =	vadd.f32 v10, v2  }
0x15d: {  	v19 =	vld [tilespmem:s1+$0x12CD0];
	v7 =	vimm.f32 $0.0e+00;
	v8 =	vimm.f32 $0.0e+00;
	v11 =	vadd.f32 v3, v2  }
0x15e: {  	v9 =	vimm.f32 $0.0e+00;
	v12 =	vadd.f32 v5, v2;
	v3 =	vadd.f32 v20, v2;
	v20 =	vld [tilespmem:s1+$0x12CE0]  }
0x15f: {  	s3 =	simm.s32 $0x400;
	s0 =	simm.s32 $0x80;
	v10 =	vadd.f32 v6, v2;
	v5 =	vadd.f32 v21, v2;
	v21 =	vld [tilespmem:s1+$0x12CF0];
	v6 =	vimm.f32 $0.0e+00  }
.LBB2_14:
0x160: {  	p0 =	sne.s32 s3, $0x18E00;
	v22 =	vld [tilespmem:s0+$0x64F0];
	v2 =	vadd.f32 v17, v2  }
0x161: {  	v17 =	vld [tilespmem:s0+$0x6480];
	v7 =	vadd.f32 v18, v7  }
0x162: {  	v18 =	vld [tilespmem:s0+$0x6490];
	v8 =	vadd.f32 v19, v8  }
0x163: {  	v19 =	vld [tilespmem:s0+$0x64A0];
	v9 =	vadd.f32 v20, v9  }
0x164: {  	v20 =	vld [tilespmem:s0+$0x64B0];
	v6 =	vadd.f32 v21, v6  }
0x165: {  	v21 =	vld [tilespmem:s0+$0x64C0];
	v22 =	vperm.xlane v0, v22  }
0x166: {  	v17 =	vperm.xlane v0, v17;
	v23 =	vld [tilespmem:s0+$0x64D0]  }
0x167: {  	v18 =	vperm.xlane v0, v18;
	v24 =	vld [tilespmem:s0+$0x64E0];
	v1 =	vadd.f32 v22, v1  }
0x168: {  	v22 =	vld [tilespmem:s0+$0x12C80];
	v16 =	vadd.f32 v17, v16;
	v17 =	vperm.xlane v0, v19  }
0x169: {  	v25 =	vld [tilespmem:s0+$0x12C90];
	v15 =	vadd.f32 v18, v15;
	v18 =	vperm.xlane v0, v20  }
0x16a: {  	v26 =	vld [tilespmem:s0+$0x12CA0];
	v14 =	vadd.f32 v17, v14;
	v19 =	vperm.xlane v0, v21  }
.Ltmp6:
0x16b: {  	v17 =	vld [tilespmem:s0+$0x12CB0];
	v13 =	vadd.f32 v18, v13;
	v20 =	vperm.xlane v0, v23;
	(pc) =	sbr.rel @p0 .LBB2_14-.Ltmp6, $4  }
0x16c: {  	v18 =	vld [tilespmem:s0+$0x12CC0];
	v11 =	vadd.f32 v19, v11;
	v21 =	vperm.xlane v0, v24  }
0x16d: {  	v4 =	vadd.f32 v22, v4;
	v19 =	vld [tilespmem:s0+$0x12CD0];
	v12 =	vadd.f32 v20, v12  }
0x16e: {  	v3 =	vadd.f32 v25, v3;
	v20 =	vld [tilespmem:s0+$0x12CE0];
	v10 =	vadd.f32 v21, v10  }
0x16f: {  	v5 =	vadd.f32 v26, v5;
	v21 =	vld [tilespmem:s0+$0x12CF0];
	s0 =	sshra.s32 s3, $0x2;
	s3 =	sadd.s32 $0x200, s3  }
0x170: {  	v22 =	vld [tilespmem:s0+$0x6480]  }
0x171: {  	v23 =	vld [tilespmem:s0+$0x6490]  }
0x172: {  	v24 =	vld [tilespmem:s0+$0x64A0]  }
0x173: {  	v25 =	vld [tilespmem:s0+$0x64B0]  }
0x174: {  	v26 =	vld [tilespmem:s0+$0x64C0]  }
0x175: {  	v27 =	vld [tilespmem:s0+$0x64D0];
	v22 =	vperm.xlane v0, v22  }
0x176: {  	v28 =	vld [tilespmem:s0+$0x64E0];
	v23 =	vperm.xlane v0, v23  }
0x177: {  	v59 =	vld [tilespmem:s0+$0x64F0];
	v24 =	vperm.xlane v0, v24;
	v16 =	vadd.f32 v22, v16  }
0x178: {  	v60 =	vld [tilespmem:s0+$0x12C80];
	v2 =	vadd.f32 v17, v2;
	v25 =	vperm.xlane v0, v25;
	v15 =	vadd.f32 v23, v15  }
0x179: {  	v17 =	vld [tilespmem:s0+$0x12CD0];
	v61 =	vperm.xlane v0, v26;
	v14 =	vadd.f32 v24, v14;
	(erf) = vrcp.f32 v16  }
0x17a: {  	v62 =	vperm.xlane v0, v27;
	v13 =	vadd.f32 v25, v13;
	v16 =	vld [tilespmem:s0+$0x12C90];
	(erf) = vrcp.f32 v15  }
0x17b: {  	v63 =	vperm.xlane v0, v28;
	v11 =	vadd.f32 v61, v11;
	v15 =	vld [tilespmem:s0+$0x12CA0];
	(erf) = vrcp.f32 v14  }
0x17c: {  	v12 =	vadd.f32 v62, v12;
	v22 =	vperm.xlane v0, v59;
	v14 =	vld [tilespmem:s0+$0x12CB0];
	(erf) = vrcp.f32 v13  }
0x17d: {  	v7 =	vadd.f32 v18, v7;
	v10 =	vadd.f32 v63, v10;
	v13 =	vld [tilespmem:s0+$0x12CC0];
	(erf) = vrcp.f32 v11  }
0x17e: {  	v4 =	vadd.f32 v60, v4;
	v1 =	vadd.f32 v22, v1;
	v11 =	vld [tilespmem:s0+$0x12CE0];
	(erf) = vrcp.f32 v12  }
0x17f: {  	v8 =	vadd.f32 v19, v8;
	v9 =	vadd.f32 v20, v9;
	(erf) = vrcp.f32 v10  }
0x180: {  	v4 =	vsub.f32 $0.0e+00, v4;
	v12 =	vld [tilespmem:s0+$0x12CF0];
	s0 =	simm.s32 $0x0;
	v10 =	vadd.f32 v21, v6;
	(erf) = vrcp.f32 v1  }
0x181: {  	v15 =	vadd.f32 v15, v5;
	v5 =	vld [tilespmem:s0+$0x12C80];
	v1 =	vadd.f32 v16, v3  }
0x182: {  	v19 =	vld [tilespmem:s0+$0x6480];
	v2 =	vadd.f32 v14, v2;
	v14 =	vadd.f32 v17, v8;
	v16 =	vpop (erf)  }
0x183: {  	v6 =	vld [tilespmem:s0+$0x12C90];
	v7 =	vadd.f32 v13, v7;
	v11 =	vadd.f32 v11, v9;
	v13 =	vpop (erf)  }
0x184: {  	v3 =	vld [tilespmem:s0+$0x12CA0];
	v8 =	vsub.f32 $0.0e+00, v1;
	v14 =	vsub.f32 $0.0e+00, v14;
	v9 =	vpop (erf)  }
0x185: {  	v1 =	vld [tilespmem:s0+$0x12CB0];
	v18 =	vadd.f32 v12, v10;
	v10 =	vsub.f32 $0.0e+00, v15;
	v17 =	vpop (erf)  }
0x186: {  	v2 =	vsub.f32 $0.0e+00, v2;
	v12 =	vmul.f32 v16, v4;
	v8 =	vmul.f32 v13, v8;
	v13 =	vld [tilespmem:s0+$0x6490];
	v15 =	vpop (erf)  }
0x187: {  	v7 =	vsub.f32 $0.0e+00, v7;
	v16 =	vld [tilespmem:s0+$0x64A0];
	v19 =	vperm.xlane v0, v19;
	v9 =	vmul.f32 v9, v10;
	v4 =	vpop (erf)  }
0x188: {  	v18 =	vsub.f32 $0.0e+00, v18;
	v10 =	vmul.f32 v17, v2;
	v2 =	vsub.f32 $0.0e+00, v11;
	v17 =	vld [tilespmem:s0+$0x64B0];
	v20 =	vpop (erf)  }
0x189: {  	v11 =	vmul.f32 v15, v7;
	v15 =	vld [tilespmem:s0+$0x64C0];
	v7 =	vmul.f32 v4, v14;
	v14 =	vpop (erf)  }
0x18a: {  	v4 =	vmul.f32 v20, v2;
	v2 =	vmul.f32 v14, v18;
	v14 =	vld [tilespmem:s0+$0x64D0]  }
0x18b: {  	s3 =	simm.s32 $0x200;
	v18 =	vperm.xlane v0, v13;
	v13 =	vld [tilespmem:s0+$0x64E0]  }
.LBB2_16:
0x18c: {  	p0 =	sne.s32 s3, $0x18E00;
	v19 =	vmul.f32 v19, v12;
	v16 =	vperm.xlane v0, v16;
	v20 =	vld [tilespmem:s0+$0x64F0]  }
0x18d: {  	v18 =	vmul.f32 v18, v8;
	v17 =	vperm.xlane v0, v17;
	v21 =	vld [tilespmem:s0+$0x12CC0]  }
0x18e: {  	v5 =	vadd.f32 v19, v5;
	v16 =	vmul.f32 v16, v9;
	v15 =	vperm.xlane v0, v15;
	v19 =	vld [tilespmem:s0+$0x12CD0]  }
0x18f: {  	v6 =	vadd.f32 v18, v6;
	v17 =	vmul.f32 v17, v10;
	v14 =	vperm.xlane v0, v14;
	v18 =	vld [tilespmem:s0+$0x12CE0]  }
0x190: {  	s1 =	sshra.s32 s3, $0x2;
	[tilespmem:s0+$0x6480] =	vst v5;
	v3 =	vadd.f32 v16, v3;
	v15 =	vmul.f32 v15, v11;
	v13 =	vperm.xlane v0, v13;
	v16 =	vld [tilespmem:s0+$0x12CF0]  }
0x191: {  	v5 =	vld [tilespmem:s1+$0x12C80];
	[tilespmem:s0+$0x6490] =	vst v6;
	v1 =	vadd.f32 v17, v1;
	v14 =	vmul.f32 v14, v7;
	v17 =	vperm.xlane v0, v20  }
0x192: {  	v6 =	vld [tilespmem:s1+$0x12C90];
	[tilespmem:s0+$0x64A0] =	vst v3;
	v15 =	vadd.f32 v15, v21;
	v13 =	vmul.f32 v13, v4  }
0x193: {  	v3 =	vld [tilespmem:s1+$0x12CA0];
	[tilespmem:s0+$0x64B0] =	vst v1;
	v14 =	vadd.f32 v14, v19;
	v17 =	vmul.f32 v17, v2  }
0x194: {  	v1 =	vld [tilespmem:s1+$0x12CB0];
	[tilespmem:s0+$0x64C0] =	vst v15;
	v13 =	vadd.f32 v13, v18  }
0x195: {  	v18 =	vld [tilespmem:s1+$0x6480];
	[tilespmem:s0+$0x64D0] =	vst v14;
	v14 =	vadd.f32 v17, v16  }
0x196: {  	v20 =	vld [tilespmem:s1+$0x6490];
	[tilespmem:s0+$0x64E0] =	vst v13  }
.Ltmp7:
0x197: {  	v16 =	vld [tilespmem:s1+$0x64A0];
	[tilespmem:s0+$0x64F0] =	vst v14;
	s0 =	smov.u32 s1;
	(pc) =	sbr.rel @p0 .LBB2_16-.Ltmp7, $4  }
0x198: {  	v17 =	vld [tilespmem:s0+$0x64B0]  }
0x199: {  	v15 =	vld [tilespmem:s0+$0x64C0]  }
0x19a: {  	v19 =	vperm.xlane v0, v18;
	v14 =	vld [tilespmem:s0+$0x64D0]  }
0x19b: {  	s3 =	sadd.s32 $0x200, s3;
	v18 =	vperm.xlane v0, v20;
	v13 =	vld [tilespmem:s0+$0x64E0]  }
0x19c: {  	v12 =	vmul.f32 v19, v12;
	v51 =	vld [tilespmem:s0+$0x64F0];
	v16 =	vperm.xlane v0, v16  }
0x19d: {  	v20 =	vld [tilespmem:s0+$0x12CC0];
	v8 =	vmul.f32 v18, v8;
	v17 =	vperm.xlane v0, v17  }
0x19e: {  	v52 =	vld [tilespmem:s0+$0x12CD0];
	v5 =	vadd.f32 v12, v5;
	v9 =	vmul.f32 v16, v9;
	v15 =	vperm.xlane v0, v15  }
0x19f: {  	v53 =	vld [tilespmem:s0+$0x12CE0];
	v6 =	vadd.f32 v8, v6;
	v54 =	vmul.f32 v17, v10;
	v55 =	vperm.xlane v0, v14  }
0x1a0: {  	v58 =	vld [tilespmem:s0+$0x12CF0];
	[tilespmem:s0+$0x6480] =	vst v5;
	v3 =	vadd.f32 v9, v3;
	v56 =	vmul.f32 v15, v11;
	v57 =	vperm.xlane v0, v13  }
0x1a1: {  	[tilespmem:s0+$0x6490] =	vst v6;
	v1 =	vadd.f32 v54, v1;
	v59 =	vmul.f32 v55, v7;
	v60 =	vperm.xlane v0, v51  }
0x1a2: {  	[tilespmem:s0+$0x64A0] =	vst v3;
	v61 =	vadd.f32 v56, v20;
	v4 =	vmul.f32 v57, v4  }
0x1a3: {  	[tilespmem:s0+$0x64B0] =	vst v1;
	v62 =	vadd.f32 v59, v52;
	v0 =	vmul.f32 v60, v2  }
0x1a4: {  	[tilespmem:s0+$0x64C0] =	vst v61;
	v63 =	vadd.f32 v4, v53  }
0x1a5: {  	[tilespmem:s0+$0x64D0] =	vst v62;
	v0 =	vadd.f32 v0, v58  }
0x1a6: {  	[tilespmem:s0+$0x64E0] =	vst v63  }
0x1a7: {  	s31 =	sadd.s32 $0x1, s31;
	[tilespmem:s0+$0x64F0] =	vst v0  }
0x1a8: {  	[hbm4b:s15+s17] =	stream.strided.scatter [tilespmem:s22], [sflag:$0x6], $0x6400, s18, s17, $0x38;
	[tilespmem:$0x19080] =	vst v63  }
0x1a9: {  	p0 =	sne.s32 s31, s16;
	_ =	swait.ge [sflag:s26], $0x6400  }
.Ltmp8:
0x1aa: {  	[sflag:s26] =	ssyncset.done $0x0;
	(pc) =	sbr.rel @p0 .LBB2_1-.Ltmp8, $4  }
0x1ab: {  	[sflag:s26] =	ssyncadd.s32 $0xFFFF9C00  }
0x1ac: {  	_ =	swait.ge [sflag:s30], $0x6400  }
0x1ad: {  	[sflag:s30] =	ssyncset.done $0x0  }
0x1ae: {  	[sflag:s30] =	ssyncadd.s32 $0xFFFF9C00  }
0x1af: {  	_ =	sfence.sel $0x180000  }
0x1b0: {  	[bflag:$0x0] =	sbarrier.arrive $0xFFFF  }
0x1b1: {  	_ =	strace $0x90000047  }
0x1b2: {  	s0 =	stileid.u32;
	[bflag:$0x2] =	sbarrier.arrive $0xFFFF  }
0x1b3: {  	p0 =	sne.s32 s0, $0x0;
	s0 =	rddreg [dreg:$0x4]  }
0x1b4: {  	s0 =	sadd.s32 @!p0 $0x100000, s0  }
0x1b5: {  	[sflag:s0] =	ssyncadd.tile.s32 @!p0 $0x1;
	_ =	shalt  }
.Lfunc_end2:
_tile_overlayer_lowered:
.L_overlay_start_2:
0x1b6: {  	(tag) =	ssettag $0x2  }
0x1b7: {  	s0 =	rddreg [dreg:$0x0];
	s2 =	stileid.u32  }
0x1b8: {  	s1 =	rddreg [dreg:$0x1];
	p0 =	sne.s32 s2, $0x0  }
0x1b9: {  	s3 =	rddreg [dreg:$0x2];
	[bflag:$0x3] =	sbarrier.arrive $0xFFFF;
	s2 =	simm.s32 @!p0 $0x1C07  }
0x1ba: {  	[timem:s3], [sflag:s2] =	dma.local @!p0 [hbm:s0], s1  }
0x1bb: {  	s0 =	simm.s32 @!p0 $0x7  }
0x1bc: {  	_ =	swait.ge @!p0 [sflag:s0], s1  }
0x1bd: {  	s1 =	ssub.s32 @!p0 $0x0, s1;
	[sflag:s0] =	ssyncset.done @!p0 $0x0  }
0x1be: {  	[sflag:s0] =	ssyncadd.s32 @!p0 s1  }
0x1bf: {  	[bflag:$0x3] =	sbarrier.arrive $0xFFFF  }
0x1c0: {  	_ =	shalt  }

</sc_bundles>
